<compile_context>
chip_gen: v7x
topology: tpu7x:2x2x1
jax: 0.10.2.dev20260603
libtpu: 0.0.44.dev20260713+nightly
codegen_flags: <defaults>
</compile_context>

<pallas_src>
import functools

import jax
import jax.numpy as jnp
from jax import lax
from jax.experimental import pallas as pl
from jax.experimental.pallas import tpu as pltpu
from jax.experimental.pallas import tpu_sc as plsc

VOCAB = 3000000
DIM = 300
LANES = 16
NC, NS = 2, 16
VB = 8192
GRID = 368
GRIDH = GRID // 2
CLEN = GRID * VB
REG = CLEN // 4
TRASH = 128
SCHUNK = 128
ZLEN = 8192
CSTAGE = 16384
N_IDX = 1024 * 200
NPT = N_IDX // NS


def _counts_call(p):
    mesh = plsc.VectorSubcoreMesh(
        core_axis_name="c", subcore_axis_name="s",
        num_cores=NC, num_subcores=NS)
    zchunks, zrem = divmod(REG // NS, ZLEN)
    wchunks, wrem = divmod(REG // NS, CSTAGE)

    @functools.partial(
        pl.kernel,
        out_type=jax.ShapeDtypeStruct((2 * REG,), jnp.float32),
        mesh=mesh,
        scratch_types=[
            pltpu.VMEM((NPT,), jnp.int32),
            pltpu.VMEM((NPT // 128, 128), jnp.int32),
            pltpu.VMEM((SCHUNK,), jnp.float32),
            pltpu.VMEM((ZLEN,), jnp.float32),
            pltpu.VMEM((CSTAGE,), jnp.float32),
            pltpu.VMEM_SHARED((REG + TRASH,), jnp.float32),
        ],
    )
    def counts_sc(xf, zeros_h, ones_h, c_out, idx_v, sidx_v, ones_v,
                  zbuf, cstage, csh):
        cid = lax.axis_index("c")
        sid = lax.axis_index("s")
        pltpu.sync_copy(xf.at[pl.ds(sid * NPT, NPT)], idx_v)
        pltpu.sync_copy(ones_h, ones_v)
        pltpu.sync_copy(zeros_h, zbuf)
        lane = lax.iota(jnp.int32, LANES)
        base_v = (p * NC + cid) * REG
        obase = cid * REG

        zoff = sid * (REG // NS)
        for j in range(zchunks):
            pltpu.sync_copy(zbuf, csh.at[pl.ds(zoff + j * ZLEN, ZLEN)])
        if zrem:
            pltpu.sync_copy(
                zbuf.at[pl.ds(0, zrem)],
                csh.at[pl.ds(zoff + zchunks * ZLEN, zrem)])

        @pl.when(sid == 0)
        def _():
            pltpu.sync_copy(zbuf.at[pl.ds(0, TRASH)],
                            csh.at[pl.ds(REG, TRASH)])

        def remap(i, carry):
            v = idx_v[pl.ds(i * LANES, LANES)]
            inr = jnp.logical_and(v >= base_v, v < base_v + REG)
            trash = REG + ((i * LANES + lane) & (TRASH - 1))
            sp = jnp.where(inr, v - base_v, trash)
            sidx_v[i // 8, pl.ds((i % 8) * LANES, LANES)] = sp
            return carry

        lax.fori_loop(0, NPT // LANES, remap, 0)
        plsc.subcore_barrier()

        def scat(j, carry):
            pltpu.sync_copy(ones_v, csh.at[sidx_v.at[j]], add=True)
            return carry

        lax.fori_loop(0, NPT // SCHUNK, scat, 0)
        plsc.subcore_barrier()

        woff = sid * (REG // NS)
        pltpu.sync_copy(csh.at[pl.ds(woff, REG // NS)],
                        c_out.at[pl.ds(obase + woff, REG // NS)])

    return counts_sc


def _matvec(tt, ch, h):
    nch = VB // 128
    ngrid = GRIDH if h == 0 else GRIDH - 1
    gfull = (VOCAB // VB) - h * GRIDH

    def chunk_sum(t, cb):
        con = t[:, 0:128] * jnp.broadcast_to(cb[0:1, :], (DIM, 128))
        for k in range(1, nch):
            con += (t[:, k * 128:(k + 1) * 128]
                    * jnp.broadcast_to(cb[k:k + 1, :], (DIM, 128)))
        return con

    def body(t_ref, c_ref, out_ref):
        g = pl.program_id(0)

        @pl.when(g == 0)
        def _():
            out_ref[...] = jnp.zeros_like(out_ref)

        cb = c_ref[...].reshape(nch, 128)
        if h == 0:
            out_ref[...] += chunk_sum(t_ref[...], cb)
        else:
            @pl.when(g < gfull)
            def _():
                out_ref[...] += chunk_sum(t_ref[...], cb)

            @pl.when(g >= gfull)
            def _():
                valid = (lax.broadcasted_iota(jnp.int32, (DIM, VB), 1)
                         < VOCAB - (h * GRIDH + g) * VB)
                out_ref[...] += chunk_sum(
                    jnp.where(valid, t_ref[...], 0.0), cb)

    return pl.pallas_call(
        body,
        grid=(ngrid,),
        in_specs=[
            pl.BlockSpec((DIM, VB), lambda g: (0, h * GRIDH + g)),
            pl.BlockSpec((VB,), lambda g: (g,)),
        ],
        out_specs=pl.BlockSpec((DIM, 128), lambda g: (0, 0)),
        out_shape=jax.ShapeDtypeStruct((DIM, 128), jnp.float32),
    )(tt, ch)


def kernel(x, table, W, b):
    xf = x.reshape(-1).astype(jnp.int32)
    zeros_h = jnp.zeros((ZLEN,), jnp.float32)
    ones_h = jnp.ones((SCHUNK,), jnp.float32)
    tt = table.T
    c_lo = _counts_call(0)(xf, zeros_h, ones_h)
    c_hi = _counts_call(1)(xf, zeros_h, ones_h)
    acc = _matvec(tt, c_lo, 0) + _matvec(tt, c_hi, 1)
    s = jnp.sum(acc, axis=1)
    wsum = W[:, 0] + W[:, 1]
    return jnp.dot(s, wsum) / (x.size * 2) + jnp.mean(b)

# --- scband reference (transcript-rebuilt; emitter-appended) ---
"""Pipeline reference for scband-my-model-87522843560075 (READ-ONLY COPY).

The authoritative reference and input builder live on the scoring server;
editing this copy changes nothing except your own understanding.
"""

import jax, jax.numpy as jnp
import numpy as np

VOCAB = 3000000
DIM = 300

def setup_inputs(seed: int = 0) -> dict:
    key = jax.random.key(seed)
    k1, k2 = jax.random.split(key, 2)
    # forward input: indices into the 3M-row embedding table
    x = jax.random.randint(k1, (1024, 200), 0, VOCAB)
    # frozen embedding table (tf.Variable trainable=False). Use numpy RNG for fast
    # generation of the 3.6GB table.
    table = jnp.asarray(np.random.default_rng(0).standard_normal((VOCAB, DIM), dtype=np.float32))
    # Dense(2) params
    W = jax.random.normal(k2, (DIM, 2), dtype=jnp.float32) * 0.05
    b = jnp.zeros((2,), dtype=jnp.float32)
    return {"x": x, "table": table, "W": W, "b": b}

def reference(x, table, W, b):
    # tf.nn.embedding_lookup -> gather rows
    emb = jnp.take(table, x, axis=0)            # [B, L, 300]
    logits = jnp.dot(emb, W) + b                # [B, L, 2]
    output = jnp.mean(logits)                   # scalar
    return output

if __name__ == "__main__":
    import jax
    _d = setup_inputs()
    print(jax.jit(kernel)(*tuple(_d.values())))

</pallas_src>

<mosaic_0001>
#map = affine_map<(d0, d1) -> (0)>
module attributes {stable_mosaic.version = 14 : i64} {
  func.func @counts_sc(%arg0: i32, %arg1: i32, %arg2: memref<204800xi32, #tpu.memory_space<hbm>>, %arg3: memref<8192xf32, #tpu.memory_space<hbm>>, %arg4: memref<128xf32, #tpu.memory_space<hbm>>, %arg5: memref<1507328xf32, #tpu.memory_space<hbm>>, %arg6: memref<12800xi32, #tpu.memory_space<vmem>>, %arg7: memref<100x128xi32, #tpu.memory_space<vmem>>, %arg8: memref<128xf32, #tpu.memory_space<vmem>>, %arg9: memref<8192xf32, #tpu.memory_space<vmem>>, %arg10: memref<16384xf32, #tpu.memory_space<vmem>>, %arg11: memref<753792xf32, #tpu.memory_space<vmem_shared>>) attributes {dimension_semantics = [#tpu.dimension_semantics<core_parallel>, #tpu.dimension_semantics<subcore_parallel>], iteration_bounds = array<i64: 2, 16>, scalar_prefetch = 0 : i64, scratch_operands = 6 : i64, tpu.core_type = #tpu.core_type<sc_vector_subcore>, window_params = [{transform_indices = #map}, {transform_indices = #map}, {transform_indices = #map}, {transform_indices = #map}]} {
    %mul3A = arith.constant 12800 : i32
    %mul3A_0 = arith.muli %arg1, %mul3A : i32
    "tpu.region"() ({
      %run_scoped3A = tpu.sem_alloc : memref<!tpu.dma_semaphore, #tpu.memory_space<semaphore_mem>>
      %dma_start3A = tpu.memref_slice %arg2[%mul3A_0] : memref<204800xi32, #tpu.memory_space<hbm>> -> memref<12800xi32, #tpu.memory_space<hbm>>
      %dma_start3A_37 = tpu.memref_slice %arg2[%mul3A_0] : memref<204800xi32, #tpu.memory_space<hbm>> -> memref<12800xi32, #tpu.memory_space<hbm>>
      tpu.enqueue_dma source(%dma_start3A_37 : memref<12800xi32, #tpu.memory_space<hbm>>) target(%arg6 : memref<12800xi32, #tpu.memory_space<vmem>>) target_semaphore(%run_scoped3A : memref<!tpu.dma_semaphore, #tpu.memory_space<semaphore_mem>>)
      %dma_wait3A = tpu.memref_slice %arg2[%mul3A_0] : memref<204800xi32, #tpu.memory_space<hbm>> -> memref<12800xi32, #tpu.memory_space<hbm>>
      %dma_wait3A_38 = tpu.memref_slice %arg2[%mul3A_0] : memref<204800xi32, #tpu.memory_space<hbm>> -> memref<12800xi32, #tpu.memory_space<hbm>>
      tpu.wait_dma2 semaphore(%run_scoped3A : memref<!tpu.dma_semaphore, #tpu.memory_space<semaphore_mem>>) src(%dma_wait3A_38 : memref<12800xi32, #tpu.memory_space<hbm>>) dst(%arg6 : memref<12800xi32, #tpu.memory_space<vmem>>)
      tpu.yield
    }) : () -> ()
    "tpu.region"() ({
      %run_scoped3A = tpu.sem_alloc : memref<!tpu.dma_semaphore, #tpu.memory_space<semaphore_mem>>
      tpu.enqueue_dma source(%arg4 : memref<128xf32, #tpu.memory_space<hbm>>) target(%arg8 : memref<128xf32, #tpu.memory_space<vmem>>) target_semaphore(%run_scoped3A : memref<!tpu.dma_semaphore, #tpu.memory_space<semaphore_mem>>)
      tpu.wait_dma2 semaphore(%run_scoped3A : memref<!tpu.dma_semaphore, #tpu.memory_space<semaphore_mem>>) src(%arg4 : memref<128xf32, #tpu.memory_space<hbm>>) dst(%arg8 : memref<128xf32, #tpu.memory_space<vmem>>)
      tpu.yield
    }) : () -> ()
    "tpu.region"() ({
      %run_scoped3A = tpu.sem_alloc : memref<!tpu.dma_semaphore, #tpu.memory_space<semaphore_mem>>
      tpu.enqueue_dma source(%arg3 : memref<8192xf32, #tpu.memory_space<hbm>>) target(%arg9 : memref<8192xf32, #tpu.memory_space<vmem>>) target_semaphore(%run_scoped3A : memref<!tpu.dma_semaphore, #tpu.memory_space<semaphore_mem>>)
      tpu.wait_dma2 semaphore(%run_scoped3A : memref<!tpu.dma_semaphore, #tpu.memory_space<semaphore_mem>>) src(%arg3 : memref<8192xf32, #tpu.memory_space<hbm>>) dst(%arg9 : memref<8192xf32, #tpu.memory_space<vmem>>)
      tpu.yield
    }) : () -> ()
    %iota3A = tpu.iota {dimensions = array<i32: 0>} : vector<16xi32>
    %add3A = arith.constant 2 : i32
    %add3A_1 = arith.addi %add3A, %arg0 : i32
    %mul3A_2 = arith.constant 753664 : i32
    %mul3A_3 = arith.muli %add3A_1, %mul3A_2 : i32
    %mul3A_4 = arith.constant 753664 : i32
    %mul3A_5 = arith.muli %arg0, %mul3A_4 : i32
    %mul3A_6 = arith.constant 47104 : i32
    %mul3A_7 = arith.muli %arg1, %mul3A_6 : i32
    %add3A_8 = arith.constant 0 : i32
    %add3A_9 = arith.addi %mul3A_7, %add3A_8 : i32
    "tpu.region"() ({
      %run_scoped3A = tpu.sem_alloc : memref<!tpu.dma_semaphore, #tpu.memory_space<semaphore_mem>>
      %dma_start3A = tpu.memref_slice %arg11[%add3A_9] : memref<753792xf32, #tpu.memory_space<vmem_shared>> -> memref<8192xf32, #tpu.memory_space<vmem_shared>>
      %dma_start3A_37 = tpu.memref_slice %arg11[%add3A_9] : memref<753792xf32, #tpu.memory_space<vmem_shared>> -> memref<8192xf32, #tpu.memory_space<vmem_shared>>
      tpu.enqueue_dma source(%arg9 : memref<8192xf32, #tpu.memory_space<vmem>>) target(%dma_start3A_37 : memref<8192xf32, #tpu.memory_space<vmem_shared>>) target_semaphore(%run_scoped3A : memref<!tpu.dma_semaphore, #tpu.memory_space<semaphore_mem>>)
      %dma_wait3A = tpu.memref_slice %arg11[%add3A_9] : memref<753792xf32, #tpu.memory_space<vmem_shared>> -> memref<8192xf32, #tpu.memory_space<vmem_shared>>
      %dma_wait3A_38 = tpu.memref_slice %arg11[%add3A_9] : memref<753792xf32, #tpu.memory_space<vmem_shared>> -> memref<8192xf32, #tpu.memory_space<vmem_shared>>
      tpu.wait_dma2 semaphore(%run_scoped3A : memref<!tpu.dma_semaphore, #tpu.memory_space<semaphore_mem>>) src(%arg9 : memref<8192xf32, #tpu.memory_space<vmem>>) dst(%dma_wait3A_38 : memref<8192xf32, #tpu.memory_space<vmem_shared>>)
      tpu.yield
    }) : () -> ()
    %add3A_10 = arith.constant 8192 : i32
    %add3A_11 = arith.addi %mul3A_7, %add3A_10 : i32
    "tpu.region"() ({
      %run_scoped3A = tpu.sem_alloc : memref<!tpu.dma_semaphore, #tpu.memory_space<semaphore_mem>>
      %dma_start3A = tpu.memref_slice %arg11[%add3A_11] : memref<753792xf32, #tpu.memory_space<vmem_shared>> -> memref<8192xf32, #tpu.memory_space<vmem_shared>>
      %dma_start3A_37 = tpu.memref_slice %arg11[%add3A_11] : memref<753792xf32, #tpu.memory_space<vmem_shared>> -> memref<8192xf32, #tpu.memory_space<vmem_shared>>
      tpu.enqueue_dma source(%arg9 : memref<8192xf32, #tpu.memory_space<vmem>>) target(%dma_start3A_37 : memref<8192xf32, #tpu.memory_space<vmem_shared>>) target_semaphore(%run_scoped3A : memref<!tpu.dma_semaphore, #tpu.memory_space<semaphore_mem>>)
      %dma_wait3A = tpu.memref_slice %arg11[%add3A_11] : memref<753792xf32, #tpu.memory_space<vmem_shared>> -> memref<8192xf32, #tpu.memory_space<vmem_shared>>
      %dma_wait3A_38 = tpu.memref_slice %arg11[%add3A_11] : memref<753792xf32, #tpu.memory_space<vmem_shared>> -> memref<8192xf32, #tpu.memory_space<vmem_shared>>
      tpu.wait_dma2 semaphore(%run_scoped3A : memref<!tpu.dma_semaphore, #tpu.memory_space<semaphore_mem>>) src(%arg9 : memref<8192xf32, #tpu.memory_space<vmem>>) dst(%dma_wait3A_38 : memref<8192xf32, #tpu.memory_space<vmem_shared>>)
      tpu.yield
    }) : () -> ()
    %add3A_12 = arith.constant 16384 : i32
    %add3A_13 = arith.addi %mul3A_7, %add3A_12 : i32
    "tpu.region"() ({
      %run_scoped3A = tpu.sem_alloc : memref<!tpu.dma_semaphore, #tpu.memory_space<semaphore_mem>>
      %dma_start3A = tpu.memref_slice %arg11[%add3A_13] : memref<753792xf32, #tpu.memory_space<vmem_shared>> -> memref<8192xf32, #tpu.memory_space<vmem_shared>>
      %dma_start3A_37 = tpu.memref_slice %arg11[%add3A_13] : memref<753792xf32, #tpu.memory_space<vmem_shared>> -> memref<8192xf32, #tpu.memory_space<vmem_shared>>
      tpu.enqueue_dma source(%arg9 : memref<8192xf32, #tpu.memory_space<vmem>>) target(%dma_start3A_37 : memref<8192xf32, #tpu.memory_space<vmem_shared>>) target_semaphore(%run_scoped3A : memref<!tpu.dma_semaphore, #tpu.memory_space<semaphore_mem>>)
      %dma_wait3A = tpu.memref_slice %arg11[%add3A_13] : memref<753792xf32, #tpu.memory_space<vmem_shared>> -> memref<8192xf32, #tpu.memory_space<vmem_shared>>
      %dma_wait3A_38 = tpu.memref_slice %arg11[%add3A_13] : memref<753792xf32, #tpu.memory_space<vmem_shared>> -> memref<8192xf32, #tpu.memory_space<vmem_shared>>
      tpu.wait_dma2 semaphore(%run_scoped3A : memref<!tpu.dma_semaphore, #tpu.memory_space<semaphore_mem>>) src(%arg9 : memref<8192xf32, #tpu.memory_space<vmem>>) dst(%dma_wait3A_38 : memref<8192xf32, #tpu.memory_space<vmem_shared>>)
      tpu.yield
    }) : () -> ()
    %add3A_14 = arith.constant 24576 : i32
    %add3A_15 = arith.addi %mul3A_7, %add3A_14 : i32
    "tpu.region"() ({
      %run_scoped3A = tpu.sem_alloc : memref<!tpu.dma_semaphore, #tpu.memory_space<semaphore_mem>>
      %dma_start3A = tpu.memref_slice %arg11[%add3A_15] : memref<753792xf32, #tpu.memory_space<vmem_shared>> -> memref<8192xf32, #tpu.memory_space<vmem_shared>>
      %dma_start3A_37 = tpu.memref_slice %arg11[%add3A_15] : memref<753792xf32, #tpu.memory_space<vmem_shared>> -> memref<8192xf32, #tpu.memory_space<vmem_shared>>
      tpu.enqueue_dma source(%arg9 : memref<8192xf32, #tpu.memory_space<vmem>>) target(%dma_start3A_37 : memref<8192xf32, #tpu.memory_space<vmem_shared>>) target_semaphore(%run_scoped3A : memref<!tpu.dma_semaphore, #tpu.memory_space<semaphore_mem>>)
      %dma_wait3A = tpu.memref_slice %arg11[%add3A_15] : memref<753792xf32, #tpu.memory_space<vmem_shared>> -> memref<8192xf32, #tpu.memory_space<vmem_shared>>
      %dma_wait3A_38 = tpu.memref_slice %arg11[%add3A_15] : memref<753792xf32, #tpu.memory_space<vmem_shared>> -> memref<8192xf32, #tpu.memory_space<vmem_shared>>
      tpu.wait_dma2 semaphore(%run_scoped3A : memref<!tpu.dma_semaphore, #tpu.memory_space<semaphore_mem>>) src(%arg9 : memref<8192xf32, #tpu.memory_space<vmem>>) dst(%dma_wait3A_38 : memref<8192xf32, #tpu.memory_space<vmem_shared>>)
      tpu.yield
    }) : () -> ()
    %add3A_16 = arith.constant 32768 : i32
    %add3A_17 = arith.addi %mul3A_7, %add3A_16 : i32
    "tpu.region"() ({
      %run_scoped3A = tpu.sem_alloc : memref<!tpu.dma_semaphore, #tpu.memory_space<semaphore_mem>>
      %dma_start3A = tpu.memref_slice %arg11[%add3A_17] : memref<753792xf32, #tpu.memory_space<vmem_shared>> -> memref<8192xf32, #tpu.memory_space<vmem_shared>>
      %dma_start3A_37 = tpu.memref_slice %arg11[%add3A_17] : memref<753792xf32, #tpu.memory_space<vmem_shared>> -> memref<8192xf32, #tpu.memory_space<vmem_shared>>
      tpu.enqueue_dma source(%arg9 : memref<8192xf32, #tpu.memory_space<vmem>>) target(%dma_start3A_37 : memref<8192xf32, #tpu.memory_space<vmem_shared>>) target_semaphore(%run_scoped3A : memref<!tpu.dma_semaphore, #tpu.memory_space<semaphore_mem>>)
      %dma_wait3A = tpu.memref_slice %arg11[%add3A_17] : memref<753792xf32, #tpu.memory_space<vmem_shared>> -> memref<8192xf32, #tpu.memory_space<vmem_shared>>
      %dma_wait3A_38 = tpu.memref_slice %arg11[%add3A_17] : memref<753792xf32, #tpu.memory_space<vmem_shared>> -> memref<8192xf32, #tpu.memory_space<vmem_shared>>
      tpu.wait_dma2 semaphore(%run_scoped3A : memref<!tpu.dma_semaphore, #tpu.memory_space<semaphore_mem>>) src(%arg9 : memref<8192xf32, #tpu.memory_space<vmem>>) dst(%dma_wait3A_38 : memref<8192xf32, #tpu.memory_space<vmem_shared>>)
      tpu.yield
    }) : () -> ()
    %add3A_18 = arith.constant 40960 : i32
    %add3A_19 = arith.addi %mul3A_7, %add3A_18 : i32
    "tpu.region"() ({
      %run_scoped3A = tpu.sem_alloc : memref<!tpu.dma_semaphore, #tpu.memory_space<semaphore_mem>>
      %dma_start3A = arith.constant 0 : i32
      %dma_start3A_37 = tpu.memref_slice %arg9[%dma_start3A] : memref<8192xf32, #tpu.memory_space<vmem>> -> memref<6144xf32, #tpu.memory_space<vmem>>
      %dma_start3A_38 = tpu.memref_slice %arg11[%add3A_19] : memref<753792xf32, #tpu.memory_space<vmem_shared>> -> memref<6144xf32, #tpu.memory_space<vmem_shared>>
      %dma_start3A_39 = tpu.memref_slice %arg11[%add3A_19] : memref<753792xf32, #tpu.memory_space<vmem_shared>> -> memref<6144xf32, #tpu.memory_space<vmem_shared>>
      %dma_start3A_40 = arith.constant 0 : i32
      %dma_start3A_41 = tpu.memref_slice %arg9[%dma_start3A_40] : memref<8192xf32, #tpu.memory_space<vmem>> -> memref<6144xf32, #tpu.memory_space<vmem>>
      tpu.enqueue_dma source(%dma_start3A_41 : memref<6144xf32, #tpu.memory_space<vmem>>) target(%dma_start3A_39 : memref<6144xf32, #tpu.memory_space<vmem_shared>>) target_semaphore(%run_scoped3A : memref<!tpu.dma_semaphore, #tpu.memory_space<semaphore_mem>>)
      %dma_wait3A = arith.constant 0 : i32
      %dma_wait3A_42 = tpu.memref_slice %arg9[%dma_wait3A] : memref<8192xf32, #tpu.memory_space<vmem>> -> memref<6144xf32, #tpu.memory_space<vmem>>
      %dma_wait3A_43 = tpu.memref_slice %arg11[%add3A_19] : memref<753792xf32, #tpu.memory_space<vmem_shared>> -> memref<6144xf32, #tpu.memory_space<vmem_shared>>
      %dma_wait3A_44 = tpu.memref_slice %arg11[%add3A_19] : memref<753792xf32, #tpu.memory_space<vmem_shared>> -> memref<6144xf32, #tpu.memory_space<vmem_shared>>
      %dma_wait3A_45 = arith.constant 0 : i32
      %dma_wait3A_46 = tpu.memref_slice %arg9[%dma_wait3A_45] : memref<8192xf32, #tpu.memory_space<vmem>> -> memref<6144xf32, #tpu.memory_space<vmem>>
      tpu.wait_dma2 semaphore(%run_scoped3A : memref<!tpu.dma_semaphore, #tpu.memory_space<semaphore_mem>>) src(%dma_wait3A_46 : memref<6144xf32, #tpu.memory_space<vmem>>) dst(%dma_wait3A_44 : memref<6144xf32, #tpu.memory_space<vmem_shared>>)
      tpu.yield
    }) : () -> ()
    %eq3A = arith.constant 0 : i32
    %eq3A_20 = arith.cmpi eq, %arg1, %eq3A : i32
    %convert_element_type3A = arith.extui %eq3A_20 : i1 to i32
    %cond3A = arith.constant 0 : i32
    %cond3A_21 = arith.cmpi ne, %convert_element_type3A, %cond3A : i32
    scf.if %cond3A_21 {
      "tpu.region"() ({
        %run_scoped3A = tpu.sem_alloc : memref<!tpu.dma_semaphore, #tpu.memory_space<semaphore_mem>>
        %dma_start3A = arith.constant 0 : i32
        %dma_start3A_37 = tpu.memref_slice %arg9[%dma_start3A] : memref<8192xf32, #tpu.memory_space<vmem>> -> memref<128xf32, #tpu.memory_space<vmem>>
        %dma_start3A_38 = arith.constant 753664 : i32
        %dma_start3A_39 = tpu.memref_slice %arg11[%dma_start3A_38] : memref<753792xf32, #tpu.memory_space<vmem_shared>> -> memref<128xf32, #tpu.memory_space<vmem_shared>>
        %dma_start3A_40 = arith.constant 753664 : i32
        %dma_start3A_41 = tpu.memref_slice %arg11[%dma_start3A_40] : memref<753792xf32, #tpu.memory_space<vmem_shared>> -> memref<128xf32, #tpu.memory_space<vmem_shared>>
        %dma_start3A_42 = arith.constant 0 : i32
        %dma_start3A_43 = tpu.memref_slice %arg9[%dma_start3A_42] : memref<8192xf32, #tpu.memory_space<vmem>> -> memref<128xf32, #tpu.memory_space<vmem>>
        tpu.enqueue_dma source(%dma_start3A_43 : memref<128xf32, #tpu.memory_space<vmem>>) target(%dma_start3A_41 : memref<128xf32, #tpu.memory_space<vmem_shared>>) target_semaphore(%run_scoped3A : memref<!tpu.dma_semaphore, #tpu.memory_space<semaphore_mem>>)
        %dma_wait3A = arith.constant 0 : i32
        %dma_wait3A_44 = tpu.memref_slice %arg9[%dma_wait3A] : memref<8192xf32, #tpu.memory_space<vmem>> -> memref<128xf32, #tpu.memory_space<vmem>>
        %dma_wait3A_45 = arith.constant 753664 : i32
        %dma_wait3A_46 = tpu.memref_slice %arg11[%dma_wait3A_45] : memref<753792xf32, #tpu.memory_space<vmem_shared>> -> memref<128xf32, #tpu.memory_space<vmem_shared>>
        %dma_wait3A_47 = arith.constant 753664 : i32
        %dma_wait3A_48 = tpu.memref_slice %arg11[%dma_wait3A_47] : memref<753792xf32, #tpu.memory_space<vmem_shared>> -> memref<128xf32, #tpu.memory_space<vmem_shared>>
        %dma_wait3A_49 = arith.constant 0 : i32
        %dma_wait3A_50 = tpu.memref_slice %arg9[%dma_wait3A_49] : memref<8192xf32, #tpu.memory_space<vmem>> -> memref<128xf32, #tpu.memory_space<vmem>>
        tpu.wait_dma2 semaphore(%run_scoped3A : memref<!tpu.dma_semaphore, #tpu.memory_space<semaphore_mem>>) src(%dma_wait3A_50 : memref<128xf32, #tpu.memory_space<vmem>>) dst(%dma_wait3A_48 : memref<128xf32, #tpu.memory_space<vmem_shared>>)
        tpu.yield
      }) : () -> ()
    } else {
    }
    %scan3A = arith.constant 0 : i32
    %scan3A_22 = arith.constant 0 : i32
    %scan3A_23 = arith.constant 800 : i32
    %scan3A_24 = arith.addi %scan3A_22, %scan3A_23 : i32
    %scan3A_25 = arith.constant 1 : i32
    scf.for %scan3A_37 = %scan3A_22 to %scan3A_24 step %scan3A_25  : i32 {
      %mul3A_38 = arith.constant 16 : i32
      %mul3A_39 = arith.muli %scan3A_37, %mul3A_38 : i32
      %get3A = arith.index_cast %mul3A_39 : i32 to index
      %get3A_40 = tpu.vector_load %arg6[%get3A] {strides = array<i32>} : memref<12800xi32, #tpu.memory_space<vmem>>, vector<16xi32>,
      %get3A_41 = vector.shape_cast %get3A_40 : vector<16xi32> to vector<16xi32>
      %ge3A = vector.broadcast %mul3A_3 : i32 to vector<16xi32>
      %ge3A_42 = arith.cmpi sge, %get3A_41, %ge3A : vector<16xi32>
      %add3A_43 = arith.constant 753664 : i32
      %add3A_44 = arith.addi %mul3A_3, %add3A_43 : i32
      %lt3A = vector.broadcast %add3A_44 : i32 to vector<16xi32>
      %lt3A_45 = arith.cmpi slt, %get3A_41, %lt3A : vector<16xi32>
      %and3A = arith.andi %ge3A_42, %lt3A_45 : vector<16xi1>
      %mul3A_46 = arith.constant 16 : i32
      %mul3A_47 = arith.muli %scan3A_37, %mul3A_46 : i32
      %add3A_48 = vector.broadcast %mul3A_47 : i32 to vector<16xi32>
      %add3A_49 = arith.addi %add3A_48, %iota3A : vector<16xi32>
      %and3A_50 = arith.constant 127 : i32
      %and3A_51 = vector.broadcast %and3A_50 : i32 to vector<16xi32>
      %and3A_52 = arith.andi %add3A_49, %and3A_51 : vector<16xi32>
      %add3A_53 = arith.constant 753664 : i32
      %add3A_54 = vector.broadcast %add3A_53 : i32 to vector<16xi32>
      %add3A_55 = arith.addi %add3A_54, %and3A_52 : vector<16xi32>
      %sub3A = vector.broadcast %mul3A_3 : i32 to vector<16xi32>
      %sub3A_56 = arith.subi %get3A_41, %sub3A : vector<16xi32>
      %select_n3A = arith.select %and3A, %sub3A_56, %add3A_55 : vector<16xi1>, vector<16xi32>
      %jit3A = arith.constant 8 : i32
      %div3A = arith.divsi %scan3A_37, %jit3A : i32
      %sign3A = arith.constant 0 : i32
      %sign3A_57 = arith.cmpi sgt, %scan3A_37, %sign3A : i32
      %sign3A_58 = arith.extui %sign3A_57 : i1 to i32
      %sign3A_59 = arith.constant 0 : i32
      %sign3A_60 = arith.cmpi slt, %scan3A_37, %sign3A_59 : i32
      %sign3A_61 = arith.extui %sign3A_60 : i1 to i32
      %sign3A_62 = arith.subi %sign3A_58, %sign3A_61 : i32
      %sign3A_63 = arith.constant 0 : i32
      %sign3A_64 = arith.cmpi sgt, %jit3A, %sign3A_63 : i32
      %sign3A_65 = arith.extui %sign3A_64 : i1 to i32
      %sign3A_66 = arith.constant 0 : i32
      %sign3A_67 = arith.cmpi slt, %jit3A, %sign3A_66 : i32
      %sign3A_68 = arith.extui %sign3A_67 : i1 to i32
      %sign3A_69 = arith.subi %sign3A_65, %sign3A_68 : i32
      %ne3A = arith.cmpi ne, %sign3A_62, %sign3A_69 : i32
      %rem3A = arith.remsi %scan3A_37, %jit3A : i32
      %ne3A_70 = arith.constant 0 : i32
      %ne3A_71 = arith.cmpi ne, %rem3A, %ne3A_70 : i32
      %and3A_72 = arith.andi %ne3A, %ne3A_71 : i1
      %sub3A_73 = arith.constant 1 : i32
      %sub3A_74 = arith.subi %div3A, %sub3A_73 : i32
      %select_n3A_75 = arith.select %and3A_72, %sub3A_74, %div3A : i32
      %jit3A_76 = arith.constant 8 : i32
      %eq3A_77 = arith.constant 0 : i32
      %eq3A_78 = arith.cmpi eq, %jit3A_76, %eq3A_77 : i32
      %jit3A_79 = arith.constant 1 : i32
      %select_n3A_80 = arith.select %eq3A_78, %jit3A_79, %jit3A_76 : i32
      %rem3A_81 = arith.remsi %scan3A_37, %select_n3A_80 : i32
      %ne3A_82 = arith.constant 0 : i32
      %ne3A_83 = arith.cmpi ne, %rem3A_81, %ne3A_82 : i32
      %lt3A_84 = arith.constant 0 : i32
      %lt3A_85 = arith.cmpi slt, %rem3A_81, %lt3A_84 : i32
      %lt3A_86 = arith.constant 0 : i32
      %lt3A_87 = arith.cmpi slt, %select_n3A_80, %lt3A_86 : i32
      %ne3A_88 = arith.xori %lt3A_85, %lt3A_87 : i1
      %and3A_89 = arith.andi %ne3A_88, %ne3A_83 : i1
      %add3A_90 = arith.addi %rem3A_81, %select_n3A_80 : i32
      %select_n3A_91 = arith.select %and3A_89, %add3A_90, %rem3A_81 : i32
      %mul3A_92 = arith.constant 16 : i32
      %mul3A_93 = arith.muli %select_n3A_91, %mul3A_92 : i32
      %swap3A = arith.index_cast %select_n3A_75 : i32 to index
      %swap3A_94 = arith.index_cast %mul3A_93 : i32 to index
      %swap3A_95 = tpu.vector_load %arg7[%swap3A, %swap3A_94] {strides = array<i32>} : memref<100x128xi32, #tpu.memory_space<vmem>>, vector<1x16xi32>,
      %swap3A_96 = vector.shape_cast %swap3A_95 : vector<1x16xi32> to vector<16xi32>
      %swap3A_97 = vector.shape_cast %select_n3A : vector<16xi32> to vector<1x16xi32>
      tpu.vector_store %arg7[%swap3A, %swap3A_94], %swap3A_97 {strides = array<i32>} : memref<100x128xi32, #tpu.memory_space<vmem>>, vector<1x16xi32>,
    }
    %scan3A_26 = arith.constant 800 : i32
    %barrier3A = arith.constant 0 : index
    tpu.barrier barrier_id(%barrier3A)
    %scan3A_27 = arith.constant 0 : i32
    %scan3A_28 = arith.constant 0 : i32
    %scan3A_29 = arith.constant 100 : i32
    %scan3A_30 = arith.addi %scan3A_28, %scan3A_29 : i32
    %scan3A_31 = arith.constant 1 : i32
    scf.for %scan3A_37 = %scan3A_28 to %scan3A_30 step %scan3A_31  : i32 {
      "tpu.region"() ({
        %run_scoped3A = tpu.sem_alloc : memref<!tpu.dma_semaphore, #tpu.memory_space<semaphore_mem>>
        %dma_start3A = arith.constant 0 : i32
        %dma_start3A_38 = tpu.memref_slice %arg7[%scan3A_37, %dma_start3A] : memref<100x128xi32, #tpu.memory_space<vmem>> -> memref<1x128xi32, #tpu.memory_space<vmem>>
        %dma_start3A_39 = tpu.memref_squeeze %dma_start3A_38 : memref<1x128xi32, #tpu.memory_space<vmem>> -> memref<128xi32, #tpu.memory_space<vmem>>
        %dma_start3A_40 = arith.constant 0 : i32
        %dma_start3A_41 = tpu.memref_slice %arg11[%dma_start3A_40] : memref<753792xf32, #tpu.memory_space<vmem_shared>> -> memref<753792xf32, #tpu.memory_space<vmem_shared>>
        tpu.enqueue_indirect_dma source(%arg8 : memref<128xf32, #tpu.memory_space<vmem>>) target(%dma_start3A_41 : memref<753792xf32, #tpu.memory_space<vmem_shared>>) offsets(%dma_start3A_39 : memref<128xi32, #tpu.memory_space<vmem>>) semaphore(%run_scoped3A : memref<!tpu.dma_semaphore, #tpu.memory_space<semaphore_mem>>) {add = true}
        %dma_wait3A = arith.constant 0 : i32
        %dma_wait3A_42 = tpu.memref_slice %arg7[%scan3A_37, %dma_wait3A] : memref<100x128xi32, #tpu.memory_space<vmem>> -> memref<1x128xi32, #tpu.memory_space<vmem>>
        %dma_wait3A_43 = tpu.memref_squeeze %dma_wait3A_42 : memref<1x128xi32, #tpu.memory_space<vmem>> -> memref<128xi32, #tpu.memory_space<vmem>>
        %dma_wait3A_44 = arith.constant 0 : i32
        %dma_wait3A_45 = tpu.memref_slice %arg11[%dma_wait3A_44] : memref<753792xf32, #tpu.memory_space<vmem_shared>> -> memref<753792xf32, #tpu.memory_space<vmem_shared>>
        tpu.wait_indirect_dma semaphore(%run_scoped3A : memref<!tpu.dma_semaphore, #tpu.memory_space<semaphore_mem>>) src(%arg8 : memref<128xf32, #tpu.memory_space<vmem>>) dst(%dma_wait3A_45 : memref<753792xf32, #tpu.memory_space<vmem_shared>>)
        tpu.yield
      }) : () -> ()
    }
    %scan3A_32 = arith.constant 100 : i32
    %barrier3A_33 = arith.constant 0 : index
    tpu.barrier barrier_id(%barrier3A_33)
    %mul3A_34 = arith.constant 47104 : i32
    %mul3A_35 = arith.muli %arg1, %mul3A_34 : i32
    %add3A_36 = arith.addi %mul3A_5, %mul3A_35 : i32
    "tpu.region"() ({
      %run_scoped3A = tpu.sem_alloc : memref<!tpu.dma_semaphore, #tpu.memory_space<semaphore_mem>>
      %dma_start3A = tpu.memref_slice %arg5[%add3A_36] : memref<1507328xf32, #tpu.memory_space<hbm>> -> memref<47104xf32, #tpu.memory_space<hbm>>
      %dma_start3A_37 = tpu.memref_slice %arg11[%mul3A_35] : memref<753792xf32, #tpu.memory_space<vmem_shared>> -> memref<47104xf32, #tpu.memory_space<vmem_shared>>
      tpu.enqueue_dma source(%dma_start3A_37 : memref<47104xf32, #tpu.memory_space<vmem_shared>>) target(%dma_start3A : memref<47104xf32, #tpu.memory_space<hbm>>) target_semaphore(%run_scoped3A : memref<!tpu.dma_semaphore, #tpu.memory_space<semaphore_mem>>)
      %dma_wait3A = tpu.memref_slice %arg5[%add3A_36] : memref<1507328xf32, #tpu.memory_space<hbm>> -> memref<47104xf32, #tpu.memory_space<hbm>>
      %dma_wait3A_38 = tpu.memref_slice %arg11[%mul3A_35] : memref<753792xf32, #tpu.memory_space<vmem_shared>> -> memref<47104xf32, #tpu.memory_space<vmem_shared>>
      tpu.wait_dma2 semaphore(%run_scoped3A : memref<!tpu.dma_semaphore, #tpu.memory_space<semaphore_mem>>) src(%dma_wait3A_38 : memref<47104xf32, #tpu.memory_space<vmem_shared>>) dst(%dma_wait3A : memref<47104xf32, #tpu.memory_space<hbm>>)
      tpu.yield
    }) : () -> ()
    return
  }
}

#map = affine_map<(d0, d1) -> (0)>
module attributes {stable_mosaic.version = 14 : i64} {
  func.func @counts_sc(%arg0: i32, %arg1: i32, %arg2: memref<204800xi32, #tpu.memory_space<hbm>>, %arg3: memref<8192xf32, #tpu.memory_space<hbm>>, %arg4: memref<128xf32, #tpu.memory_space<hbm>>, %arg5: memref<1507328xf32, #tpu.memory_space<hbm>>, %arg6: memref<12800xi32, #tpu.memory_space<vmem>>, %arg7: memref<100x128xi32, #tpu.memory_space<vmem>>, %arg8: memref<128xf32, #tpu.memory_space<vmem>>, %arg9: memref<8192xf32, #tpu.memory_space<vmem>>, %arg10: memref<16384xf32, #tpu.memory_space<vmem>>, %arg11: memref<753792xf32, #tpu.memory_space<vmem_shared>>) attributes {dimension_semantics = [#tpu.dimension_semantics<core_parallel>, #tpu.dimension_semantics<subcore_parallel>], iteration_bounds = array<i64: 2, 16>, scalar_prefetch = 0 : i64, scratch_operands = 6 : i64, tpu.core_type = #tpu.core_type<sc_vector_subcore>, window_params = [{transform_indices = #map}, {transform_indices = #map}, {transform_indices = #map}, {transform_indices = #map}]} {
    %mul3A = arith.constant 12800 : i32
    %mul3A_0 = arith.muli %arg1, %mul3A : i32
    "tpu.region"() ({
      %run_scoped3A = tpu.sem_alloc : memref<!tpu.dma_semaphore, #tpu.memory_space<semaphore_mem>>
      %dma_start3A = tpu.memref_slice %arg2[%mul3A_0] : memref<204800xi32, #tpu.memory_space<hbm>> -> memref<12800xi32, #tpu.memory_space<hbm>>
      %dma_start3A_37 = tpu.memref_slice %arg2[%mul3A_0] : memref<204800xi32, #tpu.memory_space<hbm>> -> memref<12800xi32, #tpu.memory_space<hbm>>
      tpu.enqueue_dma source(%dma_start3A_37 : memref<12800xi32, #tpu.memory_space<hbm>>) target(%arg6 : memref<12800xi32, #tpu.memory_space<vmem>>) target_semaphore(%run_scoped3A : memref<!tpu.dma_semaphore, #tpu.memory_space<semaphore_mem>>)
      %dma_wait3A = tpu.memref_slice %arg2[%mul3A_0] : memref<204800xi32, #tpu.memory_space<hbm>> -> memref<12800xi32, #tpu.memory_space<hbm>>
      %dma_wait3A_38 = tpu.memref_slice %arg2[%mul3A_0] : memref<204800xi32, #tpu.memory_space<hbm>> -> memref<12800xi32, #tpu.memory_space<hbm>>
      tpu.wait_dma2 semaphore(%run_scoped3A : memref<!tpu.dma_semaphore, #tpu.memory_space<semaphore_mem>>) src(%dma_wait3A_38 : memref<12800xi32, #tpu.memory_space<hbm>>) dst(%arg6 : memref<12800xi32, #tpu.memory_space<vmem>>)
      tpu.yield
    }) : () -> ()
    "tpu.region"() ({
      %run_scoped3A = tpu.sem_alloc : memref<!tpu.dma_semaphore, #tpu.memory_space<semaphore_mem>>
      tpu.enqueue_dma source(%arg4 : memref<128xf32, #tpu.memory_space<hbm>>) target(%arg8 : memref<128xf32, #tpu.memory_space<vmem>>) target_semaphore(%run_scoped3A : memref<!tpu.dma_semaphore, #tpu.memory_space<semaphore_mem>>)
      tpu.wait_dma2 semaphore(%run_scoped3A : memref<!tpu.dma_semaphore, #tpu.memory_space<semaphore_mem>>) src(%arg4 : memref<128xf32, #tpu.memory_space<hbm>>) dst(%arg8 : memref<128xf32, #tpu.memory_space<vmem>>)
      tpu.yield
    }) : () -> ()
    "tpu.region"() ({
      %run_scoped3A = tpu.sem_alloc : memref<!tpu.dma_semaphore, #tpu.memory_space<semaphore_mem>>
      tpu.enqueue_dma source(%arg3 : memref<8192xf32, #tpu.memory_space<hbm>>) target(%arg9 : memref<8192xf32, #tpu.memory_space<vmem>>) target_semaphore(%run_scoped3A : memref<!tpu.dma_semaphore, #tpu.memory_space<semaphore_mem>>)
      tpu.wait_dma2 semaphore(%run_scoped3A : memref<!tpu.dma_semaphore, #tpu.memory_space<semaphore_mem>>) src(%arg3 : memref<8192xf32, #tpu.memory_space<hbm>>) dst(%arg9 : memref<8192xf32, #tpu.memory_space<vmem>>)
      tpu.yield
    }) : () -> ()
    %iota3A = tpu.iota {dimensions = array<i32: 0>} : vector<16xi32>
    %add3A = arith.constant 0 : i32
    %add3A_1 = arith.addi %add3A, %arg0 : i32
    %mul3A_2 = arith.constant 753664 : i32
    %mul3A_3 = arith.muli %add3A_1, %mul3A_2 : i32
    %mul3A_4 = arith.constant 753664 : i32
    %mul3A_5 = arith.muli %arg0, %mul3A_4 : i32
    %mul3A_6 = arith.constant 47104 : i32
    %mul3A_7 = arith.muli %arg1, %mul3A_6 : i32
    %add3A_8 = arith.constant 0 : i32
    %add3A_9 = arith.addi %mul3A_7, %add3A_8 : i32
    "tpu.region"() ({
      %run_scoped3A = tpu.sem_alloc : memref<!tpu.dma_semaphore, #tpu.memory_space<semaphore_mem>>
      %dma_start3A = tpu.memref_slice %arg11[%add3A_9] : memref<753792xf32, #tpu.memory_space<vmem_shared>> -> memref<8192xf32, #tpu.memory_space<vmem_shared>>
      %dma_start3A_37 = tpu.memref_slice %arg11[%add3A_9] : memref<753792xf32, #tpu.memory_space<vmem_shared>> -> memref<8192xf32, #tpu.memory_space<vmem_shared>>
      tpu.enqueue_dma source(%arg9 : memref<8192xf32, #tpu.memory_space<vmem>>) target(%dma_start3A_37 : memref<8192xf32, #tpu.memory_space<vmem_shared>>) target_semaphore(%run_scoped3A : memref<!tpu.dma_semaphore, #tpu.memory_space<semaphore_mem>>)
      %dma_wait3A = tpu.memref_slice %arg11[%add3A_9] : memref<753792xf32, #tpu.memory_space<vmem_shared>> -> memref<8192xf32, #tpu.memory_space<vmem_shared>>
      %dma_wait3A_38 = tpu.memref_slice %arg11[%add3A_9] : memref<753792xf32, #tpu.memory_space<vmem_shared>> -> memref<8192xf32, #tpu.memory_space<vmem_shared>>
      tpu.wait_dma2 semaphore(%run_scoped3A : memref<!tpu.dma_semaphore, #tpu.memory_space<semaphore_mem>>) src(%arg9 : memref<8192xf32, #tpu.memory_space<vmem>>) dst(%dma_wait3A_38 : memref<8192xf32, #tpu.memory_space<vmem_shared>>)
      tpu.yield
    }) : () -> ()
    %add3A_10 = arith.constant 8192 : i32
    %add3A_11 = arith.addi %mul3A_7, %add3A_10 : i32
    "tpu.region"() ({
      %run_scoped3A = tpu.sem_alloc : memref<!tpu.dma_semaphore, #tpu.memory_space<semaphore_mem>>
      %dma_start3A = tpu.memref_slice %arg11[%add3A_11] : memref<753792xf32, #tpu.memory_space<vmem_shared>> -> memref<8192xf32, #tpu.memory_space<vmem_shared>>
      %dma_start3A_37 = tpu.memref_slice %arg11[%add3A_11] : memref<753792xf32, #tpu.memory_space<vmem_shared>> -> memref<8192xf32, #tpu.memory_space<vmem_shared>>
      tpu.enqueue_dma source(%arg9 : memref<8192xf32, #tpu.memory_space<vmem>>) target(%dma_start3A_37 : memref<8192xf32, #tpu.memory_space<vmem_shared>>) target_semaphore(%run_scoped3A : memref<!tpu.dma_semaphore, #tpu.memory_space<semaphore_mem>>)
      %dma_wait3A = tpu.memref_slice %arg11[%add3A_11] : memref<753792xf32, #tpu.memory_space<vmem_shared>> -> memref<8192xf32, #tpu.memory_space<vmem_shared>>
      %dma_wait3A_38 = tpu.memref_slice %arg11[%add3A_11] : memref<753792xf32, #tpu.memory_space<vmem_shared>> -> memref<8192xf32, #tpu.memory_space<vmem_shared>>
      tpu.wait_dma2 semaphore(%run_scoped3A : memref<!tpu.dma_semaphore, #tpu.memory_space<semaphore_mem>>) src(%arg9 : memref<8192xf32, #tpu.memory_space<vmem>>) dst(%dma_wait3A_38 : memref<8192xf32, #tpu.memory_space<vmem_shared>>)
      tpu.yield
    }) : () -> ()
    %add3A_12 = arith.constant 16384 : i32
    %add3A_13 = arith.addi %mul3A_7, %add3A_12 : i32
    "tpu.region"() ({
      %run_scoped3A = tpu.sem_alloc : memref<!tpu.dma_semaphore, #tpu.memory_space<semaphore_mem>>
      %dma_start3A = tpu.memref_slice %arg11[%add3A_13] : memref<753792xf32, #tpu.memory_space<vmem_shared>> -> memref<8192xf32, #tpu.memory_space<vmem_shared>>
      %dma_start3A_37 = tpu.memref_slice %arg11[%add3A_13] : memref<753792xf32, #tpu.memory_space<vmem_shared>> -> memref<8192xf32, #tpu.memory_space<vmem_shared>>
      tpu.enqueue_dma source(%arg9 : memref<8192xf32, #tpu.memory_space<vmem>>) target(%dma_start3A_37 : memref<8192xf32, #tpu.memory_space<vmem_shared>>) target_semaphore(%run_scoped3A : memref<!tpu.dma_semaphore, #tpu.memory_space<semaphore_mem>>)
      %dma_wait3A = tpu.memref_slice %arg11[%add3A_13] : memref<753792xf32, #tpu.memory_space<vmem_shared>> -> memref<8192xf32, #tpu.memory_space<vmem_shared>>
      %dma_wait3A_38 = tpu.memref_slice %arg11[%add3A_13] : memref<753792xf32, #tpu.memory_space<vmem_shared>> -> memref<8192xf32, #tpu.memory_space<vmem_shared>>
      tpu.wait_dma2 semaphore(%run_scoped3A : memref<!tpu.dma_semaphore, #tpu.memory_space<semaphore_mem>>) src(%arg9 : memref<8192xf32, #tpu.memory_space<vmem>>) dst(%dma_wait3A_38 : memref<8192xf32, #tpu.memory_space<vmem_shared>>)
      tpu.yield
    }) : () -> ()
    %add3A_14 = arith.constant 24576 : i32
    %add3A_15 = arith.addi %mul3A_7, %add3A_14 : i32
    "tpu.region"() ({
      %run_scoped3A = tpu.sem_alloc : memref<!tpu.dma_semaphore, #tpu.memory_space<semaphore_mem>>
      %dma_start3A = tpu.memref_slice %arg11[%add3A_15] : memref<753792xf32, #tpu.memory_space<vmem_shared>> -> memref<8192xf32, #tpu.memory_space<vmem_shared>>
      %dma_start3A_37 = tpu.memref_slice %arg11[%add3A_15] : memref<753792xf32, #tpu.memory_space<vmem_shared>> -> memref<8192xf32, #tpu.memory_space<vmem_shared>>
      tpu.enqueue_dma source(%arg9 : memref<8192xf32, #tpu.memory_space<vmem>>) target(%dma_start3A_37 : memref<8192xf32, #tpu.memory_space<vmem_shared>>) target_semaphore(%run_scoped3A : memref<!tpu.dma_semaphore, #tpu.memory_space<semaphore_mem>>)
      %dma_wait3A = tpu.memref_slice %arg11[%add3A_15] : memref<753792xf32, #tpu.memory_space<vmem_shared>> -> memref<8192xf32, #tpu.memory_space<vmem_shared>>
      %dma_wait3A_38 = tpu.memref_slice %arg11[%add3A_15] : memref<753792xf32, #tpu.memory_space<vmem_shared>> -> memref<8192xf32, #tpu.memory_space<vmem_shared>>
      tpu.wait_dma2 semaphore(%run_scoped3A : memref<!tpu.dma_semaphore, #tpu.memory_space<semaphore_mem>>) src(%arg9 : memref<8192xf32, #tpu.memory_space<vmem>>) dst(%dma_wait3A_38 : memref<8192xf32, #tpu.memory_space<vmem_shared>>)
      tpu.yield
    }) : () -> ()
    %add3A_16 = arith.constant 32768 : i32
    %add3A_17 = arith.addi %mul3A_7, %add3A_16 : i32
    "tpu.region"() ({
      %run_scoped3A = tpu.sem_alloc : memref<!tpu.dma_semaphore, #tpu.memory_space<semaphore_mem>>
      %dma_start3A = tpu.memref_slice %arg11[%add3A_17] : memref<753792xf32, #tpu.memory_space<vmem_shared>> -> memref<8192xf32, #tpu.memory_space<vmem_shared>>
      %dma_start3A_37 = tpu.memref_slice %arg11[%add3A_17] : memref<753792xf32, #tpu.memory_space<vmem_shared>> -> memref<8192xf32, #tpu.memory_space<vmem_shared>>
      tpu.enqueue_dma source(%arg9 : memref<8192xf32, #tpu.memory_space<vmem>>) target(%dma_start3A_37 : memref<8192xf32, #tpu.memory_space<vmem_shared>>) target_semaphore(%run_scoped3A : memref<!tpu.dma_semaphore, #tpu.memory_space<semaphore_mem>>)
      %dma_wait3A = tpu.memref_slice %arg11[%add3A_17] : memref<753792xf32, #tpu.memory_space<vmem_shared>> -> memref<8192xf32, #tpu.memory_space<vmem_shared>>
      %dma_wait3A_38 = tpu.memref_slice %arg11[%add3A_17] : memref<753792xf32, #tpu.memory_space<vmem_shared>> -> memref<8192xf32, #tpu.memory_space<vmem_shared>>
      tpu.wait_dma2 semaphore(%run_scoped3A : memref<!tpu.dma_semaphore, #tpu.memory_space<semaphore_mem>>) src(%arg9 : memref<8192xf32, #tpu.memory_space<vmem>>) dst(%dma_wait3A_38 : memref<8192xf32, #tpu.memory_space<vmem_shared>>)
      tpu.yield
    }) : () -> ()
    %add3A_18 = arith.constant 40960 : i32
    %add3A_19 = arith.addi %mul3A_7, %add3A_18 : i32
    "tpu.region"() ({
      %run_scoped3A = tpu.sem_alloc : memref<!tpu.dma_semaphore, #tpu.memory_space<semaphore_mem>>
      %dma_start3A = arith.constant 0 : i32
      %dma_start3A_37 = tpu.memref_slice %arg9[%dma_start3A] : memref<8192xf32, #tpu.memory_space<vmem>> -> memref<6144xf32, #tpu.memory_space<vmem>>
      %dma_start3A_38 = tpu.memref_slice %arg11[%add3A_19] : memref<753792xf32, #tpu.memory_space<vmem_shared>> -> memref<6144xf32, #tpu.memory_space<vmem_shared>>
      %dma_start3A_39 = tpu.memref_slice %arg11[%add3A_19] : memref<753792xf32, #tpu.memory_space<vmem_shared>> -> memref<6144xf32, #tpu.memory_space<vmem_shared>>
      %dma_start3A_40 = arith.constant 0 : i32
      %dma_start3A_41 = tpu.memref_slice %arg9[%dma_start3A_40] : memref<8192xf32, #tpu.memory_space<vmem>> -> memref<6144xf32, #tpu.memory_space<vmem>>
      tpu.enqueue_dma source(%dma_start3A_41 : memref<6144xf32, #tpu.memory_space<vmem>>) target(%dma_start3A_39 : memref<6144xf32, #tpu.memory_space<vmem_shared>>) target_semaphore(%run_scoped3A : memref<!tpu.dma_semaphore, #tpu.memory_space<semaphore_mem>>)
      %dma_wait3A = arith.constant 0 : i32
      %dma_wait3A_42 = tpu.memref_slice %arg9[%dma_wait3A] : memref<8192xf32, #tpu.memory_space<vmem>> -> memref<6144xf32, #tpu.memory_space<vmem>>
      %dma_wait3A_43 = tpu.memref_slice %arg11[%add3A_19] : memref<753792xf32, #tpu.memory_space<vmem_shared>> -> memref<6144xf32, #tpu.memory_space<vmem_shared>>
      %dma_wait3A_44 = tpu.memref_slice %arg11[%add3A_19] : memref<753792xf32, #tpu.memory_space<vmem_shared>> -> memref<6144xf32, #tpu.memory_space<vmem_shared>>
      %dma_wait3A_45 = arith.constant 0 : i32
      %dma_wait3A_46 = tpu.memref_slice %arg9[%dma_wait3A_45] : memref<8192xf32, #tpu.memory_space<vmem>> -> memref<6144xf32, #tpu.memory_space<vmem>>
      tpu.wait_dma2 semaphore(%run_scoped3A : memref<!tpu.dma_semaphore, #tpu.memory_space<semaphore_mem>>) src(%dma_wait3A_46 : memref<6144xf32, #tpu.memory_space<vmem>>) dst(%dma_wait3A_44 : memref<6144xf32, #tpu.memory_space<vmem_shared>>)
      tpu.yield
    }) : () -> ()
    %eq3A = arith.constant 0 : i32
    %eq3A_20 = arith.cmpi eq, %arg1, %eq3A : i32
    %convert_element_type3A = arith.extui %eq3A_20 : i1 to i32
    %cond3A = arith.constant 0 : i32
    %cond3A_21 = arith.cmpi ne, %convert_element_type3A, %cond3A : i32
    scf.if %cond3A_21 {
      "tpu.region"() ({
        %run_scoped3A = tpu.sem_alloc : memref<!tpu.dma_semaphore, #tpu.memory_space<semaphore_mem>>
        %dma_start3A = arith.constant 0 : i32
        %dma_start3A_37 = tpu.memref_slice %arg9[%dma_start3A] : memref<8192xf32, #tpu.memory_space<vmem>> -> memref<128xf32, #tpu.memory_space<vmem>>
        %dma_start3A_38 = arith.constant 753664 : i32
        %dma_start3A_39 = tpu.memref_slice %arg11[%dma_start3A_38] : memref<753792xf32, #tpu.memory_space<vmem_shared>> -> memref<128xf32, #tpu.memory_space<vmem_shared>>
        %dma_start3A_40 = arith.constant 753664 : i32
        %dma_start3A_41 = tpu.memref_slice %arg11[%dma_start3A_40] : memref<753792xf32, #tpu.memory_space<vmem_shared>> -> memref<128xf32, #tpu.memory_space<vmem_shared>>
        %dma_start3A_42 = arith.constant 0 : i32
        %dma_start3A_43 = tpu.memref_slice %arg9[%dma_start3A_42] : memref<8192xf32, #tpu.memory_space<vmem>> -> memref<128xf32, #tpu.memory_space<vmem>>
        tpu.enqueue_dma source(%dma_start3A_43 : memref<128xf32, #tpu.memory_space<vmem>>) target(%dma_start3A_41 : memref<128xf32, #tpu.memory_space<vmem_shared>>) target_semaphore(%run_scoped3A : memref<!tpu.dma_semaphore, #tpu.memory_space<semaphore_mem>>)
        %dma_wait3A = arith.constant 0 : i32
        %dma_wait3A_44 = tpu.memref_slice %arg9[%dma_wait3A] : memref<8192xf32, #tpu.memory_space<vmem>> -> memref<128xf32, #tpu.memory_space<vmem>>
        %dma_wait3A_45 = arith.constant 753664 : i32
        %dma_wait3A_46 = tpu.memref_slice %arg11[%dma_wait3A_45] : memref<753792xf32, #tpu.memory_space<vmem_shared>> -> memref<128xf32, #tpu.memory_space<vmem_shared>>
        %dma_wait3A_47 = arith.constant 753664 : i32
        %dma_wait3A_48 = tpu.memref_slice %arg11[%dma_wait3A_47] : memref<753792xf32, #tpu.memory_space<vmem_shared>> -> memref<128xf32, #tpu.memory_space<vmem_shared>>
        %dma_wait3A_49 = arith.constant 0 : i32
        %dma_wait3A_50 = tpu.memref_slice %arg9[%dma_wait3A_49] : memref<8192xf32, #tpu.memory_space<vmem>> -> memref<128xf32, #tpu.memory_space<vmem>>
        tpu.wait_dma2 semaphore(%run_scoped3A : memref<!tpu.dma_semaphore, #tpu.memory_space<semaphore_mem>>) src(%dma_wait3A_50 : memref<128xf32, #tpu.memory_space<vmem>>) dst(%dma_wait3A_48 : memref<128xf32, #tpu.memory_space<vmem_shared>>)
        tpu.yield
      }) : () -> ()
    } else {
    }
    %scan3A = arith.constant 0 : i32
    %scan3A_22 = arith.constant 0 : i32
    %scan3A_23 = arith.constant 800 : i32
    %scan3A_24 = arith.addi %scan3A_22, %scan3A_23 : i32
    %scan3A_25 = arith.constant 1 : i32
    scf.for %scan3A_37 = %scan3A_22 to %scan3A_24 step %scan3A_25  : i32 {
      %mul3A_38 = arith.constant 16 : i32
      %mul3A_39 = arith.muli %scan3A_37, %mul3A_38 : i32
      %get3A = arith.index_cast %mul3A_39 : i32 to index
      %get3A_40 = tpu.vector_load %arg6[%get3A] {strides = array<i32>} : memref<12800xi32, #tpu.memory_space<vmem>>, vector<16xi32>,
      %get3A_41 = vector.shape_cast %get3A_40 : vector<16xi32> to vector<16xi32>
      %ge3A = vector.broadcast %mul3A_3 : i32 to vector<16xi32>
      %ge3A_42 = arith.cmpi sge, %get3A_41, %ge3A : vector<16xi32>
      %add3A_43 = arith.constant 753664 : i32
      %add3A_44 = arith.addi %mul3A_3, %add3A_43 : i32
      %lt3A = vector.broadcast %add3A_44 : i32 to vector<16xi32>
      %lt3A_45 = arith.cmpi slt, %get3A_41, %lt3A : vector<16xi32>
      %and3A = arith.andi %ge3A_42, %lt3A_45 : vector<16xi1>
      %mul3A_46 = arith.constant 16 : i32
      %mul3A_47 = arith.muli %scan3A_37, %mul3A_46 : i32
      %add3A_48 = vector.broadcast %mul3A_47 : i32 to vector<16xi32>
      %add3A_49 = arith.addi %add3A_48, %iota3A : vector<16xi32>
      %and3A_50 = arith.constant 127 : i32
      %and3A_51 = vector.broadcast %and3A_50 : i32 to vector<16xi32>
      %and3A_52 = arith.andi %add3A_49, %and3A_51 : vector<16xi32>
      %add3A_53 = arith.constant 753664 : i32
      %add3A_54 = vector.broadcast %add3A_53 : i32 to vector<16xi32>
      %add3A_55 = arith.addi %add3A_54, %and3A_52 : vector<16xi32>
      %sub3A = vector.broadcast %mul3A_3 : i32 to vector<16xi32>
      %sub3A_56 = arith.subi %get3A_41, %sub3A : vector<16xi32>
      %select_n3A = arith.select %and3A, %sub3A_56, %add3A_55 : vector<16xi1>, vector<16xi32>
      %jit3A = arith.constant 8 : i32
      %div3A = arith.divsi %scan3A_37, %jit3A : i32
      %sign3A = arith.constant 0 : i32
      %sign3A_57 = arith.cmpi sgt, %scan3A_37, %sign3A : i32
      %sign3A_58 = arith.extui %sign3A_57 : i1 to i32
      %sign3A_59 = arith.constant 0 : i32
      %sign3A_60 = arith.cmpi slt, %scan3A_37, %sign3A_59 : i32
      %sign3A_61 = arith.extui %sign3A_60 : i1 to i32
      %sign3A_62 = arith.subi %sign3A_58, %sign3A_61 : i32
      %sign3A_63 = arith.constant 0 : i32
      %sign3A_64 = arith.cmpi sgt, %jit3A, %sign3A_63 : i32
      %sign3A_65 = arith.extui %sign3A_64 : i1 to i32
      %sign3A_66 = arith.constant 0 : i32
      %sign3A_67 = arith.cmpi slt, %jit3A, %sign3A_66 : i32
      %sign3A_68 = arith.extui %sign3A_67 : i1 to i32
      %sign3A_69 = arith.subi %sign3A_65, %sign3A_68 : i32
      %ne3A = arith.cmpi ne, %sign3A_62, %sign3A_69 : i32
      %rem3A = arith.remsi %scan3A_37, %jit3A : i32
      %ne3A_70 = arith.constant 0 : i32
      %ne3A_71 = arith.cmpi ne, %rem3A, %ne3A_70 : i32
      %and3A_72 = arith.andi %ne3A, %ne3A_71 : i1
      %sub3A_73 = arith.constant 1 : i32
      %sub3A_74 = arith.subi %div3A, %sub3A_73 : i32
      %select_n3A_75 = arith.select %and3A_72, %sub3A_74, %div3A : i32
      %jit3A_76 = arith.constant 8 : i32
      %eq3A_77 = arith.constant 0 : i32
      %eq3A_78 = arith.cmpi eq, %jit3A_76, %eq3A_77 : i32
      %jit3A_79 = arith.constant 1 : i32
      %select_n3A_80 = arith.select %eq3A_78, %jit3A_79, %jit3A_76 : i32
      %rem3A_81 = arith.remsi %scan3A_37, %select_n3A_80 : i32
      %ne3A_82 = arith.constant 0 : i32
      %ne3A_83 = arith.cmpi ne, %rem3A_81, %ne3A_82 : i32
      %lt3A_84 = arith.constant 0 : i32
      %lt3A_85 = arith.cmpi slt, %rem3A_81, %lt3A_84 : i32
      %lt3A_86 = arith.constant 0 : i32
      %lt3A_87 = arith.cmpi slt, %select_n3A_80, %lt3A_86 : i32
      %ne3A_88 = arith.xori %lt3A_85, %lt3A_87 : i1
      %and3A_89 = arith.andi %ne3A_88, %ne3A_83 : i1
      %add3A_90 = arith.addi %rem3A_81, %select_n3A_80 : i32
      %select_n3A_91 = arith.select %and3A_89, %add3A_90, %rem3A_81 : i32
      %mul3A_92 = arith.constant 16 : i32
      %mul3A_93 = arith.muli %select_n3A_91, %mul3A_92 : i32
      %swap3A = arith.index_cast %select_n3A_75 : i32 to index
      %swap3A_94 = arith.index_cast %mul3A_93 : i32 to index
      %swap3A_95 = tpu.vector_load %arg7[%swap3A, %swap3A_94] {strides = array<i32>} : memref<100x128xi32, #tpu.memory_space<vmem>>, vector<1x16xi32>,
      %swap3A_96 = vector.shape_cast %swap3A_95 : vector<1x16xi32> to vector<16xi32>
      %swap3A_97 = vector.shape_cast %select_n3A : vector<16xi32> to vector<1x16xi32>
      tpu.vector_store %arg7[%swap3A, %swap3A_94], %swap3A_97 {strides = array<i32>} : memref<100x128xi32, #tpu.memory_space<vmem>>, vector<1x16xi32>,
    }
    %scan3A_26 = arith.constant 800 : i32
    %barrier3A = arith.constant 0 : index
    tpu.barrier barrier_id(%barrier3A)
    %scan3A_27 = arith.constant 0 : i32
    %scan3A_28 = arith.constant 0 : i32
    %scan3A_29 = arith.constant 100 : i32
    %scan3A_30 = arith.addi %scan3A_28, %scan3A_29 : i32
    %scan3A_31 = arith.constant 1 : i32
    scf.for %scan3A_37 = %scan3A_28 to %scan3A_30 step %scan3A_31  : i32 {
      "tpu.region"() ({
        %run_scoped3A = tpu.sem_alloc : memref<!tpu.dma_semaphore, #tpu.memory_space<semaphore_mem>>
        %dma_start3A = arith.constant 0 : i32
        %dma_start3A_38 = tpu.memref_slice %arg7[%scan3A_37, %dma_start3A] : memref<100x128xi32, #tpu.memory_space<vmem>> -> memref<1x128xi32, #tpu.memory_space<vmem>>
        %dma_start3A_39 = tpu.memref_squeeze %dma_start3A_38 : memref<1x128xi32, #tpu.memory_space<vmem>> -> memref<128xi32, #tpu.memory_space<vmem>>
        %dma_start3A_40 = arith.constant 0 : i32
        %dma_start3A_41 = tpu.memref_slice %arg11[%dma_start3A_40] : memref<753792xf32, #tpu.memory_space<vmem_shared>> -> memref<753792xf32, #tpu.memory_space<vmem_shared>>
        tpu.enqueue_indirect_dma source(%arg8 : memref<128xf32, #tpu.memory_space<vmem>>) target(%dma_start3A_41 : memref<753792xf32, #tpu.memory_space<vmem_shared>>) offsets(%dma_start3A_39 : memref<128xi32, #tpu.memory_space<vmem>>) semaphore(%run_scoped3A : memref<!tpu.dma_semaphore, #tpu.memory_space<semaphore_mem>>) {add = true}
        %dma_wait3A = arith.constant 0 : i32
        %dma_wait3A_42 = tpu.memref_slice %arg7[%scan3A_37, %dma_wait3A] : memref<100x128xi32, #tpu.memory_space<vmem>> -> memref<1x128xi32, #tpu.memory_space<vmem>>
        %dma_wait3A_43 = tpu.memref_squeeze %dma_wait3A_42 : memref<1x128xi32, #tpu.memory_space<vmem>> -> memref<128xi32, #tpu.memory_space<vmem>>
        %dma_wait3A_44 = arith.constant 0 : i32
        %dma_wait3A_45 = tpu.memref_slice %arg11[%dma_wait3A_44] : memref<753792xf32, #tpu.memory_space<vmem_shared>> -> memref<753792xf32, #tpu.memory_space<vmem_shared>>
        tpu.wait_indirect_dma semaphore(%run_scoped3A : memref<!tpu.dma_semaphore, #tpu.memory_space<semaphore_mem>>) src(%arg8 : memref<128xf32, #tpu.memory_space<vmem>>) dst(%dma_wait3A_45 : memref<753792xf32, #tpu.memory_space<vmem_shared>>)
        tpu.yield
      }) : () -> ()
    }
    %scan3A_32 = arith.constant 100 : i32
    %barrier3A_33 = arith.constant 0 : index
    tpu.barrier barrier_id(%barrier3A_33)
    %mul3A_34 = arith.constant 47104 : i32
    %mul3A_35 = arith.muli %arg1, %mul3A_34 : i32
    %add3A_36 = arith.addi %mul3A_5, %mul3A_35 : i32
    "tpu.region"() ({
      %run_scoped3A = tpu.sem_alloc : memref<!tpu.dma_semaphore, #tpu.memory_space<semaphore_mem>>
      %dma_start3A = tpu.memref_slice %arg5[%add3A_36] : memref<1507328xf32, #tpu.memory_space<hbm>> -> memref<47104xf32, #tpu.memory_space<hbm>>
      %dma_start3A_37 = tpu.memref_slice %arg11[%mul3A_35] : memref<753792xf32, #tpu.memory_space<vmem_shared>> -> memref<47104xf32, #tpu.memory_space<vmem_shared>>
      tpu.enqueue_dma source(%dma_start3A_37 : memref<47104xf32, #tpu.memory_space<vmem_shared>>) target(%dma_start3A : memref<47104xf32, #tpu.memory_space<hbm>>) target_semaphore(%run_scoped3A : memref<!tpu.dma_semaphore, #tpu.memory_space<semaphore_mem>>)
      %dma_wait3A = tpu.memref_slice %arg5[%add3A_36] : memref<1507328xf32, #tpu.memory_space<hbm>> -> memref<47104xf32, #tpu.memory_space<hbm>>
      %dma_wait3A_38 = tpu.memref_slice %arg11[%mul3A_35] : memref<753792xf32, #tpu.memory_space<vmem_shared>> -> memref<47104xf32, #tpu.memory_space<vmem_shared>>
      tpu.wait_dma2 semaphore(%run_scoped3A : memref<!tpu.dma_semaphore, #tpu.memory_space<semaphore_mem>>) src(%dma_wait3A_38 : memref<47104xf32, #tpu.memory_space<vmem_shared>>) dst(%dma_wait3A : memref<47104xf32, #tpu.memory_space<hbm>>)
      tpu.yield
    }) : () -> ()
    return
  }
}

module attributes {stable_mosaic.version = 14 : i64} {
  func.func @body(%arg0: i32, %arg1: memref<300x8192xf32, #tpu.memory_space<vmem>>, %arg2: memref<8192xf32, #tpu.memory_space<vmem>>, %arg3: memref<300x128xf32, #tpu.memory_space<vmem>>) attributes {dimension_semantics = [#tpu.dimension_semantics<arbitrary>], iteration_bounds = array<i64: 184>, scalar_prefetch = 0 : i64, scratch_operands = 0 : i64, tpu.core_type = #tpu.core_type<tc>, window_params = [{transform_indices = @transform_0, window_bounds = array<i64: 300, 8192>}, {transform_indices = @transform_1, window_bounds = array<i64: 8192>}, {pipeline_mode = #tpu.pipeline_mode<synchronous>, transform_indices = @transform_2, window_bounds = array<i64: 300, 128>}]} {
    %eq3A = arith.constant 0 : i32
    %eq3A_0 = arith.cmpi eq, %arg0, %eq3A : i32
    %convert_element_type3A = arith.extui %eq3A_0 : i1 to i32
    %cond3A = arith.constant 0 : i32
    %cond3A_1 = arith.cmpi ne, %convert_element_type3A, %cond3A : i32
    scf.if %cond3A_1 {
      %broadcast_in_dim3A_391 = arith.constant 0.000000e+00 : f32
      %broadcast_in_dim3A_392 = vector.broadcast %broadcast_in_dim3A_391 : f32 to vector<300x128xf32>
      %swap3A_393 = arith.constant 0 : index
      %swap3A_394 = arith.constant 0 : index
      %swap3A_395 = vector.load %arg3[%swap3A_393, %swap3A_394] : memref<300x128xf32, #tpu.memory_space<vmem>>, vector<300x128xf32>
      tpu.vector_store %arg3[%swap3A_393, %swap3A_394], %broadcast_in_dim3A_392 {strides = array<i32>} : memref<300x128xf32, #tpu.memory_space<vmem>>, vector<300x128xf32>,
    } else {
    }
    %get3A = arith.constant 0 : index
    %get3A_2 = vector.load %arg2[%get3A] : memref<8192xf32, #tpu.memory_space<vmem>>, vector<8192xf32>
    %reshape3A = vector.shape_cast %get3A_2 : vector<8192xf32> to vector<64x128xf32>
    %get3A_3 = arith.constant 0 : index
    %get3A_4 = arith.constant 0 : index
    %get3A_5 = vector.load %arg3[%get3A_3, %get3A_4] : memref<300x128xf32, #tpu.memory_space<vmem>>, vector<300x128xf32>
    %get3A_6 = arith.constant 0 : index
    %get3A_7 = arith.constant 0 : index
    %get3A_8 = vector.load %arg1[%get3A_6, %get3A_7] : memref<300x8192xf32, #tpu.memory_space<vmem>>, vector<300x8192xf32>
    %slice3A = vector.extract_strided_slice %get3A_8 {offsets = [0, 0], sizes = [300, 128], strides = [1, 1]} : vector<300x8192xf32> to vector<300x128xf32>
    %slice3A_9 = vector.extract_strided_slice %reshape3A {offsets = [0, 0], sizes = [1, 128], strides = [1, 1]} : vector<64x128xf32> to vector<1x128xf32>
    %broadcast_in_dim3A = vector.shape_cast %slice3A_9 : vector<1x128xf32> to vector<1x128xf32>
    %broadcast_in_dim3A_10 = vector.broadcast %broadcast_in_dim3A : vector<1x128xf32> to vector<300x128xf32>
    %mul3A = arith.mulf %slice3A, %broadcast_in_dim3A_10 : vector<300x128xf32>
    %slice3A_11 = vector.extract_strided_slice %get3A_8 {offsets = [0, 128], sizes = [300, 128], strides = [1, 1]} : vector<300x8192xf32> to vector<300x128xf32>
    %slice3A_12 = vector.extract_strided_slice %reshape3A {offsets = [1, 0], sizes = [1, 128], strides = [1, 1]} : vector<64x128xf32> to vector<1x128xf32>
    %broadcast_in_dim3A_13 = vector.shape_cast %slice3A_12 : vector<1x128xf32> to vector<1x128xf32>
    %broadcast_in_dim3A_14 = vector.broadcast %broadcast_in_dim3A_13 : vector<1x128xf32> to vector<300x128xf32>
    %mul3A_15 = arith.mulf %slice3A_11, %broadcast_in_dim3A_14 : vector<300x128xf32>
    %add3A = arith.addf %mul3A, %mul3A_15 : vector<300x128xf32>
    %slice3A_16 = vector.extract_strided_slice %get3A_8 {offsets = [0, 256], sizes = [300, 128], strides = [1, 1]} : vector<300x8192xf32> to vector<300x128xf32>
    %slice3A_17 = vector.extract_strided_slice %reshape3A {offsets = [2, 0], sizes = [1, 128], strides = [1, 1]} : vector<64x128xf32> to vector<1x128xf32>
    %broadcast_in_dim3A_18 = vector.shape_cast %slice3A_17 : vector<1x128xf32> to vector<1x128xf32>
    %broadcast_in_dim3A_19 = vector.broadcast %broadcast_in_dim3A_18 : vector<1x128xf32> to vector<300x128xf32>
    %mul3A_20 = arith.mulf %slice3A_16, %broadcast_in_dim3A_19 : vector<300x128xf32>
    %add3A_21 = arith.addf %add3A, %mul3A_20 : vector<300x128xf32>
    %slice3A_22 = vector.extract_strided_slice %get3A_8 {offsets = [0, 384], sizes = [300, 128], strides = [1, 1]} : vector<300x8192xf32> to vector<300x128xf32>
    %slice3A_23 = vector.extract_strided_slice %reshape3A {offsets = [3, 0], sizes = [1, 128], strides = [1, 1]} : vector<64x128xf32> to vector<1x128xf32>
    %broadcast_in_dim3A_24 = vector.shape_cast %slice3A_23 : vector<1x128xf32> to vector<1x128xf32>
    %broadcast_in_dim3A_25 = vector.broadcast %broadcast_in_dim3A_24 : vector<1x128xf32> to vector<300x128xf32>
    %mul3A_26 = arith.mulf %slice3A_22, %broadcast_in_dim3A_25 : vector<300x128xf32>
    %add3A_27 = arith.addf %add3A_21, %mul3A_26 : vector<300x128xf32>
    %slice3A_28 = vector.extract_strided_slice %get3A_8 {offsets = [0, 512], sizes = [300, 128], strides = [1, 1]} : vector<300x8192xf32> to vector<300x128xf32>
    %slice3A_29 = vector.extract_strided_slice %reshape3A {offsets = [4, 0], sizes = [1, 128], strides = [1, 1]} : vector<64x128xf32> to vector<1x128xf32>
    %broadcast_in_dim3A_30 = vector.shape_cast %slice3A_29 : vector<1x128xf32> to vector<1x128xf32>
    %broadcast_in_dim3A_31 = vector.broadcast %broadcast_in_dim3A_30 : vector<1x128xf32> to vector<300x128xf32>
    %mul3A_32 = arith.mulf %slice3A_28, %broadcast_in_dim3A_31 : vector<300x128xf32>
    %add3A_33 = arith.addf %add3A_27, %mul3A_32 : vector<300x128xf32>
    %slice3A_34 = vector.extract_strided_slice %get3A_8 {offsets = [0, 640], sizes = [300, 128], strides = [1, 1]} : vector<300x8192xf32> to vector<300x128xf32>
    %slice3A_35 = vector.extract_strided_slice %reshape3A {offsets = [5, 0], sizes = [1, 128], strides = [1, 1]} : vector<64x128xf32> to vector<1x128xf32>
    %broadcast_in_dim3A_36 = vector.shape_cast %slice3A_35 : vector<1x128xf32> to vector<1x128xf32>
    %broadcast_in_dim3A_37 = vector.broadcast %broadcast_in_dim3A_36 : vector<1x128xf32> to vector<300x128xf32>
    %mul3A_38 = arith.mulf %slice3A_34, %broadcast_in_dim3A_37 : vector<300x128xf32>
    %add3A_39 = arith.addf %add3A_33, %mul3A_38 : vector<300x128xf32>
    %slice3A_40 = vector.extract_strided_slice %get3A_8 {offsets = [0, 768], sizes = [300, 128], strides = [1, 1]} : vector<300x8192xf32> to vector<300x128xf32>
    %slice3A_41 = vector.extract_strided_slice %reshape3A {offsets = [6, 0], sizes = [1, 128], strides = [1, 1]} : vector<64x128xf32> to vector<1x128xf32>
    %broadcast_in_dim3A_42 = vector.shape_cast %slice3A_41 : vector<1x128xf32> to vector<1x128xf32>
    %broadcast_in_dim3A_43 = vector.broadcast %broadcast_in_dim3A_42 : vector<1x128xf32> to vector<300x128xf32>
    %mul3A_44 = arith.mulf %slice3A_40, %broadcast_in_dim3A_43 : vector<300x128xf32>
    %add3A_45 = arith.addf %add3A_39, %mul3A_44 : vector<300x128xf32>
    %slice3A_46 = vector.extract_strided_slice %get3A_8 {offsets = [0, 896], sizes = [300, 128], strides = [1, 1]} : vector<300x8192xf32> to vector<300x128xf32>
    %slice3A_47 = vector.extract_strided_slice %reshape3A {offsets = [7, 0], sizes = [1, 128], strides = [1, 1]} : vector<64x128xf32> to vector<1x128xf32>
    %broadcast_in_dim3A_48 = vector.shape_cast %slice3A_47 : vector<1x128xf32> to vector<1x128xf32>
    %broadcast_in_dim3A_49 = vector.broadcast %broadcast_in_dim3A_48 : vector<1x128xf32> to vector<300x128xf32>
    %mul3A_50 = arith.mulf %slice3A_46, %broadcast_in_dim3A_49 : vector<300x128xf32>
    %add3A_51 = arith.addf %add3A_45, %mul3A_50 : vector<300x128xf32>
    %slice3A_52 = vector.extract_strided_slice %get3A_8 {offsets = [0, 1024], sizes = [300, 128], strides = [1, 1]} : vector<300x8192xf32> to vector<300x128xf32>
    %slice3A_53 = vector.extract_strided_slice %reshape3A {offsets = [8, 0], sizes = [1, 128], strides = [1, 1]} : vector<64x128xf32> to vector<1x128xf32>
    %broadcast_in_dim3A_54 = vector.shape_cast %slice3A_53 : vector<1x128xf32> to vector<1x128xf32>
    %broadcast_in_dim3A_55 = vector.broadcast %broadcast_in_dim3A_54 : vector<1x128xf32> to vector<300x128xf32>
    %mul3A_56 = arith.mulf %slice3A_52, %broadcast_in_dim3A_55 : vector<300x128xf32>
    %add3A_57 = arith.addf %add3A_51, %mul3A_56 : vector<300x128xf32>
    %slice3A_58 = vector.extract_strided_slice %get3A_8 {offsets = [0, 1152], sizes = [300, 128], strides = [1, 1]} : vector<300x8192xf32> to vector<300x128xf32>
    %slice3A_59 = vector.extract_strided_slice %reshape3A {offsets = [9, 0], sizes = [1, 128], strides = [1, 1]} : vector<64x128xf32> to vector<1x128xf32>
    %broadcast_in_dim3A_60 = vector.shape_cast %slice3A_59 : vector<1x128xf32> to vector<1x128xf32>
    %broadcast_in_dim3A_61 = vector.broadcast %broadcast_in_dim3A_60 : vector<1x128xf32> to vector<300x128xf32>
    %mul3A_62 = arith.mulf %slice3A_58, %broadcast_in_dim3A_61 : vector<300x128xf32>
    %add3A_63 = arith.addf %add3A_57, %mul3A_62 : vector<300x128xf32>
    %slice3A_64 = vector.extract_strided_slice %get3A_8 {offsets = [0, 1280], sizes = [300, 128], strides = [1, 1]} : vector<300x8192xf32> to vector<300x128xf32>
    %slice3A_65 = vector.extract_strided_slice %reshape3A {offsets = [10, 0], sizes = [1, 128], strides = [1, 1]} : vector<64x128xf32> to vector<1x128xf32>
    %broadcast_in_dim3A_66 = vector.shape_cast %slice3A_65 : vector<1x128xf32> to vector<1x128xf32>
    %broadcast_in_dim3A_67 = vector.broadcast %broadcast_in_dim3A_66 : vector<1x128xf32> to vector<300x128xf32>
    %mul3A_68 = arith.mulf %slice3A_64, %broadcast_in_dim3A_67 : vector<300x128xf32>
    %add3A_69 = arith.addf %add3A_63, %mul3A_68 : vector<300x128xf32>
    %slice3A_70 = vector.extract_strided_slice %get3A_8 {offsets = [0, 1408], sizes = [300, 128], strides = [1, 1]} : vector<300x8192xf32> to vector<300x128xf32>
    %slice3A_71 = vector.extract_strided_slice %reshape3A {offsets = [11, 0], sizes = [1, 128], strides = [1, 1]} : vector<64x128xf32> to vector<1x128xf32>
    %broadcast_in_dim3A_72 = vector.shape_cast %slice3A_71 : vector<1x128xf32> to vector<1x128xf32>
    %broadcast_in_dim3A_73 = vector.broadcast %broadcast_in_dim3A_72 : vector<1x128xf32> to vector<300x128xf32>
    %mul3A_74 = arith.mulf %slice3A_70, %broadcast_in_dim3A_73 : vector<300x128xf32>
    %add3A_75 = arith.addf %add3A_69, %mul3A_74 : vector<300x128xf32>
    %slice3A_76 = vector.extract_strided_slice %get3A_8 {offsets = [0, 1536], sizes = [300, 128], strides = [1, 1]} : vector<300x8192xf32> to vector<300x128xf32>
    %slice3A_77 = vector.extract_strided_slice %reshape3A {offsets = [12, 0], sizes = [1, 128], strides = [1, 1]} : vector<64x128xf32> to vector<1x128xf32>
    %broadcast_in_dim3A_78 = vector.shape_cast %slice3A_77 : vector<1x128xf32> to vector<1x128xf32>
    %broadcast_in_dim3A_79 = vector.broadcast %broadcast_in_dim3A_78 : vector<1x128xf32> to vector<300x128xf32>
    %mul3A_80 = arith.mulf %slice3A_76, %broadcast_in_dim3A_79 : vector<300x128xf32>
    %add3A_81 = arith.addf %add3A_75, %mul3A_80 : vector<300x128xf32>
    %slice3A_82 = vector.extract_strided_slice %get3A_8 {offsets = [0, 1664], sizes = [300, 128], strides = [1, 1]} : vector<300x8192xf32> to vector<300x128xf32>
    %slice3A_83 = vector.extract_strided_slice %reshape3A {offsets = [13, 0], sizes = [1, 128], strides = [1, 1]} : vector<64x128xf32> to vector<1x128xf32>
    %broadcast_in_dim3A_84 = vector.shape_cast %slice3A_83 : vector<1x128xf32> to vector<1x128xf32>
    %broadcast_in_dim3A_85 = vector.broadcast %broadcast_in_dim3A_84 : vector<1x128xf32> to vector<300x128xf32>
    %mul3A_86 = arith.mulf %slice3A_82, %broadcast_in_dim3A_85 : vector<300x128xf32>
    %add3A_87 = arith.addf %add3A_81, %mul3A_86 : vector<300x128xf32>
    %slice3A_88 = vector.extract_strided_slice %get3A_8 {offsets = [0, 1792], sizes = [300, 128], strides = [1, 1]} : vector<300x8192xf32> to vector<300x128xf32>
    %slice3A_89 = vector.extract_strided_slice %reshape3A {offsets = [14, 0], sizes = [1, 128], strides = [1, 1]} : vector<64x128xf32> to vector<1x128xf32>
    %broadcast_in_dim3A_90 = vector.shape_cast %slice3A_89 : vector<1x128xf32> to vector<1x128xf32>
    %broadcast_in_dim3A_91 = vector.broadcast %broadcast_in_dim3A_90 : vector<1x128xf32> to vector<300x128xf32>
    %mul3A_92 = arith.mulf %slice3A_88, %broadcast_in_dim3A_91 : vector<300x128xf32>
    %add3A_93 = arith.addf %add3A_87, %mul3A_92 : vector<300x128xf32>
    %slice3A_94 = vector.extract_strided_slice %get3A_8 {offsets = [0, 1920], sizes = [300, 128], strides = [1, 1]} : vector<300x8192xf32> to vector<300x128xf32>
    %slice3A_95 = vector.extract_strided_slice %reshape3A {offsets = [15, 0], sizes = [1, 128], strides = [1, 1]} : vector<64x128xf32> to vector<1x128xf32>
    %broadcast_in_dim3A_96 = vector.shape_cast %slice3A_95 : vector<1x128xf32> to vector<1x128xf32>
    %broadcast_in_dim3A_97 = vector.broadcast %broadcast_in_dim3A_96 : vector<1x128xf32> to vector<300x128xf32>
    %mul3A_98 = arith.mulf %slice3A_94, %broadcast_in_dim3A_97 : vector<300x128xf32>
    %add3A_99 = arith.addf %add3A_93, %mul3A_98 : vector<300x128xf32>
    %slice3A_100 = vector.extract_strided_slice %get3A_8 {offsets = [0, 2048], sizes = [300, 128], strides = [1, 1]} : vector<300x8192xf32> to vector<300x128xf32>
    %slice3A_101 = vector.extract_strided_slice %reshape3A {offsets = [16, 0], sizes = [1, 128], strides = [1, 1]} : vector<64x128xf32> to vector<1x128xf32>
    %broadcast_in_dim3A_102 = vector.shape_cast %slice3A_101 : vector<1x128xf32> to vector<1x128xf32>
    %broadcast_in_dim3A_103 = vector.broadcast %broadcast_in_dim3A_102 : vector<1x128xf32> to vector<300x128xf32>
    %mul3A_104 = arith.mulf %slice3A_100, %broadcast_in_dim3A_103 : vector<300x128xf32>
    %add3A_105 = arith.addf %add3A_99, %mul3A_104 : vector<300x128xf32>
    %slice3A_106 = vector.extract_strided_slice %get3A_8 {offsets = [0, 2176], sizes = [300, 128], strides = [1, 1]} : vector<300x8192xf32> to vector<300x128xf32>
    %slice3A_107 = vector.extract_strided_slice %reshape3A {offsets = [17, 0], sizes = [1, 128], strides = [1, 1]} : vector<64x128xf32> to vector<1x128xf32>
    %broadcast_in_dim3A_108 = vector.shape_cast %slice3A_107 : vector<1x128xf32> to vector<1x128xf32>
    %broadcast_in_dim3A_109 = vector.broadcast %broadcast_in_dim3A_108 : vector<1x128xf32> to vector<300x128xf32>
    %mul3A_110 = arith.mulf %slice3A_106, %broadcast_in_dim3A_109 : vector<300x128xf32>
    %add3A_111 = arith.addf %add3A_105, %mul3A_110 : vector<300x128xf32>
    %slice3A_112 = vector.extract_strided_slice %get3A_8 {offsets = [0, 2304], sizes = [300, 128], strides = [1, 1]} : vector<300x8192xf32> to vector<300x128xf32>
    %slice3A_113 = vector.extract_strided_slice %reshape3A {offsets = [18, 0], sizes = [1, 128], strides = [1, 1]} : vector<64x128xf32> to vector<1x128xf32>
    %broadcast_in_dim3A_114 = vector.shape_cast %slice3A_113 : vector<1x128xf32> to vector<1x128xf32>
    %broadcast_in_dim3A_115 = vector.broadcast %broadcast_in_dim3A_114 : vector<1x128xf32> to vector<300x128xf32>
    %mul3A_116 = arith.mulf %slice3A_112, %broadcast_in_dim3A_115 : vector<300x128xf32>
    %add3A_117 = arith.addf %add3A_111, %mul3A_116 : vector<300x128xf32>
    %slice3A_118 = vector.extract_strided_slice %get3A_8 {offsets = [0, 2432], sizes = [300, 128], strides = [1, 1]} : vector<300x8192xf32> to vector<300x128xf32>
    %slice3A_119 = vector.extract_strided_slice %reshape3A {offsets = [19, 0], sizes = [1, 128], strides = [1, 1]} : vector<64x128xf32> to vector<1x128xf32>
    %broadcast_in_dim3A_120 = vector.shape_cast %slice3A_119 : vector<1x128xf32> to vector<1x128xf32>
    %broadcast_in_dim3A_121 = vector.broadcast %broadcast_in_dim3A_120 : vector<1x128xf32> to vector<300x128xf32>
    %mul3A_122 = arith.mulf %slice3A_118, %broadcast_in_dim3A_121 : vector<300x128xf32>
    %add3A_123 = arith.addf %add3A_117, %mul3A_122 : vector<300x128xf32>
    %slice3A_124 = vector.extract_strided_slice %get3A_8 {offsets = [0, 2560], sizes = [300, 128], strides = [1, 1]} : vector<300x8192xf32> to vector<300x128xf32>
    %slice3A_125 = vector.extract_strided_slice %reshape3A {offsets = [20, 0], sizes = [1, 128], strides = [1, 1]} : vector<64x128xf32> to vector<1x128xf32>
    %broadcast_in_dim3A_126 = vector.shape_cast %slice3A_125 : vector<1x128xf32> to vector<1x128xf32>
    %broadcast_in_dim3A_127 = vector.broadcast %broadcast_in_dim3A_126 : vector<1x128xf32> to vector<300x128xf32>
    %mul3A_128 = arith.mulf %slice3A_124, %broadcast_in_dim3A_127 : vector<300x128xf32>
    %add3A_129 = arith.addf %add3A_123, %mul3A_128 : vector<300x128xf32>
    %slice3A_130 = vector.extract_strided_slice %get3A_8 {offsets = [0, 2688], sizes = [300, 128], strides = [1, 1]} : vector<300x8192xf32> to vector<300x128xf32>
    %slice3A_131 = vector.extract_strided_slice %reshape3A {offsets = [21, 0], sizes = [1, 128], strides = [1, 1]} : vector<64x128xf32> to vector<1x128xf32>
    %broadcast_in_dim3A_132 = vector.shape_cast %slice3A_131 : vector<1x128xf32> to vector<1x128xf32>
    %broadcast_in_dim3A_133 = vector.broadcast %broadcast_in_dim3A_132 : vector<1x128xf32> to vector<300x128xf32>
    %mul3A_134 = arith.mulf %slice3A_130, %broadcast_in_dim3A_133 : vector<300x128xf32>
    %add3A_135 = arith.addf %add3A_129, %mul3A_134 : vector<300x128xf32>
    %slice3A_136 = vector.extract_strided_slice %get3A_8 {offsets = [0, 2816], sizes = [300, 128], strides = [1, 1]} : vector<300x8192xf32> to vector<300x128xf32>
    %slice3A_137 = vector.extract_strided_slice %reshape3A {offsets = [22, 0], sizes = [1, 128], strides = [1, 1]} : vector<64x128xf32> to vector<1x128xf32>
    %broadcast_in_dim3A_138 = vector.shape_cast %slice3A_137 : vector<1x128xf32> to vector<1x128xf32>
    %broadcast_in_dim3A_139 = vector.broadcast %broadcast_in_dim3A_138 : vector<1x128xf32> to vector<300x128xf32>
    %mul3A_140 = arith.mulf %slice3A_136, %broadcast_in_dim3A_139 : vector<300x128xf32>
    %add3A_141 = arith.addf %add3A_135, %mul3A_140 : vector<300x128xf32>
    %slice3A_142 = vector.extract_strided_slice %get3A_8 {offsets = [0, 2944], sizes = [300, 128], strides = [1, 1]} : vector<300x8192xf32> to vector<300x128xf32>
    %slice3A_143 = vector.extract_strided_slice %reshape3A {offsets = [23, 0], sizes = [1, 128], strides = [1, 1]} : vector<64x128xf32> to vector<1x128xf32>
    %broadcast_in_dim3A_144 = vector.shape_cast %slice3A_143 : vector<1x128xf32> to vector<1x128xf32>
    %broadcast_in_dim3A_145 = vector.broadcast %broadcast_in_dim3A_144 : vector<1x128xf32> to vector<300x128xf32>
    %mul3A_146 = arith.mulf %slice3A_142, %broadcast_in_dim3A_145 : vector<300x128xf32>
    %add3A_147 = arith.addf %add3A_141, %mul3A_146 : vector<300x128xf32>
    %slice3A_148 = vector.extract_strided_slice %get3A_8 {offsets = [0, 3072], sizes = [300, 128], strides = [1, 1]} : vector<300x8192xf32> to vector<300x128xf32>
    %slice3A_149 = vector.extract_strided_slice %reshape3A {offsets = [24, 0], sizes = [1, 128], strides = [1, 1]} : vector<64x128xf32> to vector<1x128xf32>
    %broadcast_in_dim3A_150 = vector.shape_cast %slice3A_149 : vector<1x128xf32> to vector<1x128xf32>
    %broadcast_in_dim3A_151 = vector.broadcast %broadcast_in_dim3A_150 : vector<1x128xf32> to vector<300x128xf32>
    %mul3A_152 = arith.mulf %slice3A_148, %broadcast_in_dim3A_151 : vector<300x128xf32>
    %add3A_153 = arith.addf %add3A_147, %mul3A_152 : vector<300x128xf32>
    %slice3A_154 = vector.extract_strided_slice %get3A_8 {offsets = [0, 3200], sizes = [300, 128], strides = [1, 1]} : vector<300x8192xf32> to vector<300x128xf32>
    %slice3A_155 = vector.extract_strided_slice %reshape3A {offsets = [25, 0], sizes = [1, 128], strides = [1, 1]} : vector<64x128xf32> to vector<1x128xf32>
    %broadcast_in_dim3A_156 = vector.shape_cast %slice3A_155 : vector<1x128xf32> to vector<1x128xf32>
    %broadcast_in_dim3A_157 = vector.broadcast %broadcast_in_dim3A_156 : vector<1x128xf32> to vector<300x128xf32>
    %mul3A_158 = arith.mulf %slice3A_154, %broadcast_in_dim3A_157 : vector<300x128xf32>
    %add3A_159 = arith.addf %add3A_153, %mul3A_158 : vector<300x128xf32>
    %slice3A_160 = vector.extract_strided_slice %get3A_8 {offsets = [0, 3328], sizes = [300, 128], strides = [1, 1]} : vector<300x8192xf32> to vector<300x128xf32>
    %slice3A_161 = vector.extract_strided_slice %reshape3A {offsets = [26, 0], sizes = [1, 128], strides = [1, 1]} : vector<64x128xf32> to vector<1x128xf32>
    %broadcast_in_dim3A_162 = vector.shape_cast %slice3A_161 : vector<1x128xf32> to vector<1x128xf32>
    %broadcast_in_dim3A_163 = vector.broadcast %broadcast_in_dim3A_162 : vector<1x128xf32> to vector<300x128xf32>
    %mul3A_164 = arith.mulf %slice3A_160, %broadcast_in_dim3A_163 : vector<300x128xf32>
    %add3A_165 = arith.addf %add3A_159, %mul3A_164 : vector<300x128xf32>
    %slice3A_166 = vector.extract_strided_slice %get3A_8 {offsets = [0, 3456], sizes = [300, 128], strides = [1, 1]} : vector<300x8192xf32> to vector<300x128xf32>
    %slice3A_167 = vector.extract_strided_slice %reshape3A {offsets = [27, 0], sizes = [1, 128], strides = [1, 1]} : vector<64x128xf32> to vector<1x128xf32>
    %broadcast_in_dim3A_168 = vector.shape_cast %slice3A_167 : vector<1x128xf32> to vector<1x128xf32>
    %broadcast_in_dim3A_169 = vector.broadcast %broadcast_in_dim3A_168 : vector<1x128xf32> to vector<300x128xf32>
    %mul3A_170 = arith.mulf %slice3A_166, %broadcast_in_dim3A_169 : vector<300x128xf32>
    %add3A_171 = arith.addf %add3A_165, %mul3A_170 : vector<300x128xf32>
    %slice3A_172 = vector.extract_strided_slice %get3A_8 {offsets = [0, 3584], sizes = [300, 128], strides = [1, 1]} : vector<300x8192xf32> to vector<300x128xf32>
    %slice3A_173 = vector.extract_strided_slice %reshape3A {offsets = [28, 0], sizes = [1, 128], strides = [1, 1]} : vector<64x128xf32> to vector<1x128xf32>
    %broadcast_in_dim3A_174 = vector.shape_cast %slice3A_173 : vector<1x128xf32> to vector<1x128xf32>
    %broadcast_in_dim3A_175 = vector.broadcast %broadcast_in_dim3A_174 : vector<1x128xf32> to vector<300x128xf32>
    %mul3A_176 = arith.mulf %slice3A_172, %broadcast_in_dim3A_175 : vector<300x128xf32>
    %add3A_177 = arith.addf %add3A_171, %mul3A_176 : vector<300x128xf32>
    %slice3A_178 = vector.extract_strided_slice %get3A_8 {offsets = [0, 3712], sizes = [300, 128], strides = [1, 1]} : vector<300x8192xf32> to vector<300x128xf32>
    %slice3A_179 = vector.extract_strided_slice %reshape3A {offsets = [29, 0], sizes = [1, 128], strides = [1, 1]} : vector<64x128xf32> to vector<1x128xf32>
    %broadcast_in_dim3A_180 = vector.shape_cast %slice3A_179 : vector<1x128xf32> to vector<1x128xf32>
    %broadcast_in_dim3A_181 = vector.broadcast %broadcast_in_dim3A_180 : vector<1x128xf32> to vector<300x128xf32>
    %mul3A_182 = arith.mulf %slice3A_178, %broadcast_in_dim3A_181 : vector<300x128xf32>
    %add3A_183 = arith.addf %add3A_177, %mul3A_182 : vector<300x128xf32>
    %slice3A_184 = vector.extract_strided_slice %get3A_8 {offsets = [0, 3840], sizes = [300, 128], strides = [1, 1]} : vector<300x8192xf32> to vector<300x128xf32>
    %slice3A_185 = vector.extract_strided_slice %reshape3A {offsets = [30, 0], sizes = [1, 128], strides = [1, 1]} : vector<64x128xf32> to vector<1x128xf32>
    %broadcast_in_dim3A_186 = vector.shape_cast %slice3A_185 : vector<1x128xf32> to vector<1x128xf32>
    %broadcast_in_dim3A_187 = vector.broadcast %broadcast_in_dim3A_186 : vector<1x128xf32> to vector<300x128xf32>
    %mul3A_188 = arith.mulf %slice3A_184, %broadcast_in_dim3A_187 : vector<300x128xf32>
    %add3A_189 = arith.addf %add3A_183, %mul3A_188 : vector<300x128xf32>
    %slice3A_190 = vector.extract_strided_slice %get3A_8 {offsets = [0, 3968], sizes = [300, 128], strides = [1, 1]} : vector<300x8192xf32> to vector<300x128xf32>
    %slice3A_191 = vector.extract_strided_slice %reshape3A {offsets = [31, 0], sizes = [1, 128], strides = [1, 1]} : vector<64x128xf32> to vector<1x128xf32>
    %broadcast_in_dim3A_192 = vector.shape_cast %slice3A_191 : vector<1x128xf32> to vector<1x128xf32>
    %broadcast_in_dim3A_193 = vector.broadcast %broadcast_in_dim3A_192 : vector<1x128xf32> to vector<300x128xf32>
    %mul3A_194 = arith.mulf %slice3A_190, %broadcast_in_dim3A_193 : vector<300x128xf32>
    %add3A_195 = arith.addf %add3A_189, %mul3A_194 : vector<300x128xf32>
    %slice3A_196 = vector.extract_strided_slice %get3A_8 {offsets = [0, 4096], sizes = [300, 128], strides = [1, 1]} : vector<300x8192xf32> to vector<300x128xf32>
    %slice3A_197 = vector.extract_strided_slice %reshape3A {offsets = [32, 0], sizes = [1, 128], strides = [1, 1]} : vector<64x128xf32> to vector<1x128xf32>
    %broadcast_in_dim3A_198 = vector.shape_cast %slice3A_197 : vector<1x128xf32> to vector<1x128xf32>
    %broadcast_in_dim3A_199 = vector.broadcast %broadcast_in_dim3A_198 : vector<1x128xf32> to vector<300x128xf32>
    %mul3A_200 = arith.mulf %slice3A_196, %broadcast_in_dim3A_199 : vector<300x128xf32>
    %add3A_201 = arith.addf %add3A_195, %mul3A_200 : vector<300x128xf32>
    %slice3A_202 = vector.extract_strided_slice %get3A_8 {offsets = [0, 4224], sizes = [300, 128], strides = [1, 1]} : vector<300x8192xf32> to vector<300x128xf32>
    %slice3A_203 = vector.extract_strided_slice %reshape3A {offsets = [33, 0], sizes = [1, 128], strides = [1, 1]} : vector<64x128xf32> to vector<1x128xf32>
    %broadcast_in_dim3A_204 = vector.shape_cast %slice3A_203 : vector<1x128xf32> to vector<1x128xf32>
    %broadcast_in_dim3A_205 = vector.broadcast %broadcast_in_dim3A_204 : vector<1x128xf32> to vector<300x128xf32>
    %mul3A_206 = arith.mulf %slice3A_202, %broadcast_in_dim3A_205 : vector<300x128xf32>
    %add3A_207 = arith.addf %add3A_201, %mul3A_206 : vector<300x128xf32>
    %slice3A_208 = vector.extract_strided_slice %get3A_8 {offsets = [0, 4352], sizes = [300, 128], strides = [1, 1]} : vector<300x8192xf32> to vector<300x128xf32>
    %slice3A_209 = vector.extract_strided_slice %reshape3A {offsets = [34, 0], sizes = [1, 128], strides = [1, 1]} : vector<64x128xf32> to vector<1x128xf32>
    %broadcast_in_dim3A_210 = vector.shape_cast %slice3A_209 : vector<1x128xf32> to vector<1x128xf32>
    %broadcast_in_dim3A_211 = vector.broadcast %broadcast_in_dim3A_210 : vector<1x128xf32> to vector<300x128xf32>
    %mul3A_212 = arith.mulf %slice3A_208, %broadcast_in_dim3A_211 : vector<300x128xf32>
    %add3A_213 = arith.addf %add3A_207, %mul3A_212 : vector<300x128xf32>
    %slice3A_214 = vector.extract_strided_slice %get3A_8 {offsets = [0, 4480], sizes = [300, 128], strides = [1, 1]} : vector<300x8192xf32> to vector<300x128xf32>
    %slice3A_215 = vector.extract_strided_slice %reshape3A {offsets = [35, 0], sizes = [1, 128], strides = [1, 1]} : vector<64x128xf32> to vector<1x128xf32>
    %broadcast_in_dim3A_216 = vector.shape_cast %slice3A_215 : vector<1x128xf32> to vector<1x128xf32>
    %broadcast_in_dim3A_217 = vector.broadcast %broadcast_in_dim3A_216 : vector<1x128xf32> to vector<300x128xf32>
    %mul3A_218 = arith.mulf %slice3A_214, %broadcast_in_dim3A_217 : vector<300x128xf32>
    %add3A_219 = arith.addf %add3A_213, %mul3A_218 : vector<300x128xf32>
    %slice3A_220 = vector.extract_strided_slice %get3A_8 {offsets = [0, 4608], sizes = [300, 128], strides = [1, 1]} : vector<300x8192xf32> to vector<300x128xf32>
    %slice3A_221 = vector.extract_strided_slice %reshape3A {offsets = [36, 0], sizes = [1, 128], strides = [1, 1]} : vector<64x128xf32> to vector<1x128xf32>
    %broadcast_in_dim3A_222 = vector.shape_cast %slice3A_221 : vector<1x128xf32> to vector<1x128xf32>
    %broadcast_in_dim3A_223 = vector.broadcast %broadcast_in_dim3A_222 : vector<1x128xf32> to vector<300x128xf32>
    %mul3A_224 = arith.mulf %slice3A_220, %broadcast_in_dim3A_223 : vector<300x128xf32>
    %add3A_225 = arith.addf %add3A_219, %mul3A_224 : vector<300x128xf32>
    %slice3A_226 = vector.extract_strided_slice %get3A_8 {offsets = [0, 4736], sizes = [300, 128], strides = [1, 1]} : vector<300x8192xf32> to vector<300x128xf32>
    %slice3A_227 = vector.extract_strided_slice %reshape3A {offsets = [37, 0], sizes = [1, 128], strides = [1, 1]} : vector<64x128xf32> to vector<1x128xf32>
    %broadcast_in_dim3A_228 = vector.shape_cast %slice3A_227 : vector<1x128xf32> to vector<1x128xf32>
    %broadcast_in_dim3A_229 = vector.broadcast %broadcast_in_dim3A_228 : vector<1x128xf32> to vector<300x128xf32>
    %mul3A_230 = arith.mulf %slice3A_226, %broadcast_in_dim3A_229 : vector<300x128xf32>
    %add3A_231 = arith.addf %add3A_225, %mul3A_230 : vector<300x128xf32>
    %slice3A_232 = vector.extract_strided_slice %get3A_8 {offsets = [0, 4864], sizes = [300, 128], strides = [1, 1]} : vector<300x8192xf32> to vector<300x128xf32>
    %slice3A_233 = vector.extract_strided_slice %reshape3A {offsets = [38, 0], sizes = [1, 128], strides = [1, 1]} : vector<64x128xf32> to vector<1x128xf32>
    %broadcast_in_dim3A_234 = vector.shape_cast %slice3A_233 : vector<1x128xf32> to vector<1x128xf32>
    %broadcast_in_dim3A_235 = vector.broadcast %broadcast_in_dim3A_234 : vector<1x128xf32> to vector<300x128xf32>
    %mul3A_236 = arith.mulf %slice3A_232, %broadcast_in_dim3A_235 : vector<300x128xf32>
    %add3A_237 = arith.addf %add3A_231, %mul3A_236 : vector<300x128xf32>
    %slice3A_238 = vector.extract_strided_slice %get3A_8 {offsets = [0, 4992], sizes = [300, 128], strides = [1, 1]} : vector<300x8192xf32> to vector<300x128xf32>
    %slice3A_239 = vector.extract_strided_slice %reshape3A {offsets = [39, 0], sizes = [1, 128], strides = [1, 1]} : vector<64x128xf32> to vector<1x128xf32>
    %broadcast_in_dim3A_240 = vector.shape_cast %slice3A_239 : vector<1x128xf32> to vector<1x128xf32>
    %broadcast_in_dim3A_241 = vector.broadcast %broadcast_in_dim3A_240 : vector<1x128xf32> to vector<300x128xf32>
    %mul3A_242 = arith.mulf %slice3A_238, %broadcast_in_dim3A_241 : vector<300x128xf32>
    %add3A_243 = arith.addf %add3A_237, %mul3A_242 : vector<300x128xf32>
    %slice3A_244 = vector.extract_strided_slice %get3A_8 {offsets = [0, 5120], sizes = [300, 128], strides = [1, 1]} : vector<300x8192xf32> to vector<300x128xf32>
    %slice3A_245 = vector.extract_strided_slice %reshape3A {offsets = [40, 0], sizes = [1, 128], strides = [1, 1]} : vector<64x128xf32> to vector<1x128xf32>
    %broadcast_in_dim3A_246 = vector.shape_cast %slice3A_245 : vector<1x128xf32> to vector<1x128xf32>
    %broadcast_in_dim3A_247 = vector.broadcast %broadcast_in_dim3A_246 : vector<1x128xf32> to vector<300x128xf32>
    %mul3A_248 = arith.mulf %slice3A_244, %broadcast_in_dim3A_247 : vector<300x128xf32>
    %add3A_249 = arith.addf %add3A_243, %mul3A_248 : vector<300x128xf32>
    %slice3A_250 = vector.extract_strided_slice %get3A_8 {offsets = [0, 5248], sizes = [300, 128], strides = [1, 1]} : vector<300x8192xf32> to vector<300x128xf32>
    %slice3A_251 = vector.extract_strided_slice %reshape3A {offsets = [41, 0], sizes = [1, 128], strides = [1, 1]} : vector<64x128xf32> to vector<1x128xf32>
    %broadcast_in_dim3A_252 = vector.shape_cast %slice3A_251 : vector<1x128xf32> to vector<1x128xf32>
    %broadcast_in_dim3A_253 = vector.broadcast %broadcast_in_dim3A_252 : vector<1x128xf32> to vector<300x128xf32>
    %mul3A_254 = arith.mulf %slice3A_250, %broadcast_in_dim3A_253 : vector<300x128xf32>
    %add3A_255 = arith.addf %add3A_249, %mul3A_254 : vector<300x128xf32>
    %slice3A_256 = vector.extract_strided_slice %get3A_8 {offsets = [0, 5376], sizes = [300, 128], strides = [1, 1]} : vector<300x8192xf32> to vector<300x128xf32>
    %slice3A_257 = vector.extract_strided_slice %reshape3A {offsets = [42, 0], sizes = [1, 128], strides = [1, 1]} : vector<64x128xf32> to vector<1x128xf32>
    %broadcast_in_dim3A_258 = vector.shape_cast %slice3A_257 : vector<1x128xf32> to vector<1x128xf32>
    %broadcast_in_dim3A_259 = vector.broadcast %broadcast_in_dim3A_258 : vector<1x128xf32> to vector<300x128xf32>
    %mul3A_260 = arith.mulf %slice3A_256, %broadcast_in_dim3A_259 : vector<300x128xf32>
    %add3A_261 = arith.addf %add3A_255, %mul3A_260 : vector<300x128xf32>
    %slice3A_262 = vector.extract_strided_slice %get3A_8 {offsets = [0, 5504], sizes = [300, 128], strides = [1, 1]} : vector<300x8192xf32> to vector<300x128xf32>
    %slice3A_263 = vector.extract_strided_slice %reshape3A {offsets = [43, 0], sizes = [1, 128], strides = [1, 1]} : vector<64x128xf32> to vector<1x128xf32>
    %broadcast_in_dim3A_264 = vector.shape_cast %slice3A_263 : vector<1x128xf32> to vector<1x128xf32>
    %broadcast_in_dim3A_265 = vector.broadcast %broadcast_in_dim3A_264 : vector<1x128xf32> to vector<300x128xf32>
    %mul3A_266 = arith.mulf %slice3A_262, %broadcast_in_dim3A_265 : vector<300x128xf32>
    %add3A_267 = arith.addf %add3A_261, %mul3A_266 : vector<300x128xf32>
    %slice3A_268 = vector.extract_strided_slice %get3A_8 {offsets = [0, 5632], sizes = [300, 128], strides = [1, 1]} : vector<300x8192xf32> to vector<300x128xf32>
    %slice3A_269 = vector.extract_strided_slice %reshape3A {offsets = [44, 0], sizes = [1, 128], strides = [1, 1]} : vector<64x128xf32> to vector<1x128xf32>
    %broadcast_in_dim3A_270 = vector.shape_cast %slice3A_269 : vector<1x128xf32> to vector<1x128xf32>
    %broadcast_in_dim3A_271 = vector.broadcast %broadcast_in_dim3A_270 : vector<1x128xf32> to vector<300x128xf32>
    %mul3A_272 = arith.mulf %slice3A_268, %broadcast_in_dim3A_271 : vector<300x128xf32>
    %add3A_273 = arith.addf %add3A_267, %mul3A_272 : vector<300x128xf32>
    %slice3A_274 = vector.extract_strided_slice %get3A_8 {offsets = [0, 5760], sizes = [300, 128], strides = [1, 1]} : vector<300x8192xf32> to vector<300x128xf32>
    %slice3A_275 = vector.extract_strided_slice %reshape3A {offsets = [45, 0], sizes = [1, 128], strides = [1, 1]} : vector<64x128xf32> to vector<1x128xf32>
    %broadcast_in_dim3A_276 = vector.shape_cast %slice3A_275 : vector<1x128xf32> to vector<1x128xf32>
    %broadcast_in_dim3A_277 = vector.broadcast %broadcast_in_dim3A_276 : vector<1x128xf32> to vector<300x128xf32>
    %mul3A_278 = arith.mulf %slice3A_274, %broadcast_in_dim3A_277 : vector<300x128xf32>
    %add3A_279 = arith.addf %add3A_273, %mul3A_278 : vector<300x128xf32>
    %slice3A_280 = vector.extract_strided_slice %get3A_8 {offsets = [0, 5888], sizes = [300, 128], strides = [1, 1]} : vector<300x8192xf32> to vector<300x128xf32>
    %slice3A_281 = vector.extract_strided_slice %reshape3A {offsets = [46, 0], sizes = [1, 128], strides = [1, 1]} : vector<64x128xf32> to vector<1x128xf32>
    %broadcast_in_dim3A_282 = vector.shape_cast %slice3A_281 : vector<1x128xf32> to vector<1x128xf32>
    %broadcast_in_dim3A_283 = vector.broadcast %broadcast_in_dim3A_282 : vector<1x128xf32> to vector<300x128xf32>
    %mul3A_284 = arith.mulf %slice3A_280, %broadcast_in_dim3A_283 : vector<300x128xf32>
    %add3A_285 = arith.addf %add3A_279, %mul3A_284 : vector<300x128xf32>
    %slice3A_286 = vector.extract_strided_slice %get3A_8 {offsets = [0, 6016], sizes = [300, 128], strides = [1, 1]} : vector<300x8192xf32> to vector<300x128xf32>
    %slice3A_287 = vector.extract_strided_slice %reshape3A {offsets = [47, 0], sizes = [1, 128], strides = [1, 1]} : vector<64x128xf32> to vector<1x128xf32>
    %broadcast_in_dim3A_288 = vector.shape_cast %slice3A_287 : vector<1x128xf32> to vector<1x128xf32>
    %broadcast_in_dim3A_289 = vector.broadcast %broadcast_in_dim3A_288 : vector<1x128xf32> to vector<300x128xf32>
    %mul3A_290 = arith.mulf %slice3A_286, %broadcast_in_dim3A_289 : vector<300x128xf32>
    %add3A_291 = arith.addf %add3A_285, %mul3A_290 : vector<300x128xf32>
    %slice3A_292 = vector.extract_strided_slice %get3A_8 {offsets = [0, 6144], sizes = [300, 128], strides = [1, 1]} : vector<300x8192xf32> to vector<300x128xf32>
    %slice3A_293 = vector.extract_strided_slice %reshape3A {offsets = [48, 0], sizes = [1, 128], strides = [1, 1]} : vector<64x128xf32> to vector<1x128xf32>
    %broadcast_in_dim3A_294 = vector.shape_cast %slice3A_293 : vector<1x128xf32> to vector<1x128xf32>
    %broadcast_in_dim3A_295 = vector.broadcast %broadcast_in_dim3A_294 : vector<1x128xf32> to vector<300x128xf32>
    %mul3A_296 = arith.mulf %slice3A_292, %broadcast_in_dim3A_295 : vector<300x128xf32>
    %add3A_297 = arith.addf %add3A_291, %mul3A_296 : vector<300x128xf32>
    %slice3A_298 = vector.extract_strided_slice %get3A_8 {offsets = [0, 6272], sizes = [300, 128], strides = [1, 1]} : vector<300x8192xf32> to vector<300x128xf32>
    %slice3A_299 = vector.extract_strided_slice %reshape3A {offsets = [49, 0], sizes = [1, 128], strides = [1, 1]} : vector<64x128xf32> to vector<1x128xf32>
    %broadcast_in_dim3A_300 = vector.shape_cast %slice3A_299 : vector<1x128xf32> to vector<1x128xf32>
    %broadcast_in_dim3A_301 = vector.broadcast %broadcast_in_dim3A_300 : vector<1x128xf32> to vector<300x128xf32>
    %mul3A_302 = arith.mulf %slice3A_298, %broadcast_in_dim3A_301 : vector<300x128xf32>
    %add3A_303 = arith.addf %add3A_297, %mul3A_302 : vector<300x128xf32>
    %slice3A_304 = vector.extract_strided_slice %get3A_8 {offsets = [0, 6400], sizes = [300, 128], strides = [1, 1]} : vector<300x8192xf32> to vector<300x128xf32>
    %slice3A_305 = vector.extract_strided_slice %reshape3A {offsets = [50, 0], sizes = [1, 128], strides = [1, 1]} : vector<64x128xf32> to vector<1x128xf32>
    %broadcast_in_dim3A_306 = vector.shape_cast %slice3A_305 : vector<1x128xf32> to vector<1x128xf32>
    %broadcast_in_dim3A_307 = vector.broadcast %broadcast_in_dim3A_306 : vector<1x128xf32> to vector<300x128xf32>
    %mul3A_308 = arith.mulf %slice3A_304, %broadcast_in_dim3A_307 : vector<300x128xf32>
    %add3A_309 = arith.addf %add3A_303, %mul3A_308 : vector<300x128xf32>
    %slice3A_310 = vector.extract_strided_slice %get3A_8 {offsets = [0, 6528], sizes = [300, 128], strides = [1, 1]} : vector<300x8192xf32> to vector<300x128xf32>
    %slice3A_311 = vector.extract_strided_slice %reshape3A {offsets = [51, 0], sizes = [1, 128], strides = [1, 1]} : vector<64x128xf32> to vector<1x128xf32>
    %broadcast_in_dim3A_312 = vector.shape_cast %slice3A_311 : vector<1x128xf32> to vector<1x128xf32>
    %broadcast_in_dim3A_313 = vector.broadcast %broadcast_in_dim3A_312 : vector<1x128xf32> to vector<300x128xf32>
    %mul3A_314 = arith.mulf %slice3A_310, %broadcast_in_dim3A_313 : vector<300x128xf32>
    %add3A_315 = arith.addf %add3A_309, %mul3A_314 : vector<300x128xf32>
    %slice3A_316 = vector.extract_strided_slice %get3A_8 {offsets = [0, 6656], sizes = [300, 128], strides = [1, 1]} : vector<300x8192xf32> to vector<300x128xf32>
    %slice3A_317 = vector.extract_strided_slice %reshape3A {offsets = [52, 0], sizes = [1, 128], strides = [1, 1]} : vector<64x128xf32> to vector<1x128xf32>
    %broadcast_in_dim3A_318 = vector.shape_cast %slice3A_317 : vector<1x128xf32> to vector<1x128xf32>
    %broadcast_in_dim3A_319 = vector.broadcast %broadcast_in_dim3A_318 : vector<1x128xf32> to vector<300x128xf32>
    %mul3A_320 = arith.mulf %slice3A_316, %broadcast_in_dim3A_319 : vector<300x128xf32>
    %add3A_321 = arith.addf %add3A_315, %mul3A_320 : vector<300x128xf32>
    %slice3A_322 = vector.extract_strided_slice %get3A_8 {offsets = [0, 6784], sizes = [300, 128], strides = [1, 1]} : vector<300x8192xf32> to vector<300x128xf32>
    %slice3A_323 = vector.extract_strided_slice %reshape3A {offsets = [53, 0], sizes = [1, 128], strides = [1, 1]} : vector<64x128xf32> to vector<1x128xf32>
    %broadcast_in_dim3A_324 = vector.shape_cast %slice3A_323 : vector<1x128xf32> to vector<1x128xf32>
    %broadcast_in_dim3A_325 = vector.broadcast %broadcast_in_dim3A_324 : vector<1x128xf32> to vector<300x128xf32>
    %mul3A_326 = arith.mulf %slice3A_322, %broadcast_in_dim3A_325 : vector<300x128xf32>
    %add3A_327 = arith.addf %add3A_321, %mul3A_326 : vector<300x128xf32>
    %slice3A_328 = vector.extract_strided_slice %get3A_8 {offsets = [0, 6912], sizes = [300, 128], strides = [1, 1]} : vector<300x8192xf32> to vector<300x128xf32>
    %slice3A_329 = vector.extract_strided_slice %reshape3A {offsets = [54, 0], sizes = [1, 128], strides = [1, 1]} : vector<64x128xf32> to vector<1x128xf32>
    %broadcast_in_dim3A_330 = vector.shape_cast %slice3A_329 : vector<1x128xf32> to vector<1x128xf32>
    %broadcast_in_dim3A_331 = vector.broadcast %broadcast_in_dim3A_330 : vector<1x128xf32> to vector<300x128xf32>
    %mul3A_332 = arith.mulf %slice3A_328, %broadcast_in_dim3A_331 : vector<300x128xf32>
    %add3A_333 = arith.addf %add3A_327, %mul3A_332 : vector<300x128xf32>
    %slice3A_334 = vector.extract_strided_slice %get3A_8 {offsets = [0, 7040], sizes = [300, 128], strides = [1, 1]} : vector<300x8192xf32> to vector<300x128xf32>
    %slice3A_335 = vector.extract_strided_slice %reshape3A {offsets = [55, 0], sizes = [1, 128], strides = [1, 1]} : vector<64x128xf32> to vector<1x128xf32>
    %broadcast_in_dim3A_336 = vector.shape_cast %slice3A_335 : vector<1x128xf32> to vector<1x128xf32>
    %broadcast_in_dim3A_337 = vector.broadcast %broadcast_in_dim3A_336 : vector<1x128xf32> to vector<300x128xf32>
    %mul3A_338 = arith.mulf %slice3A_334, %broadcast_in_dim3A_337 : vector<300x128xf32>
    %add3A_339 = arith.addf %add3A_333, %mul3A_338 : vector<300x128xf32>
    %slice3A_340 = vector.extract_strided_slice %get3A_8 {offsets = [0, 7168], sizes = [300, 128], strides = [1, 1]} : vector<300x8192xf32> to vector<300x128xf32>
    %slice3A_341 = vector.extract_strided_slice %reshape3A {offsets = [56, 0], sizes = [1, 128], strides = [1, 1]} : vector<64x128xf32> to vector<1x128xf32>
    %broadcast_in_dim3A_342 = vector.shape_cast %slice3A_341 : vector<1x128xf32> to vector<1x128xf32>
    %broadcast_in_dim3A_343 = vector.broadcast %broadcast_in_dim3A_342 : vector<1x128xf32> to vector<300x128xf32>
    %mul3A_344 = arith.mulf %slice3A_340, %broadcast_in_dim3A_343 : vector<300x128xf32>
    %add3A_345 = arith.addf %add3A_339, %mul3A_344 : vector<300x128xf32>
    %slice3A_346 = vector.extract_strided_slice %get3A_8 {offsets = [0, 7296], sizes = [300, 128], strides = [1, 1]} : vector<300x8192xf32> to vector<300x128xf32>
    %slice3A_347 = vector.extract_strided_slice %reshape3A {offsets = [57, 0], sizes = [1, 128], strides = [1, 1]} : vector<64x128xf32> to vector<1x128xf32>
    %broadcast_in_dim3A_348 = vector.shape_cast %slice3A_347 : vector<1x128xf32> to vector<1x128xf32>
    %broadcast_in_dim3A_349 = vector.broadcast %broadcast_in_dim3A_348 : vector<1x128xf32> to vector<300x128xf32>
    %mul3A_350 = arith.mulf %slice3A_346, %broadcast_in_dim3A_349 : vector<300x128xf32>
    %add3A_351 = arith.addf %add3A_345, %mul3A_350 : vector<300x128xf32>
    %slice3A_352 = vector.extract_strided_slice %get3A_8 {offsets = [0, 7424], sizes = [300, 128], strides = [1, 1]} : vector<300x8192xf32> to vector<300x128xf32>
    %slice3A_353 = vector.extract_strided_slice %reshape3A {offsets = [58, 0], sizes = [1, 128], strides = [1, 1]} : vector<64x128xf32> to vector<1x128xf32>
    %broadcast_in_dim3A_354 = vector.shape_cast %slice3A_353 : vector<1x128xf32> to vector<1x128xf32>
    %broadcast_in_dim3A_355 = vector.broadcast %broadcast_in_dim3A_354 : vector<1x128xf32> to vector<300x128xf32>
    %mul3A_356 = arith.mulf %slice3A_352, %broadcast_in_dim3A_355 : vector<300x128xf32>
    %add3A_357 = arith.addf %add3A_351, %mul3A_356 : vector<300x128xf32>
    %slice3A_358 = vector.extract_strided_slice %get3A_8 {offsets = [0, 7552], sizes = [300, 128], strides = [1, 1]} : vector<300x8192xf32> to vector<300x128xf32>
    %slice3A_359 = vector.extract_strided_slice %reshape3A {offsets = [59, 0], sizes = [1, 128], strides = [1, 1]} : vector<64x128xf32> to vector<1x128xf32>
    %broadcast_in_dim3A_360 = vector.shape_cast %slice3A_359 : vector<1x128xf32> to vector<1x128xf32>
    %broadcast_in_dim3A_361 = vector.broadcast %broadcast_in_dim3A_360 : vector<1x128xf32> to vector<300x128xf32>
    %mul3A_362 = arith.mulf %slice3A_358, %broadcast_in_dim3A_361 : vector<300x128xf32>
    %add3A_363 = arith.addf %add3A_357, %mul3A_362 : vector<300x128xf32>
    %slice3A_364 = vector.extract_strided_slice %get3A_8 {offsets = [0, 7680], sizes = [300, 128], strides = [1, 1]} : vector<300x8192xf32> to vector<300x128xf32>
    %slice3A_365 = vector.extract_strided_slice %reshape3A {offsets = [60, 0], sizes = [1, 128], strides = [1, 1]} : vector<64x128xf32> to vector<1x128xf32>
    %broadcast_in_dim3A_366 = vector.shape_cast %slice3A_365 : vector<1x128xf32> to vector<1x128xf32>
    %broadcast_in_dim3A_367 = vector.broadcast %broadcast_in_dim3A_366 : vector<1x128xf32> to vector<300x128xf32>
    %mul3A_368 = arith.mulf %slice3A_364, %broadcast_in_dim3A_367 : vector<300x128xf32>
    %add3A_369 = arith.addf %add3A_363, %mul3A_368 : vector<300x128xf32>
    %slice3A_370 = vector.extract_strided_slice %get3A_8 {offsets = [0, 7808], sizes = [300, 128], strides = [1, 1]} : vector<300x8192xf32> to vector<300x128xf32>
    %slice3A_371 = vector.extract_strided_slice %reshape3A {offsets = [61, 0], sizes = [1, 128], strides = [1, 1]} : vector<64x128xf32> to vector<1x128xf32>
    %broadcast_in_dim3A_372 = vector.shape_cast %slice3A_371 : vector<1x128xf32> to vector<1x128xf32>
    %broadcast_in_dim3A_373 = vector.broadcast %broadcast_in_dim3A_372 : vector<1x128xf32> to vector<300x128xf32>
    %mul3A_374 = arith.mulf %slice3A_370, %broadcast_in_dim3A_373 : vector<300x128xf32>
    %add3A_375 = arith.addf %add3A_369, %mul3A_374 : vector<300x128xf32>
    %slice3A_376 = vector.extract_strided_slice %get3A_8 {offsets = [0, 7936], sizes = [300, 128], strides = [1, 1]} : vector<300x8192xf32> to vector<300x128xf32>
    %slice3A_377 = vector.extract_strided_slice %reshape3A {offsets = [62, 0], sizes = [1, 128], strides = [1, 1]} : vector<64x128xf32> to vector<1x128xf32>
    %broadcast_in_dim3A_378 = vector.shape_cast %slice3A_377 : vector<1x128xf32> to vector<1x128xf32>
    %broadcast_in_dim3A_379 = vector.broadcast %broadcast_in_dim3A_378 : vector<1x128xf32> to vector<300x128xf32>
    %mul3A_380 = arith.mulf %slice3A_376, %broadcast_in_dim3A_379 : vector<300x128xf32>
    %add3A_381 = arith.addf %add3A_375, %mul3A_380 : vector<300x128xf32>
    %slice3A_382 = vector.extract_strided_slice %get3A_8 {offsets = [0, 8064], sizes = [300, 128], strides = [1, 1]} : vector<300x8192xf32> to vector<300x128xf32>
    %slice3A_383 = vector.extract_strided_slice %reshape3A {offsets = [63, 0], sizes = [1, 128], strides = [1, 1]} : vector<64x128xf32> to vector<1x128xf32>
    %broadcast_in_dim3A_384 = vector.shape_cast %slice3A_383 : vector<1x128xf32> to vector<1x128xf32>
    %broadcast_in_dim3A_385 = vector.broadcast %broadcast_in_dim3A_384 : vector<1x128xf32> to vector<300x128xf32>
    %mul3A_386 = arith.mulf %slice3A_382, %broadcast_in_dim3A_385 : vector<300x128xf32>
    %add3A_387 = arith.addf %add3A_381, %mul3A_386 : vector<300x128xf32>
    %add3A_388 = arith.addf %get3A_5, %add3A_387 : vector<300x128xf32>
    %swap3A = arith.constant 0 : index
    %swap3A_389 = arith.constant 0 : index
    %swap3A_390 = vector.load %arg3[%swap3A, %swap3A_389] : memref<300x128xf32, #tpu.memory_space<vmem>>, vector<300x128xf32>
    tpu.vector_store %arg3[%swap3A, %swap3A_389], %add3A_388 {strides = array<i32>} : memref<300x128xf32, #tpu.memory_space<vmem>>, vector<300x128xf32>,
    return
  }
  func.func @transform_0(%arg0: i32) -> (i32, i32) {
    %add3A = arith.constant 0 : i32
    %add3A_0 = arith.addi %add3A, %arg0 : i32
    %c0_i32 = arith.constant 0 : i32
    %c0_i32_1 = arith.constant 0 : i32
    return %c0_i32, %add3A_0 : i32, i32
  }
  func.func @transform_1(%arg0: i32) -> i32 {
    %c0_i32 = arith.constant 0 : i32
    return %arg0 : i32
  }
  func.func @transform_2(%arg0: i32) -> (i32, i32) {
    %c0_i32 = arith.constant 0 : i32
    %c0_i32_0 = arith.constant 0 : i32
    %c0_i32_1 = arith.constant 0 : i32
    return %c0_i32, %c0_i32_0 : i32, i32
  }
}

module attributes {stable_mosaic.version = 14 : i64} {
  func.func @body(%arg0: i32, %arg1: memref<300x8192xf32, #tpu.memory_space<vmem>>, %arg2: memref<8192xf32, #tpu.memory_space<vmem>>, %arg3: memref<300x128xf32, #tpu.memory_space<vmem>>) attributes {dimension_semantics = [#tpu.dimension_semantics<arbitrary>], iteration_bounds = array<i64: 183>, scalar_prefetch = 0 : i64, scratch_operands = 0 : i64, tpu.core_type = #tpu.core_type<tc>, window_params = [{transform_indices = @transform_0, window_bounds = array<i64: 300, 8192>}, {transform_indices = @transform_1, window_bounds = array<i64: 8192>}, {pipeline_mode = #tpu.pipeline_mode<synchronous>, transform_indices = @transform_2, window_bounds = array<i64: 300, 128>}]} {
    %eq3A = arith.constant 0 : i32
    %eq3A_0 = arith.cmpi eq, %arg0, %eq3A : i32
    %convert_element_type3A = arith.extui %eq3A_0 : i1 to i32
    %cond3A = arith.constant 0 : i32
    %cond3A_1 = arith.cmpi ne, %convert_element_type3A, %cond3A : i32
    scf.if %cond3A_1 {
      %broadcast_in_dim3A = arith.constant 0.000000e+00 : f32
      %broadcast_in_dim3A_11 = vector.broadcast %broadcast_in_dim3A : f32 to vector<300x128xf32>
      %swap3A = arith.constant 0 : index
      %swap3A_12 = arith.constant 0 : index
      %swap3A_13 = vector.load %arg3[%swap3A, %swap3A_12] : memref<300x128xf32, #tpu.memory_space<vmem>>, vector<300x128xf32>
      tpu.vector_store %arg3[%swap3A, %swap3A_12], %broadcast_in_dim3A_11 {strides = array<i32>} : memref<300x128xf32, #tpu.memory_space<vmem>>, vector<300x128xf32>,
    } else {
    }
    %get3A = arith.constant 0 : index
    %get3A_2 = vector.load %arg2[%get3A] : memref<8192xf32, #tpu.memory_space<vmem>>, vector<8192xf32>
    %reshape3A = vector.shape_cast %get3A_2 : vector<8192xf32> to vector<64x128xf32>
    %lt3A = arith.constant 182 : i32
    %lt3A_3 = arith.cmpi slt, %arg0, %lt3A : i32
    %convert_element_type3A_4 = arith.extui %lt3A_3 : i1 to i32
    %cond3A_5 = arith.constant 0 : i32
    %cond3A_6 = arith.cmpi ne, %convert_element_type3A_4, %cond3A_5 : i32
    scf.if %cond3A_6 {
      %get3A_11 = arith.constant 0 : index
      %get3A_12 = arith.constant 0 : index
      %get3A_13 = vector.load %arg3[%get3A_11, %get3A_12] : memref<300x128xf32, #tpu.memory_space<vmem>>, vector<300x128xf32>
      %get3A_14 = arith.constant 0 : index
      %get3A_15 = arith.constant 0 : index
      %get3A_16 = vector.load %arg1[%get3A_14, %get3A_15] : memref<300x8192xf32, #tpu.memory_space<vmem>>, vector<300x8192xf32>
      %slice3A = vector.extract_strided_slice %get3A_16 {offsets = [0, 0], sizes = [300, 128], strides = [1, 1]} : vector<300x8192xf32> to vector<300x128xf32>
      %slice3A_17 = vector.extract_strided_slice %reshape3A {offsets = [0, 0], sizes = [1, 128], strides = [1, 1]} : vector<64x128xf32> to vector<1x128xf32>
      %broadcast_in_dim3A = vector.shape_cast %slice3A_17 : vector<1x128xf32> to vector<1x128xf32>
      %broadcast_in_dim3A_18 = vector.broadcast %broadcast_in_dim3A : vector<1x128xf32> to vector<300x128xf32>
      %mul3A = arith.mulf %slice3A, %broadcast_in_dim3A_18 : vector<300x128xf32>
      %slice3A_19 = vector.extract_strided_slice %get3A_16 {offsets = [0, 128], sizes = [300, 128], strides = [1, 1]} : vector<300x8192xf32> to vector<300x128xf32>
      %slice3A_20 = vector.extract_strided_slice %reshape3A {offsets = [1, 0], sizes = [1, 128], strides = [1, 1]} : vector<64x128xf32> to vector<1x128xf32>
      %broadcast_in_dim3A_21 = vector.shape_cast %slice3A_20 : vector<1x128xf32> to vector<1x128xf32>
      %broadcast_in_dim3A_22 = vector.broadcast %broadcast_in_dim3A_21 : vector<1x128xf32> to vector<300x128xf32>
      %mul3A_23 = arith.mulf %slice3A_19, %broadcast_in_dim3A_22 : vector<300x128xf32>
      %add3A = arith.addf %mul3A, %mul3A_23 : vector<300x128xf32>
      %slice3A_24 = vector.extract_strided_slice %get3A_16 {offsets = [0, 256], sizes = [300, 128], strides = [1, 1]} : vector<300x8192xf32> to vector<300x128xf32>
      %slice3A_25 = vector.extract_strided_slice %reshape3A {offsets = [2, 0], sizes = [1, 128], strides = [1, 1]} : vector<64x128xf32> to vector<1x128xf32>
      %broadcast_in_dim3A_26 = vector.shape_cast %slice3A_25 : vector<1x128xf32> to vector<1x128xf32>
      %broadcast_in_dim3A_27 = vector.broadcast %broadcast_in_dim3A_26 : vector<1x128xf32> to vector<300x128xf32>
      %mul3A_28 = arith.mulf %slice3A_24, %broadcast_in_dim3A_27 : vector<300x128xf32>
      %add3A_29 = arith.addf %add3A, %mul3A_28 : vector<300x128xf32>
      %slice3A_30 = vector.extract_strided_slice %get3A_16 {offsets = [0, 384], sizes = [300, 128], strides = [1, 1]} : vector<300x8192xf32> to vector<300x128xf32>
      %slice3A_31 = vector.extract_strided_slice %reshape3A {offsets = [3, 0], sizes = [1, 128], strides = [1, 1]} : vector<64x128xf32> to vector<1x128xf32>
      %broadcast_in_dim3A_32 = vector.shape_cast %slice3A_31 : vector<1x128xf32> to vector<1x128xf32>
      %broadcast_in_dim3A_33 = vector.broadcast %broadcast_in_dim3A_32 : vector<1x128xf32> to vector<300x128xf32>
      %mul3A_34 = arith.mulf %slice3A_30, %broadcast_in_dim3A_33 : vector<300x128xf32>
      %add3A_35 = arith.addf %add3A_29, %mul3A_34 : vector<300x128xf32>
      %slice3A_36 = vector.extract_strided_slice %get3A_16 {offsets = [0, 512], sizes = [300, 128], strides = [1, 1]} : vector<300x8192xf32> to vector<300x128xf32>
      %slice3A_37 = vector.extract_strided_slice %reshape3A {offsets = [4, 0], sizes = [1, 128], strides = [1, 1]} : vector<64x128xf32> to vector<1x128xf32>
      %broadcast_in_dim3A_38 = vector.shape_cast %slice3A_37 : vector<1x128xf32> to vector<1x128xf32>
      %broadcast_in_dim3A_39 = vector.broadcast %broadcast_in_dim3A_38 : vector<1x128xf32> to vector<300x128xf32>
      %mul3A_40 = arith.mulf %slice3A_36, %broadcast_in_dim3A_39 : vector<300x128xf32>
      %add3A_41 = arith.addf %add3A_35, %mul3A_40 : vector<300x128xf32>
      %slice3A_42 = vector.extract_strided_slice %get3A_16 {offsets = [0, 640], sizes = [300, 128], strides = [1, 1]} : vector<300x8192xf32> to vector<300x128xf32>
      %slice3A_43 = vector.extract_strided_slice %reshape3A {offsets = [5, 0], sizes = [1, 128], strides = [1, 1]} : vector<64x128xf32> to vector<1x128xf32>
      %broadcast_in_dim3A_44 = vector.shape_cast %slice3A_43 : vector<1x128xf32> to vector<1x128xf32>
      %broadcast_in_dim3A_45 = vector.broadcast %broadcast_in_dim3A_44 : vector<1x128xf32> to vector<300x128xf32>
      %mul3A_46 = arith.mulf %slice3A_42, %broadcast_in_dim3A_45 : vector<300x128xf32>
      %add3A_47 = arith.addf %add3A_41, %mul3A_46 : vector<300x128xf32>
      %slice3A_48 = vector.extract_strided_slice %get3A_16 {offsets = [0, 768], sizes = [300, 128], strides = [1, 1]} : vector<300x8192xf32> to vector<300x128xf32>
      %slice3A_49 = vector.extract_strided_slice %reshape3A {offsets = [6, 0], sizes = [1, 128], strides = [1, 1]} : vector<64x128xf32> to vector<1x128xf32>
      %broadcast_in_dim3A_50 = vector.shape_cast %slice3A_49 : vector<1x128xf32> to vector<1x128xf32>
      %broadcast_in_dim3A_51 = vector.broadcast %broadcast_in_dim3A_50 : vector<1x128xf32> to vector<300x128xf32>
      %mul3A_52 = arith.mulf %slice3A_48, %broadcast_in_dim3A_51 : vector<300x128xf32>
      %add3A_53 = arith.addf %add3A_47, %mul3A_52 : vector<300x128xf32>
      %slice3A_54 = vector.extract_strided_slice %get3A_16 {offsets = [0, 896], sizes = [300, 128], strides = [1, 1]} : vector<300x8192xf32> to vector<300x128xf32>
      %slice3A_55 = vector.extract_strided_slice %reshape3A {offsets = [7, 0], sizes = [1, 128], strides = [1, 1]} : vector<64x128xf32> to vector<1x128xf32>
      %broadcast_in_dim3A_56 = vector.shape_cast %slice3A_55 : vector<1x128xf32> to vector<1x128xf32>
      %broadcast_in_dim3A_57 = vector.broadcast %broadcast_in_dim3A_56 : vector<1x128xf32> to vector<300x128xf32>
      %mul3A_58 = arith.mulf %slice3A_54, %broadcast_in_dim3A_57 : vector<300x128xf32>
      %add3A_59 = arith.addf %add3A_53, %mul3A_58 : vector<300x128xf32>
      %slice3A_60 = vector.extract_strided_slice %get3A_16 {offsets = [0, 1024], sizes = [300, 128], strides = [1, 1]} : vector<300x8192xf32> to vector<300x128xf32>
      %slice3A_61 = vector.extract_strided_slice %reshape3A {offsets = [8, 0], sizes = [1, 128], strides = [1, 1]} : vector<64x128xf32> to vector<1x128xf32>
      %broadcast_in_dim3A_62 = vector.shape_cast %slice3A_61 : vector<1x128xf32> to vector<1x128xf32>
      %broadcast_in_dim3A_63 = vector.broadcast %broadcast_in_dim3A_62 : vector<1x128xf32> to vector<300x128xf32>
      %mul3A_64 = arith.mulf %slice3A_60, %broadcast_in_dim3A_63 : vector<300x128xf32>
      %add3A_65 = arith.addf %add3A_59, %mul3A_64 : vector<300x128xf32>
      %slice3A_66 = vector.extract_strided_slice %get3A_16 {offsets = [0, 1152], sizes = [300, 128], strides = [1, 1]} : vector<300x8192xf32> to vector<300x128xf32>
      %slice3A_67 = vector.extract_strided_slice %reshape3A {offsets = [9, 0], sizes = [1, 128], strides = [1, 1]} : vector<64x128xf32> to vector<1x128xf32>
      %broadcast_in_dim3A_68 = vector.shape_cast %slice3A_67 : vector<1x128xf32> to vector<1x128xf32>
      %broadcast_in_dim3A_69 = vector.broadcast %broadcast_in_dim3A_68 : vector<1x128xf32> to vector<300x128xf32>
      %mul3A_70 = arith.mulf %slice3A_66, %broadcast_in_dim3A_69 : vector<300x128xf32>
      %add3A_71 = arith.addf %add3A_65, %mul3A_70 : vector<300x128xf32>
      %slice3A_72 = vector.extract_strided_slice %get3A_16 {offsets = [0, 1280], sizes = [300, 128], strides = [1, 1]} : vector<300x8192xf32> to vector<300x128xf32>
      %slice3A_73 = vector.extract_strided_slice %reshape3A {offsets = [10, 0], sizes = [1, 128], strides = [1, 1]} : vector<64x128xf32> to vector<1x128xf32>
      %broadcast_in_dim3A_74 = vector.shape_cast %slice3A_73 : vector<1x128xf32> to vector<1x128xf32>
      %broadcast_in_dim3A_75 = vector.broadcast %broadcast_in_dim3A_74 : vector<1x128xf32> to vector<300x128xf32>
      %mul3A_76 = arith.mulf %slice3A_72, %broadcast_in_dim3A_75 : vector<300x128xf32>
      %add3A_77 = arith.addf %add3A_71, %mul3A_76 : vector<300x128xf32>
      %slice3A_78 = vector.extract_strided_slice %get3A_16 {offsets = [0, 1408], sizes = [300, 128], strides = [1, 1]} : vector<300x8192xf32> to vector<300x128xf32>
      %slice3A_79 = vector.extract_strided_slice %reshape3A {offsets = [11, 0], sizes = [1, 128], strides = [1, 1]} : vector<64x128xf32> to vector<1x128xf32>
      %broadcast_in_dim3A_80 = vector.shape_cast %slice3A_79 : vector<1x128xf32> to vector<1x128xf32>
      %broadcast_in_dim3A_81 = vector.broadcast %broadcast_in_dim3A_80 : vector<1x128xf32> to vector<300x128xf32>
      %mul3A_82 = arith.mulf %slice3A_78, %broadcast_in_dim3A_81 : vector<300x128xf32>
      %add3A_83 = arith.addf %add3A_77, %mul3A_82 : vector<300x128xf32>
      %slice3A_84 = vector.extract_strided_slice %get3A_16 {offsets = [0, 1536], sizes = [300, 128], strides = [1, 1]} : vector<300x8192xf32> to vector<300x128xf32>
      %slice3A_85 = vector.extract_strided_slice %reshape3A {offsets = [12, 0], sizes = [1, 128], strides = [1, 1]} : vector<64x128xf32> to vector<1x128xf32>
      %broadcast_in_dim3A_86 = vector.shape_cast %slice3A_85 : vector<1x128xf32> to vector<1x128xf32>
      %broadcast_in_dim3A_87 = vector.broadcast %broadcast_in_dim3A_86 : vector<1x128xf32> to vector<300x128xf32>
      %mul3A_88 = arith.mulf %slice3A_84, %broadcast_in_dim3A_87 : vector<300x128xf32>
      %add3A_89 = arith.addf %add3A_83, %mul3A_88 : vector<300x128xf32>
      %slice3A_90 = vector.extract_strided_slice %get3A_16 {offsets = [0, 1664], sizes = [300, 128], strides = [1, 1]} : vector<300x8192xf32> to vector<300x128xf32>
      %slice3A_91 = vector.extract_strided_slice %reshape3A {offsets = [13, 0], sizes = [1, 128], strides = [1, 1]} : vector<64x128xf32> to vector<1x128xf32>
      %broadcast_in_dim3A_92 = vector.shape_cast %slice3A_91 : vector<1x128xf32> to vector<1x128xf32>
      %broadcast_in_dim3A_93 = vector.broadcast %broadcast_in_dim3A_92 : vector<1x128xf32> to vector<300x128xf32>
      %mul3A_94 = arith.mulf %slice3A_90, %broadcast_in_dim3A_93 : vector<300x128xf32>
      %add3A_95 = arith.addf %add3A_89, %mul3A_94 : vector<300x128xf32>
      %slice3A_96 = vector.extract_strided_slice %get3A_16 {offsets = [0, 1792], sizes = [300, 128], strides = [1, 1]} : vector<300x8192xf32> to vector<300x128xf32>
      %slice3A_97 = vector.extract_strided_slice %reshape3A {offsets = [14, 0], sizes = [1, 128], strides = [1, 1]} : vector<64x128xf32> to vector<1x128xf32>
      %broadcast_in_dim3A_98 = vector.shape_cast %slice3A_97 : vector<1x128xf32> to vector<1x128xf32>
      %broadcast_in_dim3A_99 = vector.broadcast %broadcast_in_dim3A_98 : vector<1x128xf32> to vector<300x128xf32>
      %mul3A_100 = arith.mulf %slice3A_96, %broadcast_in_dim3A_99 : vector<300x128xf32>
      %add3A_101 = arith.addf %add3A_95, %mul3A_100 : vector<300x128xf32>
      %slice3A_102 = vector.extract_strided_slice %get3A_16 {offsets = [0, 1920], sizes = [300, 128], strides = [1, 1]} : vector<300x8192xf32> to vector<300x128xf32>
      %slice3A_103 = vector.extract_strided_slice %reshape3A {offsets = [15, 0], sizes = [1, 128], strides = [1, 1]} : vector<64x128xf32> to vector<1x128xf32>
      %broadcast_in_dim3A_104 = vector.shape_cast %slice3A_103 : vector<1x128xf32> to vector<1x128xf32>
      %broadcast_in_dim3A_105 = vector.broadcast %broadcast_in_dim3A_104 : vector<1x128xf32> to vector<300x128xf32>
      %mul3A_106 = arith.mulf %slice3A_102, %broadcast_in_dim3A_105 : vector<300x128xf32>
      %add3A_107 = arith.addf %add3A_101, %mul3A_106 : vector<300x128xf32>
      %slice3A_108 = vector.extract_strided_slice %get3A_16 {offsets = [0, 2048], sizes = [300, 128], strides = [1, 1]} : vector<300x8192xf32> to vector<300x128xf32>
      %slice3A_109 = vector.extract_strided_slice %reshape3A {offsets = [16, 0], sizes = [1, 128], strides = [1, 1]} : vector<64x128xf32> to vector<1x128xf32>
      %broadcast_in_dim3A_110 = vector.shape_cast %slice3A_109 : vector<1x128xf32> to vector<1x128xf32>
      %broadcast_in_dim3A_111 = vector.broadcast %broadcast_in_dim3A_110 : vector<1x128xf32> to vector<300x128xf32>
      %mul3A_112 = arith.mulf %slice3A_108, %broadcast_in_dim3A_111 : vector<300x128xf32>
      %add3A_113 = arith.addf %add3A_107, %mul3A_112 : vector<300x128xf32>
      %slice3A_114 = vector.extract_strided_slice %get3A_16 {offsets = [0, 2176], sizes = [300, 128], strides = [1, 1]} : vector<300x8192xf32> to vector<300x128xf32>
      %slice3A_115 = vector.extract_strided_slice %reshape3A {offsets = [17, 0], sizes = [1, 128], strides = [1, 1]} : vector<64x128xf32> to vector<1x128xf32>
      %broadcast_in_dim3A_116 = vector.shape_cast %slice3A_115 : vector<1x128xf32> to vector<1x128xf32>
      %broadcast_in_dim3A_117 = vector.broadcast %broadcast_in_dim3A_116 : vector<1x128xf32> to vector<300x128xf32>
      %mul3A_118 = arith.mulf %slice3A_114, %broadcast_in_dim3A_117 : vector<300x128xf32>
      %add3A_119 = arith.addf %add3A_113, %mul3A_118 : vector<300x128xf32>
      %slice3A_120 = vector.extract_strided_slice %get3A_16 {offsets = [0, 2304], sizes = [300, 128], strides = [1, 1]} : vector<300x8192xf32> to vector<300x128xf32>
      %slice3A_121 = vector.extract_strided_slice %reshape3A {offsets = [18, 0], sizes = [1, 128], strides = [1, 1]} : vector<64x128xf32> to vector<1x128xf32>
      %broadcast_in_dim3A_122 = vector.shape_cast %slice3A_121 : vector<1x128xf32> to vector<1x128xf32>
      %broadcast_in_dim3A_123 = vector.broadcast %broadcast_in_dim3A_122 : vector<1x128xf32> to vector<300x128xf32>
      %mul3A_124 = arith.mulf %slice3A_120, %broadcast_in_dim3A_123 : vector<300x128xf32>
      %add3A_125 = arith.addf %add3A_119, %mul3A_124 : vector<300x128xf32>
      %slice3A_126 = vector.extract_strided_slice %get3A_16 {offsets = [0, 2432], sizes = [300, 128], strides = [1, 1]} : vector<300x8192xf32> to vector<300x128xf32>
      %slice3A_127 = vector.extract_strided_slice %reshape3A {offsets = [19, 0], sizes = [1, 128], strides = [1, 1]} : vector<64x128xf32> to vector<1x128xf32>
      %broadcast_in_dim3A_128 = vector.shape_cast %slice3A_127 : vector<1x128xf32> to vector<1x128xf32>
      %broadcast_in_dim3A_129 = vector.broadcast %broadcast_in_dim3A_128 : vector<1x128xf32> to vector<300x128xf32>
      %mul3A_130 = arith.mulf %slice3A_126, %broadcast_in_dim3A_129 : vector<300x128xf32>
      %add3A_131 = arith.addf %add3A_125, %mul3A_130 : vector<300x128xf32>
      %slice3A_132 = vector.extract_strided_slice %get3A_16 {offsets = [0, 2560], sizes = [300, 128], strides = [1, 1]} : vector<300x8192xf32> to vector<300x128xf32>
      %slice3A_133 = vector.extract_strided_slice %reshape3A {offsets = [20, 0], sizes = [1, 128], strides = [1, 1]} : vector<64x128xf32> to vector<1x128xf32>
      %broadcast_in_dim3A_134 = vector.shape_cast %slice3A_133 : vector<1x128xf32> to vector<1x128xf32>
      %broadcast_in_dim3A_135 = vector.broadcast %broadcast_in_dim3A_134 : vector<1x128xf32> to vector<300x128xf32>
      %mul3A_136 = arith.mulf %slice3A_132, %broadcast_in_dim3A_135 : vector<300x128xf32>
      %add3A_137 = arith.addf %add3A_131, %mul3A_136 : vector<300x128xf32>
      %slice3A_138 = vector.extract_strided_slice %get3A_16 {offsets = [0, 2688], sizes = [300, 128], strides = [1, 1]} : vector<300x8192xf32> to vector<300x128xf32>
      %slice3A_139 = vector.extract_strided_slice %reshape3A {offsets = [21, 0], sizes = [1, 128], strides = [1, 1]} : vector<64x128xf32> to vector<1x128xf32>
      %broadcast_in_dim3A_140 = vector.shape_cast %slice3A_139 : vector<1x128xf32> to vector<1x128xf32>
      %broadcast_in_dim3A_141 = vector.broadcast %broadcast_in_dim3A_140 : vector<1x128xf32> to vector<300x128xf32>
      %mul3A_142 = arith.mulf %slice3A_138, %broadcast_in_dim3A_141 : vector<300x128xf32>
      %add3A_143 = arith.addf %add3A_137, %mul3A_142 : vector<300x128xf32>
      %slice3A_144 = vector.extract_strided_slice %get3A_16 {offsets = [0, 2816], sizes = [300, 128], strides = [1, 1]} : vector<300x8192xf32> to vector<300x128xf32>
      %slice3A_145 = vector.extract_strided_slice %reshape3A {offsets = [22, 0], sizes = [1, 128], strides = [1, 1]} : vector<64x128xf32> to vector<1x128xf32>
      %broadcast_in_dim3A_146 = vector.shape_cast %slice3A_145 : vector<1x128xf32> to vector<1x128xf32>
      %broadcast_in_dim3A_147 = vector.broadcast %broadcast_in_dim3A_146 : vector<1x128xf32> to vector<300x128xf32>
      %mul3A_148 = arith.mulf %slice3A_144, %broadcast_in_dim3A_147 : vector<300x128xf32>
      %add3A_149 = arith.addf %add3A_143, %mul3A_148 : vector<300x128xf32>
      %slice3A_150 = vector.extract_strided_slice %get3A_16 {offsets = [0, 2944], sizes = [300, 128], strides = [1, 1]} : vector<300x8192xf32> to vector<300x128xf32>
      %slice3A_151 = vector.extract_strided_slice %reshape3A {offsets = [23, 0], sizes = [1, 128], strides = [1, 1]} : vector<64x128xf32> to vector<1x128xf32>
      %broadcast_in_dim3A_152 = vector.shape_cast %slice3A_151 : vector<1x128xf32> to vector<1x128xf32>
      %broadcast_in_dim3A_153 = vector.broadcast %broadcast_in_dim3A_152 : vector<1x128xf32> to vector<300x128xf32>
      %mul3A_154 = arith.mulf %slice3A_150, %broadcast_in_dim3A_153 : vector<300x128xf32>
      %add3A_155 = arith.addf %add3A_149, %mul3A_154 : vector<300x128xf32>
      %slice3A_156 = vector.extract_strided_slice %get3A_16 {offsets = [0, 3072], sizes = [300, 128], strides = [1, 1]} : vector<300x8192xf32> to vector<300x128xf32>
      %slice3A_157 = vector.extract_strided_slice %reshape3A {offsets = [24, 0], sizes = [1, 128], strides = [1, 1]} : vector<64x128xf32> to vector<1x128xf32>
      %broadcast_in_dim3A_158 = vector.shape_cast %slice3A_157 : vector<1x128xf32> to vector<1x128xf32>
      %broadcast_in_dim3A_159 = vector.broadcast %broadcast_in_dim3A_158 : vector<1x128xf32> to vector<300x128xf32>
      %mul3A_160 = arith.mulf %slice3A_156, %broadcast_in_dim3A_159 : vector<300x128xf32>
      %add3A_161 = arith.addf %add3A_155, %mul3A_160 : vector<300x128xf32>
      %slice3A_162 = vector.extract_strided_slice %get3A_16 {offsets = [0, 3200], sizes = [300, 128], strides = [1, 1]} : vector<300x8192xf32> to vector<300x128xf32>
      %slice3A_163 = vector.extract_strided_slice %reshape3A {offsets = [25, 0], sizes = [1, 128], strides = [1, 1]} : vector<64x128xf32> to vector<1x128xf32>
      %broadcast_in_dim3A_164 = vector.shape_cast %slice3A_163 : vector<1x128xf32> to vector<1x128xf32>
      %broadcast_in_dim3A_165 = vector.broadcast %broadcast_in_dim3A_164 : vector<1x128xf32> to vector<300x128xf32>
      %mul3A_166 = arith.mulf %slice3A_162, %broadcast_in_dim3A_165 : vector<300x128xf32>
      %add3A_167 = arith.addf %add3A_161, %mul3A_166 : vector<300x128xf32>
      %slice3A_168 = vector.extract_strided_slice %get3A_16 {offsets = [0, 3328], sizes = [300, 128], strides = [1, 1]} : vector<300x8192xf32> to vector<300x128xf32>
      %slice3A_169 = vector.extract_strided_slice %reshape3A {offsets = [26, 0], sizes = [1, 128], strides = [1, 1]} : vector<64x128xf32> to vector<1x128xf32>
      %broadcast_in_dim3A_170 = vector.shape_cast %slice3A_169 : vector<1x128xf32> to vector<1x128xf32>
      %broadcast_in_dim3A_171 = vector.broadcast %broadcast_in_dim3A_170 : vector<1x128xf32> to vector<300x128xf32>
      %mul3A_172 = arith.mulf %slice3A_168, %broadcast_in_dim3A_171 : vector<300x128xf32>
      %add3A_173 = arith.addf %add3A_167, %mul3A_172 : vector<300x128xf32>
      %slice3A_174 = vector.extract_strided_slice %get3A_16 {offsets = [0, 3456], sizes = [300, 128], strides = [1, 1]} : vector<300x8192xf32> to vector<300x128xf32>
      %slice3A_175 = vector.extract_strided_slice %reshape3A {offsets = [27, 0], sizes = [1, 128], strides = [1, 1]} : vector<64x128xf32> to vector<1x128xf32>
      %broadcast_in_dim3A_176 = vector.shape_cast %slice3A_175 : vector<1x128xf32> to vector<1x128xf32>
      %broadcast_in_dim3A_177 = vector.broadcast %broadcast_in_dim3A_176 : vector<1x128xf32> to vector<300x128xf32>
      %mul3A_178 = arith.mulf %slice3A_174, %broadcast_in_dim3A_177 : vector<300x128xf32>
      %add3A_179 = arith.addf %add3A_173, %mul3A_178 : vector<300x128xf32>
      %slice3A_180 = vector.extract_strided_slice %get3A_16 {offsets = [0, 3584], sizes = [300, 128], strides = [1, 1]} : vector<300x8192xf32> to vector<300x128xf32>
      %slice3A_181 = vector.extract_strided_slice %reshape3A {offsets = [28, 0], sizes = [1, 128], strides = [1, 1]} : vector<64x128xf32> to vector<1x128xf32>
      %broadcast_in_dim3A_182 = vector.shape_cast %slice3A_181 : vector<1x128xf32> to vector<1x128xf32>
      %broadcast_in_dim3A_183 = vector.broadcast %broadcast_in_dim3A_182 : vector<1x128xf32> to vector<300x128xf32>
      %mul3A_184 = arith.mulf %slice3A_180, %broadcast_in_dim3A_183 : vector<300x128xf32>
      %add3A_185 = arith.addf %add3A_179, %mul3A_184 : vector<300x128xf32>
      %slice3A_186 = vector.extract_strided_slice %get3A_16 {offsets = [0, 3712], sizes = [300, 128], strides = [1, 1]} : vector<300x8192xf32> to vector<300x128xf32>
      %slice3A_187 = vector.extract_strided_slice %reshape3A {offsets = [29, 0], sizes = [1, 128], strides = [1, 1]} : vector<64x128xf32> to vector<1x128xf32>
      %broadcast_in_dim3A_188 = vector.shape_cast %slice3A_187 : vector<1x128xf32> to vector<1x128xf32>
      %broadcast_in_dim3A_189 = vector.broadcast %broadcast_in_dim3A_188 : vector<1x128xf32> to vector<300x128xf32>
      %mul3A_190 = arith.mulf %slice3A_186, %broadcast_in_dim3A_189 : vector<300x128xf32>
      %add3A_191 = arith.addf %add3A_185, %mul3A_190 : vector<300x128xf32>
      %slice3A_192 = vector.extract_strided_slice %get3A_16 {offsets = [0, 3840], sizes = [300, 128], strides = [1, 1]} : vector<300x8192xf32> to vector<300x128xf32>
      %slice3A_193 = vector.extract_strided_slice %reshape3A {offsets = [30, 0], sizes = [1, 128], strides = [1, 1]} : vector<64x128xf32> to vector<1x128xf32>
      %broadcast_in_dim3A_194 = vector.shape_cast %slice3A_193 : vector<1x128xf32> to vector<1x128xf32>
      %broadcast_in_dim3A_195 = vector.broadcast %broadcast_in_dim3A_194 : vector<1x128xf32> to vector<300x128xf32>
      %mul3A_196 = arith.mulf %slice3A_192, %broadcast_in_dim3A_195 : vector<300x128xf32>
      %add3A_197 = arith.addf %add3A_191, %mul3A_196 : vector<300x128xf32>
      %slice3A_198 = vector.extract_strided_slice %get3A_16 {offsets = [0, 3968], sizes = [300, 128], strides = [1, 1]} : vector<300x8192xf32> to vector<300x128xf32>
      %slice3A_199 = vector.extract_strided_slice %reshape3A {offsets = [31, 0], sizes = [1, 128], strides = [1, 1]} : vector<64x128xf32> to vector<1x128xf32>
      %broadcast_in_dim3A_200 = vector.shape_cast %slice3A_199 : vector<1x128xf32> to vector<1x128xf32>
      %broadcast_in_dim3A_201 = vector.broadcast %broadcast_in_dim3A_200 : vector<1x128xf32> to vector<300x128xf32>
      %mul3A_202 = arith.mulf %slice3A_198, %broadcast_in_dim3A_201 : vector<300x128xf32>
      %add3A_203 = arith.addf %add3A_197, %mul3A_202 : vector<300x128xf32>
      %slice3A_204 = vector.extract_strided_slice %get3A_16 {offsets = [0, 4096], sizes = [300, 128], strides = [1, 1]} : vector<300x8192xf32> to vector<300x128xf32>
      %slice3A_205 = vector.extract_strided_slice %reshape3A {offsets = [32, 0], sizes = [1, 128], strides = [1, 1]} : vector<64x128xf32> to vector<1x128xf32>
      %broadcast_in_dim3A_206 = vector.shape_cast %slice3A_205 : vector<1x128xf32> to vector<1x128xf32>
      %broadcast_in_dim3A_207 = vector.broadcast %broadcast_in_dim3A_206 : vector<1x128xf32> to vector<300x128xf32>
      %mul3A_208 = arith.mulf %slice3A_204, %broadcast_in_dim3A_207 : vector<300x128xf32>
      %add3A_209 = arith.addf %add3A_203, %mul3A_208 : vector<300x128xf32>
      %slice3A_210 = vector.extract_strided_slice %get3A_16 {offsets = [0, 4224], sizes = [300, 128], strides = [1, 1]} : vector<300x8192xf32> to vector<300x128xf32>
      %slice3A_211 = vector.extract_strided_slice %reshape3A {offsets = [33, 0], sizes = [1, 128], strides = [1, 1]} : vector<64x128xf32> to vector<1x128xf32>
      %broadcast_in_dim3A_212 = vector.shape_cast %slice3A_211 : vector<1x128xf32> to vector<1x128xf32>
      %broadcast_in_dim3A_213 = vector.broadcast %broadcast_in_dim3A_212 : vector<1x128xf32> to vector<300x128xf32>
      %mul3A_214 = arith.mulf %slice3A_210, %broadcast_in_dim3A_213 : vector<300x128xf32>
      %add3A_215 = arith.addf %add3A_209, %mul3A_214 : vector<300x128xf32>
      %slice3A_216 = vector.extract_strided_slice %get3A_16 {offsets = [0, 4352], sizes = [300, 128], strides = [1, 1]} : vector<300x8192xf32> to vector<300x128xf32>
      %slice3A_217 = vector.extract_strided_slice %reshape3A {offsets = [34, 0], sizes = [1, 128], strides = [1, 1]} : vector<64x128xf32> to vector<1x128xf32>
      %broadcast_in_dim3A_218 = vector.shape_cast %slice3A_217 : vector<1x128xf32> to vector<1x128xf32>
      %broadcast_in_dim3A_219 = vector.broadcast %broadcast_in_dim3A_218 : vector<1x128xf32> to vector<300x128xf32>
      %mul3A_220 = arith.mulf %slice3A_216, %broadcast_in_dim3A_219 : vector<300x128xf32>
      %add3A_221 = arith.addf %add3A_215, %mul3A_220 : vector<300x128xf32>
      %slice3A_222 = vector.extract_strided_slice %get3A_16 {offsets = [0, 4480], sizes = [300, 128], strides = [1, 1]} : vector<300x8192xf32> to vector<300x128xf32>
      %slice3A_223 = vector.extract_strided_slice %reshape3A {offsets = [35, 0], sizes = [1, 128], strides = [1, 1]} : vector<64x128xf32> to vector<1x128xf32>
      %broadcast_in_dim3A_224 = vector.shape_cast %slice3A_223 : vector<1x128xf32> to vector<1x128xf32>
      %broadcast_in_dim3A_225 = vector.broadcast %broadcast_in_dim3A_224 : vector<1x128xf32> to vector<300x128xf32>
      %mul3A_226 = arith.mulf %slice3A_222, %broadcast_in_dim3A_225 : vector<300x128xf32>
      %add3A_227 = arith.addf %add3A_221, %mul3A_226 : vector<300x128xf32>
      %slice3A_228 = vector.extract_strided_slice %get3A_16 {offsets = [0, 4608], sizes = [300, 128], strides = [1, 1]} : vector<300x8192xf32> to vector<300x128xf32>
      %slice3A_229 = vector.extract_strided_slice %reshape3A {offsets = [36, 0], sizes = [1, 128], strides = [1, 1]} : vector<64x128xf32> to vector<1x128xf32>
      %broadcast_in_dim3A_230 = vector.shape_cast %slice3A_229 : vector<1x128xf32> to vector<1x128xf32>
      %broadcast_in_dim3A_231 = vector.broadcast %broadcast_in_dim3A_230 : vector<1x128xf32> to vector<300x128xf32>
      %mul3A_232 = arith.mulf %slice3A_228, %broadcast_in_dim3A_231 : vector<300x128xf32>
      %add3A_233 = arith.addf %add3A_227, %mul3A_232 : vector<300x128xf32>
      %slice3A_234 = vector.extract_strided_slice %get3A_16 {offsets = [0, 4736], sizes = [300, 128], strides = [1, 1]} : vector<300x8192xf32> to vector<300x128xf32>
      %slice3A_235 = vector.extract_strided_slice %reshape3A {offsets = [37, 0], sizes = [1, 128], strides = [1, 1]} : vector<64x128xf32> to vector<1x128xf32>
      %broadcast_in_dim3A_236 = vector.shape_cast %slice3A_235 : vector<1x128xf32> to vector<1x128xf32>
      %broadcast_in_dim3A_237 = vector.broadcast %broadcast_in_dim3A_236 : vector<1x128xf32> to vector<300x128xf32>
      %mul3A_238 = arith.mulf %slice3A_234, %broadcast_in_dim3A_237 : vector<300x128xf32>
      %add3A_239 = arith.addf %add3A_233, %mul3A_238 : vector<300x128xf32>
      %slice3A_240 = vector.extract_strided_slice %get3A_16 {offsets = [0, 4864], sizes = [300, 128], strides = [1, 1]} : vector<300x8192xf32> to vector<300x128xf32>
      %slice3A_241 = vector.extract_strided_slice %reshape3A {offsets = [38, 0], sizes = [1, 128], strides = [1, 1]} : vector<64x128xf32> to vector<1x128xf32>
      %broadcast_in_dim3A_242 = vector.shape_cast %slice3A_241 : vector<1x128xf32> to vector<1x128xf32>
      %broadcast_in_dim3A_243 = vector.broadcast %broadcast_in_dim3A_242 : vector<1x128xf32> to vector<300x128xf32>
      %mul3A_244 = arith.mulf %slice3A_240, %broadcast_in_dim3A_243 : vector<300x128xf32>
      %add3A_245 = arith.addf %add3A_239, %mul3A_244 : vector<300x128xf32>
      %slice3A_246 = vector.extract_strided_slice %get3A_16 {offsets = [0, 4992], sizes = [300, 128], strides = [1, 1]} : vector<300x8192xf32> to vector<300x128xf32>
      %slice3A_247 = vector.extract_strided_slice %reshape3A {offsets = [39, 0], sizes = [1, 128], strides = [1, 1]} : vector<64x128xf32> to vector<1x128xf32>
      %broadcast_in_dim3A_248 = vector.shape_cast %slice3A_247 : vector<1x128xf32> to vector<1x128xf32>
      %broadcast_in_dim3A_249 = vector.broadcast %broadcast_in_dim3A_248 : vector<1x128xf32> to vector<300x128xf32>
      %mul3A_250 = arith.mulf %slice3A_246, %broadcast_in_dim3A_249 : vector<300x128xf32>
      %add3A_251 = arith.addf %add3A_245, %mul3A_250 : vector<300x128xf32>
      %slice3A_252 = vector.extract_strided_slice %get3A_16 {offsets = [0, 5120], sizes = [300, 128], strides = [1, 1]} : vector<300x8192xf32> to vector<300x128xf32>
      %slice3A_253 = vector.extract_strided_slice %reshape3A {offsets = [40, 0], sizes = [1, 128], strides = [1, 1]} : vector<64x128xf32> to vector<1x128xf32>
      %broadcast_in_dim3A_254 = vector.shape_cast %slice3A_253 : vector<1x128xf32> to vector<1x128xf32>
      %broadcast_in_dim3A_255 = vector.broadcast %broadcast_in_dim3A_254 : vector<1x128xf32> to vector<300x128xf32>
      %mul3A_256 = arith.mulf %slice3A_252, %broadcast_in_dim3A_255 : vector<300x128xf32>
      %add3A_257 = arith.addf %add3A_251, %mul3A_256 : vector<300x128xf32>
      %slice3A_258 = vector.extract_strided_slice %get3A_16 {offsets = [0, 5248], sizes = [300, 128], strides = [1, 1]} : vector<300x8192xf32> to vector<300x128xf32>
      %slice3A_259 = vector.extract_strided_slice %reshape3A {offsets = [41, 0], sizes = [1, 128], strides = [1, 1]} : vector<64x128xf32> to vector<1x128xf32>
      %broadcast_in_dim3A_260 = vector.shape_cast %slice3A_259 : vector<1x128xf32> to vector<1x128xf32>
      %broadcast_in_dim3A_261 = vector.broadcast %broadcast_in_dim3A_260 : vector<1x128xf32> to vector<300x128xf32>
      %mul3A_262 = arith.mulf %slice3A_258, %broadcast_in_dim3A_261 : vector<300x128xf32>
      %add3A_263 = arith.addf %add3A_257, %mul3A_262 : vector<300x128xf32>
      %slice3A_264 = vector.extract_strided_slice %get3A_16 {offsets = [0, 5376], sizes = [300, 128], strides = [1, 1]} : vector<300x8192xf32> to vector<300x128xf32>
      %slice3A_265 = vector.extract_strided_slice %reshape3A {offsets = [42, 0], sizes = [1, 128], strides = [1, 1]} : vector<64x128xf32> to vector<1x128xf32>
      %broadcast_in_dim3A_266 = vector.shape_cast %slice3A_265 : vector<1x128xf32> to vector<1x128xf32>
      %broadcast_in_dim3A_267 = vector.broadcast %broadcast_in_dim3A_266 : vector<1x128xf32> to vector<300x128xf32>
      %mul3A_268 = arith.mulf %slice3A_264, %broadcast_in_dim3A_267 : vector<300x128xf32>
      %add3A_269 = arith.addf %add3A_263, %mul3A_268 : vector<300x128xf32>
      %slice3A_270 = vector.extract_strided_slice %get3A_16 {offsets = [0, 5504], sizes = [300, 128], strides = [1, 1]} : vector<300x8192xf32> to vector<300x128xf32>
      %slice3A_271 = vector.extract_strided_slice %reshape3A {offsets = [43, 0], sizes = [1, 128], strides = [1, 1]} : vector<64x128xf32> to vector<1x128xf32>
      %broadcast_in_dim3A_272 = vector.shape_cast %slice3A_271 : vector<1x128xf32> to vector<1x128xf32>
      %broadcast_in_dim3A_273 = vector.broadcast %broadcast_in_dim3A_272 : vector<1x128xf32> to vector<300x128xf32>
      %mul3A_274 = arith.mulf %slice3A_270, %broadcast_in_dim3A_273 : vector<300x128xf32>
      %add3A_275 = arith.addf %add3A_269, %mul3A_274 : vector<300x128xf32>
      %slice3A_276 = vector.extract_strided_slice %get3A_16 {offsets = [0, 5632], sizes = [300, 128], strides = [1, 1]} : vector<300x8192xf32> to vector<300x128xf32>
      %slice3A_277 = vector.extract_strided_slice %reshape3A {offsets = [44, 0], sizes = [1, 128], strides = [1, 1]} : vector<64x128xf32> to vector<1x128xf32>
      %broadcast_in_dim3A_278 = vector.shape_cast %slice3A_277 : vector<1x128xf32> to vector<1x128xf32>
      %broadcast_in_dim3A_279 = vector.broadcast %broadcast_in_dim3A_278 : vector<1x128xf32> to vector<300x128xf32>
      %mul3A_280 = arith.mulf %slice3A_276, %broadcast_in_dim3A_279 : vector<300x128xf32>
      %add3A_281 = arith.addf %add3A_275, %mul3A_280 : vector<300x128xf32>
      %slice3A_282 = vector.extract_strided_slice %get3A_16 {offsets = [0, 5760], sizes = [300, 128], strides = [1, 1]} : vector<300x8192xf32> to vector<300x128xf32>
      %slice3A_283 = vector.extract_strided_slice %reshape3A {offsets = [45, 0], sizes = [1, 128], strides = [1, 1]} : vector<64x128xf32> to vector<1x128xf32>
      %broadcast_in_dim3A_284 = vector.shape_cast %slice3A_283 : vector<1x128xf32> to vector<1x128xf32>
      %broadcast_in_dim3A_285 = vector.broadcast %broadcast_in_dim3A_284 : vector<1x128xf32> to vector<300x128xf32>
      %mul3A_286 = arith.mulf %slice3A_282, %broadcast_in_dim3A_285 : vector<300x128xf32>
      %add3A_287 = arith.addf %add3A_281, %mul3A_286 : vector<300x128xf32>
      %slice3A_288 = vector.extract_strided_slice %get3A_16 {offsets = [0, 5888], sizes = [300, 128], strides = [1, 1]} : vector<300x8192xf32> to vector<300x128xf32>
      %slice3A_289 = vector.extract_strided_slice %reshape3A {offsets = [46, 0], sizes = [1, 128], strides = [1, 1]} : vector<64x128xf32> to vector<1x128xf32>
      %broadcast_in_dim3A_290 = vector.shape_cast %slice3A_289 : vector<1x128xf32> to vector<1x128xf32>
      %broadcast_in_dim3A_291 = vector.broadcast %broadcast_in_dim3A_290 : vector<1x128xf32> to vector<300x128xf32>
      %mul3A_292 = arith.mulf %slice3A_288, %broadcast_in_dim3A_291 : vector<300x128xf32>
      %add3A_293 = arith.addf %add3A_287, %mul3A_292 : vector<300x128xf32>
      %slice3A_294 = vector.extract_strided_slice %get3A_16 {offsets = [0, 6016], sizes = [300, 128], strides = [1, 1]} : vector<300x8192xf32> to vector<300x128xf32>
      %slice3A_295 = vector.extract_strided_slice %reshape3A {offsets = [47, 0], sizes = [1, 128], strides = [1, 1]} : vector<64x128xf32> to vector<1x128xf32>
      %broadcast_in_dim3A_296 = vector.shape_cast %slice3A_295 : vector<1x128xf32> to vector<1x128xf32>
      %broadcast_in_dim3A_297 = vector.broadcast %broadcast_in_dim3A_296 : vector<1x128xf32> to vector<300x128xf32>
      %mul3A_298 = arith.mulf %slice3A_294, %broadcast_in_dim3A_297 : vector<300x128xf32>
      %add3A_299 = arith.addf %add3A_293, %mul3A_298 : vector<300x128xf32>
      %slice3A_300 = vector.extract_strided_slice %get3A_16 {offsets = [0, 6144], sizes = [300, 128], strides = [1, 1]} : vector<300x8192xf32> to vector<300x128xf32>
      %slice3A_301 = vector.extract_strided_slice %reshape3A {offsets = [48, 0], sizes = [1, 128], strides = [1, 1]} : vector<64x128xf32> to vector<1x128xf32>
      %broadcast_in_dim3A_302 = vector.shape_cast %slice3A_301 : vector<1x128xf32> to vector<1x128xf32>
      %broadcast_in_dim3A_303 = vector.broadcast %broadcast_in_dim3A_302 : vector<1x128xf32> to vector<300x128xf32>
      %mul3A_304 = arith.mulf %slice3A_300, %broadcast_in_dim3A_303 : vector<300x128xf32>
      %add3A_305 = arith.addf %add3A_299, %mul3A_304 : vector<300x128xf32>
      %slice3A_306 = vector.extract_strided_slice %get3A_16 {offsets = [0, 6272], sizes = [300, 128], strides = [1, 1]} : vector<300x8192xf32> to vector<300x128xf32>
      %slice3A_307 = vector.extract_strided_slice %reshape3A {offsets = [49, 0], sizes = [1, 128], strides = [1, 1]} : vector<64x128xf32> to vector<1x128xf32>
      %broadcast_in_dim3A_308 = vector.shape_cast %slice3A_307 : vector<1x128xf32> to vector<1x128xf32>
      %broadcast_in_dim3A_309 = vector.broadcast %broadcast_in_dim3A_308 : vector<1x128xf32> to vector<300x128xf32>
      %mul3A_310 = arith.mulf %slice3A_306, %broadcast_in_dim3A_309 : vector<300x128xf32>
      %add3A_311 = arith.addf %add3A_305, %mul3A_310 : vector<300x128xf32>
      %slice3A_312 = vector.extract_strided_slice %get3A_16 {offsets = [0, 6400], sizes = [300, 128], strides = [1, 1]} : vector<300x8192xf32> to vector<300x128xf32>
      %slice3A_313 = vector.extract_strided_slice %reshape3A {offsets = [50, 0], sizes = [1, 128], strides = [1, 1]} : vector<64x128xf32> to vector<1x128xf32>
      %broadcast_in_dim3A_314 = vector.shape_cast %slice3A_313 : vector<1x128xf32> to vector<1x128xf32>
      %broadcast_in_dim3A_315 = vector.broadcast %broadcast_in_dim3A_314 : vector<1x128xf32> to vector<300x128xf32>
      %mul3A_316 = arith.mulf %slice3A_312, %broadcast_in_dim3A_315 : vector<300x128xf32>
      %add3A_317 = arith.addf %add3A_311, %mul3A_316 : vector<300x128xf32>
      %slice3A_318 = vector.extract_strided_slice %get3A_16 {offsets = [0, 6528], sizes = [300, 128], strides = [1, 1]} : vector<300x8192xf32> to vector<300x128xf32>
      %slice3A_319 = vector.extract_strided_slice %reshape3A {offsets = [51, 0], sizes = [1, 128], strides = [1, 1]} : vector<64x128xf32> to vector<1x128xf32>
      %broadcast_in_dim3A_320 = vector.shape_cast %slice3A_319 : vector<1x128xf32> to vector<1x128xf32>
      %broadcast_in_dim3A_321 = vector.broadcast %broadcast_in_dim3A_320 : vector<1x128xf32> to vector<300x128xf32>
      %mul3A_322 = arith.mulf %slice3A_318, %broadcast_in_dim3A_321 : vector<300x128xf32>
      %add3A_323 = arith.addf %add3A_317, %mul3A_322 : vector<300x128xf32>
      %slice3A_324 = vector.extract_strided_slice %get3A_16 {offsets = [0, 6656], sizes = [300, 128], strides = [1, 1]} : vector<300x8192xf32> to vector<300x128xf32>
      %slice3A_325 = vector.extract_strided_slice %reshape3A {offsets = [52, 0], sizes = [1, 128], strides = [1, 1]} : vector<64x128xf32> to vector<1x128xf32>
      %broadcast_in_dim3A_326 = vector.shape_cast %slice3A_325 : vector<1x128xf32> to vector<1x128xf32>
      %broadcast_in_dim3A_327 = vector.broadcast %broadcast_in_dim3A_326 : vector<1x128xf32> to vector<300x128xf32>
      %mul3A_328 = arith.mulf %slice3A_324, %broadcast_in_dim3A_327 : vector<300x128xf32>
      %add3A_329 = arith.addf %add3A_323, %mul3A_328 : vector<300x128xf32>
      %slice3A_330 = vector.extract_strided_slice %get3A_16 {offsets = [0, 6784], sizes = [300, 128], strides = [1, 1]} : vector<300x8192xf32> to vector<300x128xf32>
      %slice3A_331 = vector.extract_strided_slice %reshape3A {offsets = [53, 0], sizes = [1, 128], strides = [1, 1]} : vector<64x128xf32> to vector<1x128xf32>
      %broadcast_in_dim3A_332 = vector.shape_cast %slice3A_331 : vector<1x128xf32> to vector<1x128xf32>
      %broadcast_in_dim3A_333 = vector.broadcast %broadcast_in_dim3A_332 : vector<1x128xf32> to vector<300x128xf32>
      %mul3A_334 = arith.mulf %slice3A_330, %broadcast_in_dim3A_333 : vector<300x128xf32>
      %add3A_335 = arith.addf %add3A_329, %mul3A_334 : vector<300x128xf32>
      %slice3A_336 = vector.extract_strided_slice %get3A_16 {offsets = [0, 6912], sizes = [300, 128], strides = [1, 1]} : vector<300x8192xf32> to vector<300x128xf32>
      %slice3A_337 = vector.extract_strided_slice %reshape3A {offsets = [54, 0], sizes = [1, 128], strides = [1, 1]} : vector<64x128xf32> to vector<1x128xf32>
      %broadcast_in_dim3A_338 = vector.shape_cast %slice3A_337 : vector<1x128xf32> to vector<1x128xf32>
      %broadcast_in_dim3A_339 = vector.broadcast %broadcast_in_dim3A_338 : vector<1x128xf32> to vector<300x128xf32>
      %mul3A_340 = arith.mulf %slice3A_336, %broadcast_in_dim3A_339 : vector<300x128xf32>
      %add3A_341 = arith.addf %add3A_335, %mul3A_340 : vector<300x128xf32>
      %slice3A_342 = vector.extract_strided_slice %get3A_16 {offsets = [0, 7040], sizes = [300, 128], strides = [1, 1]} : vector<300x8192xf32> to vector<300x128xf32>
      %slice3A_343 = vector.extract_strided_slice %reshape3A {offsets = [55, 0], sizes = [1, 128], strides = [1, 1]} : vector<64x128xf32> to vector<1x128xf32>
      %broadcast_in_dim3A_344 = vector.shape_cast %slice3A_343 : vector<1x128xf32> to vector<1x128xf32>
      %broadcast_in_dim3A_345 = vector.broadcast %broadcast_in_dim3A_344 : vector<1x128xf32> to vector<300x128xf32>
      %mul3A_346 = arith.mulf %slice3A_342, %broadcast_in_dim3A_345 : vector<300x128xf32>
      %add3A_347 = arith.addf %add3A_341, %mul3A_346 : vector<300x128xf32>
      %slice3A_348 = vector.extract_strided_slice %get3A_16 {offsets = [0, 7168], sizes = [300, 128], strides = [1, 1]} : vector<300x8192xf32> to vector<300x128xf32>
      %slice3A_349 = vector.extract_strided_slice %reshape3A {offsets = [56, 0], sizes = [1, 128], strides = [1, 1]} : vector<64x128xf32> to vector<1x128xf32>
      %broadcast_in_dim3A_350 = vector.shape_cast %slice3A_349 : vector<1x128xf32> to vector<1x128xf32>
      %broadcast_in_dim3A_351 = vector.broadcast %broadcast_in_dim3A_350 : vector<1x128xf32> to vector<300x128xf32>
      %mul3A_352 = arith.mulf %slice3A_348, %broadcast_in_dim3A_351 : vector<300x128xf32>
      %add3A_353 = arith.addf %add3A_347, %mul3A_352 : vector<300x128xf32>
      %slice3A_354 = vector.extract_strided_slice %get3A_16 {offsets = [0, 7296], sizes = [300, 128], strides = [1, 1]} : vector<300x8192xf32> to vector<300x128xf32>
      %slice3A_355 = vector.extract_strided_slice %reshape3A {offsets = [57, 0], sizes = [1, 128], strides = [1, 1]} : vector<64x128xf32> to vector<1x128xf32>
      %broadcast_in_dim3A_356 = vector.shape_cast %slice3A_355 : vector<1x128xf32> to vector<1x128xf32>
      %broadcast_in_dim3A_357 = vector.broadcast %broadcast_in_dim3A_356 : vector<1x128xf32> to vector<300x128xf32>
      %mul3A_358 = arith.mulf %slice3A_354, %broadcast_in_dim3A_357 : vector<300x128xf32>
      %add3A_359 = arith.addf %add3A_353, %mul3A_358 : vector<300x128xf32>
      %slice3A_360 = vector.extract_strided_slice %get3A_16 {offsets = [0, 7424], sizes = [300, 128], strides = [1, 1]} : vector<300x8192xf32> to vector<300x128xf32>
      %slice3A_361 = vector.extract_strided_slice %reshape3A {offsets = [58, 0], sizes = [1, 128], strides = [1, 1]} : vector<64x128xf32> to vector<1x128xf32>
      %broadcast_in_dim3A_362 = vector.shape_cast %slice3A_361 : vector<1x128xf32> to vector<1x128xf32>
      %broadcast_in_dim3A_363 = vector.broadcast %broadcast_in_dim3A_362 : vector<1x128xf32> to vector<300x128xf32>
      %mul3A_364 = arith.mulf %slice3A_360, %broadcast_in_dim3A_363 : vector<300x128xf32>
      %add3A_365 = arith.addf %add3A_359, %mul3A_364 : vector<300x128xf32>
      %slice3A_366 = vector.extract_strided_slice %get3A_16 {offsets = [0, 7552], sizes = [300, 128], strides = [1, 1]} : vector<300x8192xf32> to vector<300x128xf32>
      %slice3A_367 = vector.extract_strided_slice %reshape3A {offsets = [59, 0], sizes = [1, 128], strides = [1, 1]} : vector<64x128xf32> to vector<1x128xf32>
      %broadcast_in_dim3A_368 = vector.shape_cast %slice3A_367 : vector<1x128xf32> to vector<1x128xf32>
      %broadcast_in_dim3A_369 = vector.broadcast %broadcast_in_dim3A_368 : vector<1x128xf32> to vector<300x128xf32>
      %mul3A_370 = arith.mulf %slice3A_366, %broadcast_in_dim3A_369 : vector<300x128xf32>
      %add3A_371 = arith.addf %add3A_365, %mul3A_370 : vector<300x128xf32>
      %slice3A_372 = vector.extract_strided_slice %get3A_16 {offsets = [0, 7680], sizes = [300, 128], strides = [1, 1]} : vector<300x8192xf32> to vector<300x128xf32>
      %slice3A_373 = vector.extract_strided_slice %reshape3A {offsets = [60, 0], sizes = [1, 128], strides = [1, 1]} : vector<64x128xf32> to vector<1x128xf32>
      %broadcast_in_dim3A_374 = vector.shape_cast %slice3A_373 : vector<1x128xf32> to vector<1x128xf32>
      %broadcast_in_dim3A_375 = vector.broadcast %broadcast_in_dim3A_374 : vector<1x128xf32> to vector<300x128xf32>
      %mul3A_376 = arith.mulf %slice3A_372, %broadcast_in_dim3A_375 : vector<300x128xf32>
      %add3A_377 = arith.addf %add3A_371, %mul3A_376 : vector<300x128xf32>
      %slice3A_378 = vector.extract_strided_slice %get3A_16 {offsets = [0, 7808], sizes = [300, 128], strides = [1, 1]} : vector<300x8192xf32> to vector<300x128xf32>
      %slice3A_379 = vector.extract_strided_slice %reshape3A {offsets = [61, 0], sizes = [1, 128], strides = [1, 1]} : vector<64x128xf32> to vector<1x128xf32>
      %broadcast_in_dim3A_380 = vector.shape_cast %slice3A_379 : vector<1x128xf32> to vector<1x128xf32>
      %broadcast_in_dim3A_381 = vector.broadcast %broadcast_in_dim3A_380 : vector<1x128xf32> to vector<300x128xf32>
      %mul3A_382 = arith.mulf %slice3A_378, %broadcast_in_dim3A_381 : vector<300x128xf32>
      %add3A_383 = arith.addf %add3A_377, %mul3A_382 : vector<300x128xf32>
      %slice3A_384 = vector.extract_strided_slice %get3A_16 {offsets = [0, 7936], sizes = [300, 128], strides = [1, 1]} : vector<300x8192xf32> to vector<300x128xf32>
      %slice3A_385 = vector.extract_strided_slice %reshape3A {offsets = [62, 0], sizes = [1, 128], strides = [1, 1]} : vector<64x128xf32> to vector<1x128xf32>
      %broadcast_in_dim3A_386 = vector.shape_cast %slice3A_385 : vector<1x128xf32> to vector<1x128xf32>
      %broadcast_in_dim3A_387 = vector.broadcast %broadcast_in_dim3A_386 : vector<1x128xf32> to vector<300x128xf32>
      %mul3A_388 = arith.mulf %slice3A_384, %broadcast_in_dim3A_387 : vector<300x128xf32>
      %add3A_389 = arith.addf %add3A_383, %mul3A_388 : vector<300x128xf32>
      %slice3A_390 = vector.extract_strided_slice %get3A_16 {offsets = [0, 8064], sizes = [300, 128], strides = [1, 1]} : vector<300x8192xf32> to vector<300x128xf32>
      %slice3A_391 = vector.extract_strided_slice %reshape3A {offsets = [63, 0], sizes = [1, 128], strides = [1, 1]} : vector<64x128xf32> to vector<1x128xf32>
      %broadcast_in_dim3A_392 = vector.shape_cast %slice3A_391 : vector<1x128xf32> to vector<1x128xf32>
      %broadcast_in_dim3A_393 = vector.broadcast %broadcast_in_dim3A_392 : vector<1x128xf32> to vector<300x128xf32>
      %mul3A_394 = arith.mulf %slice3A_390, %broadcast_in_dim3A_393 : vector<300x128xf32>
      %add3A_395 = arith.addf %add3A_389, %mul3A_394 : vector<300x128xf32>
      %add3A_396 = arith.addf %get3A_13, %add3A_395 : vector<300x128xf32>
      %swap3A = arith.constant 0 : index
      %swap3A_397 = arith.constant 0 : index
      %swap3A_398 = vector.load %arg3[%swap3A, %swap3A_397] : memref<300x128xf32, #tpu.memory_space<vmem>>, vector<300x128xf32>
      tpu.vector_store %arg3[%swap3A, %swap3A_397], %add3A_396 {strides = array<i32>} : memref<300x128xf32, #tpu.memory_space<vmem>>, vector<300x128xf32>,
    } else {
    }
    %ge3A = arith.constant 182 : i32
    %ge3A_7 = arith.cmpi sge, %arg0, %ge3A : i32
    %convert_element_type3A_8 = arith.extui %ge3A_7 : i1 to i32
    %cond3A_9 = arith.constant 0 : i32
    %cond3A_10 = arith.cmpi ne, %convert_element_type3A_8, %cond3A_9 : i32
    scf.if %cond3A_10 {
      %iota3A = tpu.iota {dimensions = array<i32: 1>} : vector<300x8192xi32>
      %add3A = arith.constant 184 : i32
      %add3A_11 = arith.addi %add3A, %arg0 : i32
      %mul3A = arith.constant 8192 : i32
      %mul3A_12 = arith.muli %add3A_11, %mul3A : i32
      %sub3A = arith.constant 3000000 : i32
      %sub3A_13 = arith.subi %sub3A, %mul3A_12 : i32
      %lt3A_14 = vector.broadcast %sub3A_13 : i32 to vector<300x8192xi32>
      %lt3A_15 = arith.cmpi slt, %iota3A, %lt3A_14 : vector<300x8192xi32>
      %get3A_16 = arith.constant 0 : index
      %get3A_17 = arith.constant 0 : index
      %get3A_18 = vector.load %arg3[%get3A_16, %get3A_17] : memref<300x128xf32, #tpu.memory_space<vmem>>, vector<300x128xf32>
      %get3A_19 = arith.constant 0 : index
      %get3A_20 = arith.constant 0 : index
      %get3A_21 = vector.load %arg1[%get3A_19, %get3A_20] : memref<300x8192xf32, #tpu.memory_space<vmem>>, vector<300x8192xf32>
      %jit3A = arith.constant 0.000000e+00 : f32
      %broadcast_in_dim3A = vector.broadcast %jit3A : f32 to vector<300x8192xf32>
      %select_n3A = arith.select %lt3A_15, %get3A_21, %broadcast_in_dim3A : vector<300x8192xi1>, vector<300x8192xf32>
      %slice3A = vector.extract_strided_slice %select_n3A {offsets = [0, 0], sizes = [300, 128], strides = [1, 1]} : vector<300x8192xf32> to vector<300x128xf32>
      %slice3A_22 = vector.extract_strided_slice %reshape3A {offsets = [0, 0], sizes = [1, 128], strides = [1, 1]} : vector<64x128xf32> to vector<1x128xf32>
      %broadcast_in_dim3A_23 = vector.shape_cast %slice3A_22 : vector<1x128xf32> to vector<1x128xf32>
      %broadcast_in_dim3A_24 = vector.broadcast %broadcast_in_dim3A_23 : vector<1x128xf32> to vector<300x128xf32>
      %mul3A_25 = arith.mulf %slice3A, %broadcast_in_dim3A_24 : vector<300x128xf32>
      %slice3A_26 = vector.extract_strided_slice %select_n3A {offsets = [0, 128], sizes = [300, 128], strides = [1, 1]} : vector<300x8192xf32> to vector<300x128xf32>
      %slice3A_27 = vector.extract_strided_slice %reshape3A {offsets = [1, 0], sizes = [1, 128], strides = [1, 1]} : vector<64x128xf32> to vector<1x128xf32>
      %broadcast_in_dim3A_28 = vector.shape_cast %slice3A_27 : vector<1x128xf32> to vector<1x128xf32>
      %broadcast_in_dim3A_29 = vector.broadcast %broadcast_in_dim3A_28 : vector<1x128xf32> to vector<300x128xf32>
      %mul3A_30 = arith.mulf %slice3A_26, %broadcast_in_dim3A_29 : vector<300x128xf32>
      %add3A_31 = arith.addf %mul3A_25, %mul3A_30 : vector<300x128xf32>
      %slice3A_32 = vector.extract_strided_slice %select_n3A {offsets = [0, 256], sizes = [300, 128], strides = [1, 1]} : vector<300x8192xf32> to vector<300x128xf32>
      %slice3A_33 = vector.extract_strided_slice %reshape3A {offsets = [2, 0], sizes = [1, 128], strides = [1, 1]} : vector<64x128xf32> to vector<1x128xf32>
      %broadcast_in_dim3A_34 = vector.shape_cast %slice3A_33 : vector<1x128xf32> to vector<1x128xf32>
      %broadcast_in_dim3A_35 = vector.broadcast %broadcast_in_dim3A_34 : vector<1x128xf32> to vector<300x128xf32>
      %mul3A_36 = arith.mulf %slice3A_32, %broadcast_in_dim3A_35 : vector<300x128xf32>
      %add3A_37 = arith.addf %add3A_31, %mul3A_36 : vector<300x128xf32>
      %slice3A_38 = vector.extract_strided_slice %select_n3A {offsets = [0, 384], sizes = [300, 128], strides = [1, 1]} : vector<300x8192xf32> to vector<300x128xf32>
      %slice3A_39 = vector.extract_strided_slice %reshape3A {offsets = [3, 0], sizes = [1, 128], strides = [1, 1]} : vector<64x128xf32> to vector<1x128xf32>
      %broadcast_in_dim3A_40 = vector.shape_cast %slice3A_39 : vector<1x128xf32> to vector<1x128xf32>
      %broadcast_in_dim3A_41 = vector.broadcast %broadcast_in_dim3A_40 : vector<1x128xf32> to vector<300x128xf32>
      %mul3A_42 = arith.mulf %slice3A_38, %broadcast_in_dim3A_41 : vector<300x128xf32>
      %add3A_43 = arith.addf %add3A_37, %mul3A_42 : vector<300x128xf32>
      %slice3A_44 = vector.extract_strided_slice %select_n3A {offsets = [0, 512], sizes = [300, 128], strides = [1, 1]} : vector<300x8192xf32> to vector<300x128xf32>
      %slice3A_45 = vector.extract_strided_slice %reshape3A {offsets = [4, 0], sizes = [1, 128], strides = [1, 1]} : vector<64x128xf32> to vector<1x128xf32>
      %broadcast_in_dim3A_46 = vector.shape_cast %slice3A_45 : vector<1x128xf32> to vector<1x128xf32>
      %broadcast_in_dim3A_47 = vector.broadcast %broadcast_in_dim3A_46 : vector<1x128xf32> to vector<300x128xf32>
      %mul3A_48 = arith.mulf %slice3A_44, %broadcast_in_dim3A_47 : vector<300x128xf32>
      %add3A_49 = arith.addf %add3A_43, %mul3A_48 : vector<300x128xf32>
      %slice3A_50 = vector.extract_strided_slice %select_n3A {offsets = [0, 640], sizes = [300, 128], strides = [1, 1]} : vector<300x8192xf32> to vector<300x128xf32>
      %slice3A_51 = vector.extract_strided_slice %reshape3A {offsets = [5, 0], sizes = [1, 128], strides = [1, 1]} : vector<64x128xf32> to vector<1x128xf32>
      %broadcast_in_dim3A_52 = vector.shape_cast %slice3A_51 : vector<1x128xf32> to vector<1x128xf32>
      %broadcast_in_dim3A_53 = vector.broadcast %broadcast_in_dim3A_52 : vector<1x128xf32> to vector<300x128xf32>
      %mul3A_54 = arith.mulf %slice3A_50, %broadcast_in_dim3A_53 : vector<300x128xf32>
      %add3A_55 = arith.addf %add3A_49, %mul3A_54 : vector<300x128xf32>
      %slice3A_56 = vector.extract_strided_slice %select_n3A {offsets = [0, 768], sizes = [300, 128], strides = [1, 1]} : vector<300x8192xf32> to vector<300x128xf32>
      %slice3A_57 = vector.extract_strided_slice %reshape3A {offsets = [6, 0], sizes = [1, 128], strides = [1, 1]} : vector<64x128xf32> to vector<1x128xf32>
      %broadcast_in_dim3A_58 = vector.shape_cast %slice3A_57 : vector<1x128xf32> to vector<1x128xf32>
      %broadcast_in_dim3A_59 = vector.broadcast %broadcast_in_dim3A_58 : vector<1x128xf32> to vector<300x128xf32>
      %mul3A_60 = arith.mulf %slice3A_56, %broadcast_in_dim3A_59 : vector<300x128xf32>
      %add3A_61 = arith.addf %add3A_55, %mul3A_60 : vector<300x128xf32>
      %slice3A_62 = vector.extract_strided_slice %select_n3A {offsets = [0, 896], sizes = [300, 128], strides = [1, 1]} : vector<300x8192xf32> to vector<300x128xf32>
      %slice3A_63 = vector.extract_strided_slice %reshape3A {offsets = [7, 0], sizes = [1, 128], strides = [1, 1]} : vector<64x128xf32> to vector<1x128xf32>
      %broadcast_in_dim3A_64 = vector.shape_cast %slice3A_63 : vector<1x128xf32> to vector<1x128xf32>
      %broadcast_in_dim3A_65 = vector.broadcast %broadcast_in_dim3A_64 : vector<1x128xf32> to vector<300x128xf32>
      %mul3A_66 = arith.mulf %slice3A_62, %broadcast_in_dim3A_65 : vector<300x128xf32>
      %add3A_67 = arith.addf %add3A_61, %mul3A_66 : vector<300x128xf32>
      %slice3A_68 = vector.extract_strided_slice %select_n3A {offsets = [0, 1024], sizes = [300, 128], strides = [1, 1]} : vector<300x8192xf32> to vector<300x128xf32>
      %slice3A_69 = vector.extract_strided_slice %reshape3A {offsets = [8, 0], sizes = [1, 128], strides = [1, 1]} : vector<64x128xf32> to vector<1x128xf32>
      %broadcast_in_dim3A_70 = vector.shape_cast %slice3A_69 : vector<1x128xf32> to vector<1x128xf32>
      %broadcast_in_dim3A_71 = vector.broadcast %broadcast_in_dim3A_70 : vector<1x128xf32> to vector<300x128xf32>
      %mul3A_72 = arith.mulf %slice3A_68, %broadcast_in_dim3A_71 : vector<300x128xf32>
      %add3A_73 = arith.addf %add3A_67, %mul3A_72 : vector<300x128xf32>
      %slice3A_74 = vector.extract_strided_slice %select_n3A {offsets = [0, 1152], sizes = [300, 128], strides = [1, 1]} : vector<300x8192xf32> to vector<300x128xf32>
      %slice3A_75 = vector.extract_strided_slice %reshape3A {offsets = [9, 0], sizes = [1, 128], strides = [1, 1]} : vector<64x128xf32> to vector<1x128xf32>
      %broadcast_in_dim3A_76 = vector.shape_cast %slice3A_75 : vector<1x128xf32> to vector<1x128xf32>
      %broadcast_in_dim3A_77 = vector.broadcast %broadcast_in_dim3A_76 : vector<1x128xf32> to vector<300x128xf32>
      %mul3A_78 = arith.mulf %slice3A_74, %broadcast_in_dim3A_77 : vector<300x128xf32>
      %add3A_79 = arith.addf %add3A_73, %mul3A_78 : vector<300x128xf32>
      %slice3A_80 = vector.extract_strided_slice %select_n3A {offsets = [0, 1280], sizes = [300, 128], strides = [1, 1]} : vector<300x8192xf32> to vector<300x128xf32>
      %slice3A_81 = vector.extract_strided_slice %reshape3A {offsets = [10, 0], sizes = [1, 128], strides = [1, 1]} : vector<64x128xf32> to vector<1x128xf32>
      %broadcast_in_dim3A_82 = vector.shape_cast %slice3A_81 : vector<1x128xf32> to vector<1x128xf32>
      %broadcast_in_dim3A_83 = vector.broadcast %broadcast_in_dim3A_82 : vector<1x128xf32> to vector<300x128xf32>
      %mul3A_84 = arith.mulf %slice3A_80, %broadcast_in_dim3A_83 : vector<300x128xf32>
      %add3A_85 = arith.addf %add3A_79, %mul3A_84 : vector<300x128xf32>
      %slice3A_86 = vector.extract_strided_slice %select_n3A {offsets = [0, 1408], sizes = [300, 128], strides = [1, 1]} : vector<300x8192xf32> to vector<300x128xf32>
      %slice3A_87 = vector.extract_strided_slice %reshape3A {offsets = [11, 0], sizes = [1, 128], strides = [1, 1]} : vector<64x128xf32> to vector<1x128xf32>
      %broadcast_in_dim3A_88 = vector.shape_cast %slice3A_87 : vector<1x128xf32> to vector<1x128xf32>
      %broadcast_in_dim3A_89 = vector.broadcast %broadcast_in_dim3A_88 : vector<1x128xf32> to vector<300x128xf32>
      %mul3A_90 = arith.mulf %slice3A_86, %broadcast_in_dim3A_89 : vector<300x128xf32>
      %add3A_91 = arith.addf %add3A_85, %mul3A_90 : vector<300x128xf32>
      %slice3A_92 = vector.extract_strided_slice %select_n3A {offsets = [0, 1536], sizes = [300, 128], strides = [1, 1]} : vector<300x8192xf32> to vector<300x128xf32>
      %slice3A_93 = vector.extract_strided_slice %reshape3A {offsets = [12, 0], sizes = [1, 128], strides = [1, 1]} : vector<64x128xf32> to vector<1x128xf32>
      %broadcast_in_dim3A_94 = vector.shape_cast %slice3A_93 : vector<1x128xf32> to vector<1x128xf32>
      %broadcast_in_dim3A_95 = vector.broadcast %broadcast_in_dim3A_94 : vector<1x128xf32> to vector<300x128xf32>
      %mul3A_96 = arith.mulf %slice3A_92, %broadcast_in_dim3A_95 : vector<300x128xf32>
      %add3A_97 = arith.addf %add3A_91, %mul3A_96 : vector<300x128xf32>
      %slice3A_98 = vector.extract_strided_slice %select_n3A {offsets = [0, 1664], sizes = [300, 128], strides = [1, 1]} : vector<300x8192xf32> to vector<300x128xf32>
      %slice3A_99 = vector.extract_strided_slice %reshape3A {offsets = [13, 0], sizes = [1, 128], strides = [1, 1]} : vector<64x128xf32> to vector<1x128xf32>
      %broadcast_in_dim3A_100 = vector.shape_cast %slice3A_99 : vector<1x128xf32> to vector<1x128xf32>
      %broadcast_in_dim3A_101 = vector.broadcast %broadcast_in_dim3A_100 : vector<1x128xf32> to vector<300x128xf32>
      %mul3A_102 = arith.mulf %slice3A_98, %broadcast_in_dim3A_101 : vector<300x128xf32>
      %add3A_103 = arith.addf %add3A_97, %mul3A_102 : vector<300x128xf32>
      %slice3A_104 = vector.extract_strided_slice %select_n3A {offsets = [0, 1792], sizes = [300, 128], strides = [1, 1]} : vector<300x8192xf32> to vector<300x128xf32>
      %slice3A_105 = vector.extract_strided_slice %reshape3A {offsets = [14, 0], sizes = [1, 128], strides = [1, 1]} : vector<64x128xf32> to vector<1x128xf32>
      %broadcast_in_dim3A_106 = vector.shape_cast %slice3A_105 : vector<1x128xf32> to vector<1x128xf32>
      %broadcast_in_dim3A_107 = vector.broadcast %broadcast_in_dim3A_106 : vector<1x128xf32> to vector<300x128xf32>
      %mul3A_108 = arith.mulf %slice3A_104, %broadcast_in_dim3A_107 : vector<300x128xf32>
      %add3A_109 = arith.addf %add3A_103, %mul3A_108 : vector<300x128xf32>
      %slice3A_110 = vector.extract_strided_slice %select_n3A {offsets = [0, 1920], sizes = [300, 128], strides = [1, 1]} : vector<300x8192xf32> to vector<300x128xf32>
      %slice3A_111 = vector.extract_strided_slice %reshape3A {offsets = [15, 0], sizes = [1, 128], strides = [1, 1]} : vector<64x128xf32> to vector<1x128xf32>
      %broadcast_in_dim3A_112 = vector.shape_cast %slice3A_111 : vector<1x128xf32> to vector<1x128xf32>
      %broadcast_in_dim3A_113 = vector.broadcast %broadcast_in_dim3A_112 : vector<1x128xf32> to vector<300x128xf32>
      %mul3A_114 = arith.mulf %slice3A_110, %broadcast_in_dim3A_113 : vector<300x128xf32>
      %add3A_115 = arith.addf %add3A_109, %mul3A_114 : vector<300x128xf32>
      %slice3A_116 = vector.extract_strided_slice %select_n3A {offsets = [0, 2048], sizes = [300, 128], strides = [1, 1]} : vector<300x8192xf32> to vector<300x128xf32>
      %slice3A_117 = vector.extract_strided_slice %reshape3A {offsets = [16, 0], sizes = [1, 128], strides = [1, 1]} : vector<64x128xf32> to vector<1x128xf32>
      %broadcast_in_dim3A_118 = vector.shape_cast %slice3A_117 : vector<1x128xf32> to vector<1x128xf32>
      %broadcast_in_dim3A_119 = vector.broadcast %broadcast_in_dim3A_118 : vector<1x128xf32> to vector<300x128xf32>
      %mul3A_120 = arith.mulf %slice3A_116, %broadcast_in_dim3A_119 : vector<300x128xf32>
      %add3A_121 = arith.addf %add3A_115, %mul3A_120 : vector<300x128xf32>
      %slice3A_122 = vector.extract_strided_slice %select_n3A {offsets = [0, 2176], sizes = [300, 128], strides = [1, 1]} : vector<300x8192xf32> to vector<300x128xf32>
      %slice3A_123 = vector.extract_strided_slice %reshape3A {offsets = [17, 0], sizes = [1, 128], strides = [1, 1]} : vector<64x128xf32> to vector<1x128xf32>
      %broadcast_in_dim3A_124 = vector.shape_cast %slice3A_123 : vector<1x128xf32> to vector<1x128xf32>
      %broadcast_in_dim3A_125 = vector.broadcast %broadcast_in_dim3A_124 : vector<1x128xf32> to vector<300x128xf32>
      %mul3A_126 = arith.mulf %slice3A_122, %broadcast_in_dim3A_125 : vector<300x128xf32>
      %add3A_127 = arith.addf %add3A_121, %mul3A_126 : vector<300x128xf32>
      %slice3A_128 = vector.extract_strided_slice %select_n3A {offsets = [0, 2304], sizes = [300, 128], strides = [1, 1]} : vector<300x8192xf32> to vector<300x128xf32>
      %slice3A_129 = vector.extract_strided_slice %reshape3A {offsets = [18, 0], sizes = [1, 128], strides = [1, 1]} : vector<64x128xf32> to vector<1x128xf32>
      %broadcast_in_dim3A_130 = vector.shape_cast %slice3A_129 : vector<1x128xf32> to vector<1x128xf32>
      %broadcast_in_dim3A_131 = vector.broadcast %broadcast_in_dim3A_130 : vector<1x128xf32> to vector<300x128xf32>
      %mul3A_132 = arith.mulf %slice3A_128, %broadcast_in_dim3A_131 : vector<300x128xf32>
      %add3A_133 = arith.addf %add3A_127, %mul3A_132 : vector<300x128xf32>
      %slice3A_134 = vector.extract_strided_slice %select_n3A {offsets = [0, 2432], sizes = [300, 128], strides = [1, 1]} : vector<300x8192xf32> to vector<300x128xf32>
      %slice3A_135 = vector.extract_strided_slice %reshape3A {offsets = [19, 0], sizes = [1, 128], strides = [1, 1]} : vector<64x128xf32> to vector<1x128xf32>
      %broadcast_in_dim3A_136 = vector.shape_cast %slice3A_135 : vector<1x128xf32> to vector<1x128xf32>
      %broadcast_in_dim3A_137 = vector.broadcast %broadcast_in_dim3A_136 : vector<1x128xf32> to vector<300x128xf32>
      %mul3A_138 = arith.mulf %slice3A_134, %broadcast_in_dim3A_137 : vector<300x128xf32>
      %add3A_139 = arith.addf %add3A_133, %mul3A_138 : vector<300x128xf32>
      %slice3A_140 = vector.extract_strided_slice %select_n3A {offsets = [0, 2560], sizes = [300, 128], strides = [1, 1]} : vector<300x8192xf32> to vector<300x128xf32>
      %slice3A_141 = vector.extract_strided_slice %reshape3A {offsets = [20, 0], sizes = [1, 128], strides = [1, 1]} : vector<64x128xf32> to vector<1x128xf32>
      %broadcast_in_dim3A_142 = vector.shape_cast %slice3A_141 : vector<1x128xf32> to vector<1x128xf32>
      %broadcast_in_dim3A_143 = vector.broadcast %broadcast_in_dim3A_142 : vector<1x128xf32> to vector<300x128xf32>
      %mul3A_144 = arith.mulf %slice3A_140, %broadcast_in_dim3A_143 : vector<300x128xf32>
      %add3A_145 = arith.addf %add3A_139, %mul3A_144 : vector<300x128xf32>
      %slice3A_146 = vector.extract_strided_slice %select_n3A {offsets = [0, 2688], sizes = [300, 128], strides = [1, 1]} : vector<300x8192xf32> to vector<300x128xf32>
      %slice3A_147 = vector.extract_strided_slice %reshape3A {offsets = [21, 0], sizes = [1, 128], strides = [1, 1]} : vector<64x128xf32> to vector<1x128xf32>
      %broadcast_in_dim3A_148 = vector.shape_cast %slice3A_147 : vector<1x128xf32> to vector<1x128xf32>
      %broadcast_in_dim3A_149 = vector.broadcast %broadcast_in_dim3A_148 : vector<1x128xf32> to vector<300x128xf32>
      %mul3A_150 = arith.mulf %slice3A_146, %broadcast_in_dim3A_149 : vector<300x128xf32>
      %add3A_151 = arith.addf %add3A_145, %mul3A_150 : vector<300x128xf32>
      %slice3A_152 = vector.extract_strided_slice %select_n3A {offsets = [0, 2816], sizes = [300, 128], strides = [1, 1]} : vector<300x8192xf32> to vector<300x128xf32>
      %slice3A_153 = vector.extract_strided_slice %reshape3A {offsets = [22, 0], sizes = [1, 128], strides = [1, 1]} : vector<64x128xf32> to vector<1x128xf32>
      %broadcast_in_dim3A_154 = vector.shape_cast %slice3A_153 : vector<1x128xf32> to vector<1x128xf32>
      %broadcast_in_dim3A_155 = vector.broadcast %broadcast_in_dim3A_154 : vector<1x128xf32> to vector<300x128xf32>
      %mul3A_156 = arith.mulf %slice3A_152, %broadcast_in_dim3A_155 : vector<300x128xf32>
      %add3A_157 = arith.addf %add3A_151, %mul3A_156 : vector<300x128xf32>
      %slice3A_158 = vector.extract_strided_slice %select_n3A {offsets = [0, 2944], sizes = [300, 128], strides = [1, 1]} : vector<300x8192xf32> to vector<300x128xf32>
      %slice3A_159 = vector.extract_strided_slice %reshape3A {offsets = [23, 0], sizes = [1, 128], strides = [1, 1]} : vector<64x128xf32> to vector<1x128xf32>
      %broadcast_in_dim3A_160 = vector.shape_cast %slice3A_159 : vector<1x128xf32> to vector<1x128xf32>
      %broadcast_in_dim3A_161 = vector.broadcast %broadcast_in_dim3A_160 : vector<1x128xf32> to vector<300x128xf32>
      %mul3A_162 = arith.mulf %slice3A_158, %broadcast_in_dim3A_161 : vector<300x128xf32>
      %add3A_163 = arith.addf %add3A_157, %mul3A_162 : vector<300x128xf32>
      %slice3A_164 = vector.extract_strided_slice %select_n3A {offsets = [0, 3072], sizes = [300, 128], strides = [1, 1]} : vector<300x8192xf32> to vector<300x128xf32>
      %slice3A_165 = vector.extract_strided_slice %reshape3A {offsets = [24, 0], sizes = [1, 128], strides = [1, 1]} : vector<64x128xf32> to vector<1x128xf32>
      %broadcast_in_dim3A_166 = vector.shape_cast %slice3A_165 : vector<1x128xf32> to vector<1x128xf32>
      %broadcast_in_dim3A_167 = vector.broadcast %broadcast_in_dim3A_166 : vector<1x128xf32> to vector<300x128xf32>
      %mul3A_168 = arith.mulf %slice3A_164, %broadcast_in_dim3A_167 : vector<300x128xf32>
      %add3A_169 = arith.addf %add3A_163, %mul3A_168 : vector<300x128xf32>
      %slice3A_170 = vector.extract_strided_slice %select_n3A {offsets = [0, 3200], sizes = [300, 128], strides = [1, 1]} : vector<300x8192xf32> to vector<300x128xf32>
      %slice3A_171 = vector.extract_strided_slice %reshape3A {offsets = [25, 0], sizes = [1, 128], strides = [1, 1]} : vector<64x128xf32> to vector<1x128xf32>
      %broadcast_in_dim3A_172 = vector.shape_cast %slice3A_171 : vector<1x128xf32> to vector<1x128xf32>
      %broadcast_in_dim3A_173 = vector.broadcast %broadcast_in_dim3A_172 : vector<1x128xf32> to vector<300x128xf32>
      %mul3A_174 = arith.mulf %slice3A_170, %broadcast_in_dim3A_173 : vector<300x128xf32>
      %add3A_175 = arith.addf %add3A_169, %mul3A_174 : vector<300x128xf32>
      %slice3A_176 = vector.extract_strided_slice %select_n3A {offsets = [0, 3328], sizes = [300, 128], strides = [1, 1]} : vector<300x8192xf32> to vector<300x128xf32>
      %slice3A_177 = vector.extract_strided_slice %reshape3A {offsets = [26, 0], sizes = [1, 128], strides = [1, 1]} : vector<64x128xf32> to vector<1x128xf32>
      %broadcast_in_dim3A_178 = vector.shape_cast %slice3A_177 : vector<1x128xf32> to vector<1x128xf32>
      %broadcast_in_dim3A_179 = vector.broadcast %broadcast_in_dim3A_178 : vector<1x128xf32> to vector<300x128xf32>
      %mul3A_180 = arith.mulf %slice3A_176, %broadcast_in_dim3A_179 : vector<300x128xf32>
      %add3A_181 = arith.addf %add3A_175, %mul3A_180 : vector<300x128xf32>
      %slice3A_182 = vector.extract_strided_slice %select_n3A {offsets = [0, 3456], sizes = [300, 128], strides = [1, 1]} : vector<300x8192xf32> to vector<300x128xf32>
      %slice3A_183 = vector.extract_strided_slice %reshape3A {offsets = [27, 0], sizes = [1, 128], strides = [1, 1]} : vector<64x128xf32> to vector<1x128xf32>
      %broadcast_in_dim3A_184 = vector.shape_cast %slice3A_183 : vector<1x128xf32> to vector<1x128xf32>
      %broadcast_in_dim3A_185 = vector.broadcast %broadcast_in_dim3A_184 : vector<1x128xf32> to vector<300x128xf32>
      %mul3A_186 = arith.mulf %slice3A_182, %broadcast_in_dim3A_185 : vector<300x128xf32>
      %add3A_187 = arith.addf %add3A_181, %mul3A_186 : vector<300x128xf32>
      %slice3A_188 = vector.extract_strided_slice %select_n3A {offsets = [0, 3584], sizes = [300, 128], strides = [1, 1]} : vector<300x8192xf32> to vector<300x128xf32>
      %slice3A_189 = vector.extract_strided_slice %reshape3A {offsets = [28, 0], sizes = [1, 128], strides = [1, 1]} : vector<64x128xf32> to vector<1x128xf32>
      %broadcast_in_dim3A_190 = vector.shape_cast %slice3A_189 : vector<1x128xf32> to vector<1x128xf32>
      %broadcast_in_dim3A_191 = vector.broadcast %broadcast_in_dim3A_190 : vector<1x128xf32> to vector<300x128xf32>
      %mul3A_192 = arith.mulf %slice3A_188, %broadcast_in_dim3A_191 : vector<300x128xf32>
      %add3A_193 = arith.addf %add3A_187, %mul3A_192 : vector<300x128xf32>
      %slice3A_194 = vector.extract_strided_slice %select_n3A {offsets = [0, 3712], sizes = [300, 128], strides = [1, 1]} : vector<300x8192xf32> to vector<300x128xf32>
      %slice3A_195 = vector.extract_strided_slice %reshape3A {offsets = [29, 0], sizes = [1, 128], strides = [1, 1]} : vector<64x128xf32> to vector<1x128xf32>
      %broadcast_in_dim3A_196 = vector.shape_cast %slice3A_195 : vector<1x128xf32> to vector<1x128xf32>
      %broadcast_in_dim3A_197 = vector.broadcast %broadcast_in_dim3A_196 : vector<1x128xf32> to vector<300x128xf32>
      %mul3A_198 = arith.mulf %slice3A_194, %broadcast_in_dim3A_197 : vector<300x128xf32>
      %add3A_199 = arith.addf %add3A_193, %mul3A_198 : vector<300x128xf32>
      %slice3A_200 = vector.extract_strided_slice %select_n3A {offsets = [0, 3840], sizes = [300, 128], strides = [1, 1]} : vector<300x8192xf32> to vector<300x128xf32>
      %slice3A_201 = vector.extract_strided_slice %reshape3A {offsets = [30, 0], sizes = [1, 128], strides = [1, 1]} : vector<64x128xf32> to vector<1x128xf32>
      %broadcast_in_dim3A_202 = vector.shape_cast %slice3A_201 : vector<1x128xf32> to vector<1x128xf32>
      %broadcast_in_dim3A_203 = vector.broadcast %broadcast_in_dim3A_202 : vector<1x128xf32> to vector<300x128xf32>
      %mul3A_204 = arith.mulf %slice3A_200, %broadcast_in_dim3A_203 : vector<300x128xf32>
      %add3A_205 = arith.addf %add3A_199, %mul3A_204 : vector<300x128xf32>
      %slice3A_206 = vector.extract_strided_slice %select_n3A {offsets = [0, 3968], sizes = [300, 128], strides = [1, 1]} : vector<300x8192xf32> to vector<300x128xf32>
      %slice3A_207 = vector.extract_strided_slice %reshape3A {offsets = [31, 0], sizes = [1, 128], strides = [1, 1]} : vector<64x128xf32> to vector<1x128xf32>
      %broadcast_in_dim3A_208 = vector.shape_cast %slice3A_207 : vector<1x128xf32> to vector<1x128xf32>
      %broadcast_in_dim3A_209 = vector.broadcast %broadcast_in_dim3A_208 : vector<1x128xf32> to vector<300x128xf32>
      %mul3A_210 = arith.mulf %slice3A_206, %broadcast_in_dim3A_209 : vector<300x128xf32>
      %add3A_211 = arith.addf %add3A_205, %mul3A_210 : vector<300x128xf32>
      %slice3A_212 = vector.extract_strided_slice %select_n3A {offsets = [0, 4096], sizes = [300, 128], strides = [1, 1]} : vector<300x8192xf32> to vector<300x128xf32>
      %slice3A_213 = vector.extract_strided_slice %reshape3A {offsets = [32, 0], sizes = [1, 128], strides = [1, 1]} : vector<64x128xf32> to vector<1x128xf32>
      %broadcast_in_dim3A_214 = vector.shape_cast %slice3A_213 : vector<1x128xf32> to vector<1x128xf32>
      %broadcast_in_dim3A_215 = vector.broadcast %broadcast_in_dim3A_214 : vector<1x128xf32> to vector<300x128xf32>
      %mul3A_216 = arith.mulf %slice3A_212, %broadcast_in_dim3A_215 : vector<300x128xf32>
      %add3A_217 = arith.addf %add3A_211, %mul3A_216 : vector<300x128xf32>
      %slice3A_218 = vector.extract_strided_slice %select_n3A {offsets = [0, 4224], sizes = [300, 128], strides = [1, 1]} : vector<300x8192xf32> to vector<300x128xf32>
      %slice3A_219 = vector.extract_strided_slice %reshape3A {offsets = [33, 0], sizes = [1, 128], strides = [1, 1]} : vector<64x128xf32> to vector<1x128xf32>
      %broadcast_in_dim3A_220 = vector.shape_cast %slice3A_219 : vector<1x128xf32> to vector<1x128xf32>
      %broadcast_in_dim3A_221 = vector.broadcast %broadcast_in_dim3A_220 : vector<1x128xf32> to vector<300x128xf32>
      %mul3A_222 = arith.mulf %slice3A_218, %broadcast_in_dim3A_221 : vector<300x128xf32>
      %add3A_223 = arith.addf %add3A_217, %mul3A_222 : vector<300x128xf32>
      %slice3A_224 = vector.extract_strided_slice %select_n3A {offsets = [0, 4352], sizes = [300, 128], strides = [1, 1]} : vector<300x8192xf32> to vector<300x128xf32>
      %slice3A_225 = vector.extract_strided_slice %reshape3A {offsets = [34, 0], sizes = [1, 128], strides = [1, 1]} : vector<64x128xf32> to vector<1x128xf32>
      %broadcast_in_dim3A_226 = vector.shape_cast %slice3A_225 : vector<1x128xf32> to vector<1x128xf32>
      %broadcast_in_dim3A_227 = vector.broadcast %broadcast_in_dim3A_226 : vector<1x128xf32> to vector<300x128xf32>
      %mul3A_228 = arith.mulf %slice3A_224, %broadcast_in_dim3A_227 : vector<300x128xf32>
      %add3A_229 = arith.addf %add3A_223, %mul3A_228 : vector<300x128xf32>
      %slice3A_230 = vector.extract_strided_slice %select_n3A {offsets = [0, 4480], sizes = [300, 128], strides = [1, 1]} : vector<300x8192xf32> to vector<300x128xf32>
      %slice3A_231 = vector.extract_strided_slice %reshape3A {offsets = [35, 0], sizes = [1, 128], strides = [1, 1]} : vector<64x128xf32> to vector<1x128xf32>
      %broadcast_in_dim3A_232 = vector.shape_cast %slice3A_231 : vector<1x128xf32> to vector<1x128xf32>
      %broadcast_in_dim3A_233 = vector.broadcast %broadcast_in_dim3A_232 : vector<1x128xf32> to vector<300x128xf32>
      %mul3A_234 = arith.mulf %slice3A_230, %broadcast_in_dim3A_233 : vector<300x128xf32>
      %add3A_235 = arith.addf %add3A_229, %mul3A_234 : vector<300x128xf32>
      %slice3A_236 = vector.extract_strided_slice %select_n3A {offsets = [0, 4608], sizes = [300, 128], strides = [1, 1]} : vector<300x8192xf32> to vector<300x128xf32>
      %slice3A_237 = vector.extract_strided_slice %reshape3A {offsets = [36, 0], sizes = [1, 128], strides = [1, 1]} : vector<64x128xf32> to vector<1x128xf32>
      %broadcast_in_dim3A_238 = vector.shape_cast %slice3A_237 : vector<1x128xf32> to vector<1x128xf32>
      %broadcast_in_dim3A_239 = vector.broadcast %broadcast_in_dim3A_238 : vector<1x128xf32> to vector<300x128xf32>
      %mul3A_240 = arith.mulf %slice3A_236, %broadcast_in_dim3A_239 : vector<300x128xf32>
      %add3A_241 = arith.addf %add3A_235, %mul3A_240 : vector<300x128xf32>
      %slice3A_242 = vector.extract_strided_slice %select_n3A {offsets = [0, 4736], sizes = [300, 128], strides = [1, 1]} : vector<300x8192xf32> to vector<300x128xf32>
      %slice3A_243 = vector.extract_strided_slice %reshape3A {offsets = [37, 0], sizes = [1, 128], strides = [1, 1]} : vector<64x128xf32> to vector<1x128xf32>
      %broadcast_in_dim3A_244 = vector.shape_cast %slice3A_243 : vector<1x128xf32> to vector<1x128xf32>
      %broadcast_in_dim3A_245 = vector.broadcast %broadcast_in_dim3A_244 : vector<1x128xf32> to vector<300x128xf32>
      %mul3A_246 = arith.mulf %slice3A_242, %broadcast_in_dim3A_245 : vector<300x128xf32>
      %add3A_247 = arith.addf %add3A_241, %mul3A_246 : vector<300x128xf32>
      %slice3A_248 = vector.extract_strided_slice %select_n3A {offsets = [0, 4864], sizes = [300, 128], strides = [1, 1]} : vector<300x8192xf32> to vector<300x128xf32>
      %slice3A_249 = vector.extract_strided_slice %reshape3A {offsets = [38, 0], sizes = [1, 128], strides = [1, 1]} : vector<64x128xf32> to vector<1x128xf32>
      %broadcast_in_dim3A_250 = vector.shape_cast %slice3A_249 : vector<1x128xf32> to vector<1x128xf32>
      %broadcast_in_dim3A_251 = vector.broadcast %broadcast_in_dim3A_250 : vector<1x128xf32> to vector<300x128xf32>
      %mul3A_252 = arith.mulf %slice3A_248, %broadcast_in_dim3A_251 : vector<300x128xf32>
      %add3A_253 = arith.addf %add3A_247, %mul3A_252 : vector<300x128xf32>
      %slice3A_254 = vector.extract_strided_slice %select_n3A {offsets = [0, 4992], sizes = [300, 128], strides = [1, 1]} : vector<300x8192xf32> to vector<300x128xf32>
      %slice3A_255 = vector.extract_strided_slice %reshape3A {offsets = [39, 0], sizes = [1, 128], strides = [1, 1]} : vector<64x128xf32> to vector<1x128xf32>
      %broadcast_in_dim3A_256 = vector.shape_cast %slice3A_255 : vector<1x128xf32> to vector<1x128xf32>
      %broadcast_in_dim3A_257 = vector.broadcast %broadcast_in_dim3A_256 : vector<1x128xf32> to vector<300x128xf32>
      %mul3A_258 = arith.mulf %slice3A_254, %broadcast_in_dim3A_257 : vector<300x128xf32>
      %add3A_259 = arith.addf %add3A_253, %mul3A_258 : vector<300x128xf32>
      %slice3A_260 = vector.extract_strided_slice %select_n3A {offsets = [0, 5120], sizes = [300, 128], strides = [1, 1]} : vector<300x8192xf32> to vector<300x128xf32>
      %slice3A_261 = vector.extract_strided_slice %reshape3A {offsets = [40, 0], sizes = [1, 128], strides = [1, 1]} : vector<64x128xf32> to vector<1x128xf32>
      %broadcast_in_dim3A_262 = vector.shape_cast %slice3A_261 : vector<1x128xf32> to vector<1x128xf32>
      %broadcast_in_dim3A_263 = vector.broadcast %broadcast_in_dim3A_262 : vector<1x128xf32> to vector<300x128xf32>
      %mul3A_264 = arith.mulf %slice3A_260, %broadcast_in_dim3A_263 : vector<300x128xf32>
      %add3A_265 = arith.addf %add3A_259, %mul3A_264 : vector<300x128xf32>
      %slice3A_266 = vector.extract_strided_slice %select_n3A {offsets = [0, 5248], sizes = [300, 128], strides = [1, 1]} : vector<300x8192xf32> to vector<300x128xf32>
      %slice3A_267 = vector.extract_strided_slice %reshape3A {offsets = [41, 0], sizes = [1, 128], strides = [1, 1]} : vector<64x128xf32> to vector<1x128xf32>
      %broadcast_in_dim3A_268 = vector.shape_cast %slice3A_267 : vector<1x128xf32> to vector<1x128xf32>
      %broadcast_in_dim3A_269 = vector.broadcast %broadcast_in_dim3A_268 : vector<1x128xf32> to vector<300x128xf32>
      %mul3A_270 = arith.mulf %slice3A_266, %broadcast_in_dim3A_269 : vector<300x128xf32>
      %add3A_271 = arith.addf %add3A_265, %mul3A_270 : vector<300x128xf32>
      %slice3A_272 = vector.extract_strided_slice %select_n3A {offsets = [0, 5376], sizes = [300, 128], strides = [1, 1]} : vector<300x8192xf32> to vector<300x128xf32>
      %slice3A_273 = vector.extract_strided_slice %reshape3A {offsets = [42, 0], sizes = [1, 128], strides = [1, 1]} : vector<64x128xf32> to vector<1x128xf32>
      %broadcast_in_dim3A_274 = vector.shape_cast %slice3A_273 : vector<1x128xf32> to vector<1x128xf32>
      %broadcast_in_dim3A_275 = vector.broadcast %broadcast_in_dim3A_274 : vector<1x128xf32> to vector<300x128xf32>
      %mul3A_276 = arith.mulf %slice3A_272, %broadcast_in_dim3A_275 : vector<300x128xf32>
      %add3A_277 = arith.addf %add3A_271, %mul3A_276 : vector<300x128xf32>
      %slice3A_278 = vector.extract_strided_slice %select_n3A {offsets = [0, 5504], sizes = [300, 128], strides = [1, 1]} : vector<300x8192xf32> to vector<300x128xf32>
      %slice3A_279 = vector.extract_strided_slice %reshape3A {offsets = [43, 0], sizes = [1, 128], strides = [1, 1]} : vector<64x128xf32> to vector<1x128xf32>
      %broadcast_in_dim3A_280 = vector.shape_cast %slice3A_279 : vector<1x128xf32> to vector<1x128xf32>
      %broadcast_in_dim3A_281 = vector.broadcast %broadcast_in_dim3A_280 : vector<1x128xf32> to vector<300x128xf32>
      %mul3A_282 = arith.mulf %slice3A_278, %broadcast_in_dim3A_281 : vector<300x128xf32>
      %add3A_283 = arith.addf %add3A_277, %mul3A_282 : vector<300x128xf32>
      %slice3A_284 = vector.extract_strided_slice %select_n3A {offsets = [0, 5632], sizes = [300, 128], strides = [1, 1]} : vector<300x8192xf32> to vector<300x128xf32>
      %slice3A_285 = vector.extract_strided_slice %reshape3A {offsets = [44, 0], sizes = [1, 128], strides = [1, 1]} : vector<64x128xf32> to vector<1x128xf32>
      %broadcast_in_dim3A_286 = vector.shape_cast %slice3A_285 : vector<1x128xf32> to vector<1x128xf32>
      %broadcast_in_dim3A_287 = vector.broadcast %broadcast_in_dim3A_286 : vector<1x128xf32> to vector<300x128xf32>
      %mul3A_288 = arith.mulf %slice3A_284, %broadcast_in_dim3A_287 : vector<300x128xf32>
      %add3A_289 = arith.addf %add3A_283, %mul3A_288 : vector<300x128xf32>
      %slice3A_290 = vector.extract_strided_slice %select_n3A {offsets = [0, 5760], sizes = [300, 128], strides = [1, 1]} : vector<300x8192xf32> to vector<300x128xf32>
      %slice3A_291 = vector.extract_strided_slice %reshape3A {offsets = [45, 0], sizes = [1, 128], strides = [1, 1]} : vector<64x128xf32> to vector<1x128xf32>
      %broadcast_in_dim3A_292 = vector.shape_cast %slice3A_291 : vector<1x128xf32> to vector<1x128xf32>
      %broadcast_in_dim3A_293 = vector.broadcast %broadcast_in_dim3A_292 : vector<1x128xf32> to vector<300x128xf32>
      %mul3A_294 = arith.mulf %slice3A_290, %broadcast_in_dim3A_293 : vector<300x128xf32>
      %add3A_295 = arith.addf %add3A_289, %mul3A_294 : vector<300x128xf32>
      %slice3A_296 = vector.extract_strided_slice %select_n3A {offsets = [0, 5888], sizes = [300, 128], strides = [1, 1]} : vector<300x8192xf32> to vector<300x128xf32>
      %slice3A_297 = vector.extract_strided_slice %reshape3A {offsets = [46, 0], sizes = [1, 128], strides = [1, 1]} : vector<64x128xf32> to vector<1x128xf32>
      %broadcast_in_dim3A_298 = vector.shape_cast %slice3A_297 : vector<1x128xf32> to vector<1x128xf32>
      %broadcast_in_dim3A_299 = vector.broadcast %broadcast_in_dim3A_298 : vector<1x128xf32> to vector<300x128xf32>
      %mul3A_300 = arith.mulf %slice3A_296, %broadcast_in_dim3A_299 : vector<300x128xf32>
      %add3A_301 = arith.addf %add3A_295, %mul3A_300 : vector<300x128xf32>
      %slice3A_302 = vector.extract_strided_slice %select_n3A {offsets = [0, 6016], sizes = [300, 128], strides = [1, 1]} : vector<300x8192xf32> to vector<300x128xf32>
      %slice3A_303 = vector.extract_strided_slice %reshape3A {offsets = [47, 0], sizes = [1, 128], strides = [1, 1]} : vector<64x128xf32> to vector<1x128xf32>
      %broadcast_in_dim3A_304 = vector.shape_cast %slice3A_303 : vector<1x128xf32> to vector<1x128xf32>
      %broadcast_in_dim3A_305 = vector.broadcast %broadcast_in_dim3A_304 : vector<1x128xf32> to vector<300x128xf32>
      %mul3A_306 = arith.mulf %slice3A_302, %broadcast_in_dim3A_305 : vector<300x128xf32>
      %add3A_307 = arith.addf %add3A_301, %mul3A_306 : vector<300x128xf32>
      %slice3A_308 = vector.extract_strided_slice %select_n3A {offsets = [0, 6144], sizes = [300, 128], strides = [1, 1]} : vector<300x8192xf32> to vector<300x128xf32>
      %slice3A_309 = vector.extract_strided_slice %reshape3A {offsets = [48, 0], sizes = [1, 128], strides = [1, 1]} : vector<64x128xf32> to vector<1x128xf32>
      %broadcast_in_dim3A_310 = vector.shape_cast %slice3A_309 : vector<1x128xf32> to vector<1x128xf32>
      %broadcast_in_dim3A_311 = vector.broadcast %broadcast_in_dim3A_310 : vector<1x128xf32> to vector<300x128xf32>
      %mul3A_312 = arith.mulf %slice3A_308, %broadcast_in_dim3A_311 : vector<300x128xf32>
      %add3A_313 = arith.addf %add3A_307, %mul3A_312 : vector<300x128xf32>
      %slice3A_314 = vector.extract_strided_slice %select_n3A {offsets = [0, 6272], sizes = [300, 128], strides = [1, 1]} : vector<300x8192xf32> to vector<300x128xf32>
      %slice3A_315 = vector.extract_strided_slice %reshape3A {offsets = [49, 0], sizes = [1, 128], strides = [1, 1]} : vector<64x128xf32> to vector<1x128xf32>
      %broadcast_in_dim3A_316 = vector.shape_cast %slice3A_315 : vector<1x128xf32> to vector<1x128xf32>
      %broadcast_in_dim3A_317 = vector.broadcast %broadcast_in_dim3A_316 : vector<1x128xf32> to vector<300x128xf32>
      %mul3A_318 = arith.mulf %slice3A_314, %broadcast_in_dim3A_317 : vector<300x128xf32>
      %add3A_319 = arith.addf %add3A_313, %mul3A_318 : vector<300x128xf32>
      %slice3A_320 = vector.extract_strided_slice %select_n3A {offsets = [0, 6400], sizes = [300, 128], strides = [1, 1]} : vector<300x8192xf32> to vector<300x128xf32>
      %slice3A_321 = vector.extract_strided_slice %reshape3A {offsets = [50, 0], sizes = [1, 128], strides = [1, 1]} : vector<64x128xf32> to vector<1x128xf32>
      %broadcast_in_dim3A_322 = vector.shape_cast %slice3A_321 : vector<1x128xf32> to vector<1x128xf32>
      %broadcast_in_dim3A_323 = vector.broadcast %broadcast_in_dim3A_322 : vector<1x128xf32> to vector<300x128xf32>
      %mul3A_324 = arith.mulf %slice3A_320, %broadcast_in_dim3A_323 : vector<300x128xf32>
      %add3A_325 = arith.addf %add3A_319, %mul3A_324 : vector<300x128xf32>
      %slice3A_326 = vector.extract_strided_slice %select_n3A {offsets = [0, 6528], sizes = [300, 128], strides = [1, 1]} : vector<300x8192xf32> to vector<300x128xf32>
      %slice3A_327 = vector.extract_strided_slice %reshape3A {offsets = [51, 0], sizes = [1, 128], strides = [1, 1]} : vector<64x128xf32> to vector<1x128xf32>
      %broadcast_in_dim3A_328 = vector.shape_cast %slice3A_327 : vector<1x128xf32> to vector<1x128xf32>
      %broadcast_in_dim3A_329 = vector.broadcast %broadcast_in_dim3A_328 : vector<1x128xf32> to vector<300x128xf32>
      %mul3A_330 = arith.mulf %slice3A_326, %broadcast_in_dim3A_329 : vector<300x128xf32>
      %add3A_331 = arith.addf %add3A_325, %mul3A_330 : vector<300x128xf32>
      %slice3A_332 = vector.extract_strided_slice %select_n3A {offsets = [0, 6656], sizes = [300, 128], strides = [1, 1]} : vector<300x8192xf32> to vector<300x128xf32>
      %slice3A_333 = vector.extract_strided_slice %reshape3A {offsets = [52, 0], sizes = [1, 128], strides = [1, 1]} : vector<64x128xf32> to vector<1x128xf32>
      %broadcast_in_dim3A_334 = vector.shape_cast %slice3A_333 : vector<1x128xf32> to vector<1x128xf32>
      %broadcast_in_dim3A_335 = vector.broadcast %broadcast_in_dim3A_334 : vector<1x128xf32> to vector<300x128xf32>
      %mul3A_336 = arith.mulf %slice3A_332, %broadcast_in_dim3A_335 : vector<300x128xf32>
      %add3A_337 = arith.addf %add3A_331, %mul3A_336 : vector<300x128xf32>
      %slice3A_338 = vector.extract_strided_slice %select_n3A {offsets = [0, 6784], sizes = [300, 128], strides = [1, 1]} : vector<300x8192xf32> to vector<300x128xf32>
      %slice3A_339 = vector.extract_strided_slice %reshape3A {offsets = [53, 0], sizes = [1, 128], strides = [1, 1]} : vector<64x128xf32> to vector<1x128xf32>
      %broadcast_in_dim3A_340 = vector.shape_cast %slice3A_339 : vector<1x128xf32> to vector<1x128xf32>
      %broadcast_in_dim3A_341 = vector.broadcast %broadcast_in_dim3A_340 : vector<1x128xf32> to vector<300x128xf32>
      %mul3A_342 = arith.mulf %slice3A_338, %broadcast_in_dim3A_341 : vector<300x128xf32>
      %add3A_343 = arith.addf %add3A_337, %mul3A_342 : vector<300x128xf32>
      %slice3A_344 = vector.extract_strided_slice %select_n3A {offsets = [0, 6912], sizes = [300, 128], strides = [1, 1]} : vector<300x8192xf32> to vector<300x128xf32>
      %slice3A_345 = vector.extract_strided_slice %reshape3A {offsets = [54, 0], sizes = [1, 128], strides = [1, 1]} : vector<64x128xf32> to vector<1x128xf32>
      %broadcast_in_dim3A_346 = vector.shape_cast %slice3A_345 : vector<1x128xf32> to vector<1x128xf32>
      %broadcast_in_dim3A_347 = vector.broadcast %broadcast_in_dim3A_346 : vector<1x128xf32> to vector<300x128xf32>
      %mul3A_348 = arith.mulf %slice3A_344, %broadcast_in_dim3A_347 : vector<300x128xf32>
      %add3A_349 = arith.addf %add3A_343, %mul3A_348 : vector<300x128xf32>
      %slice3A_350 = vector.extract_strided_slice %select_n3A {offsets = [0, 7040], sizes = [300, 128], strides = [1, 1]} : vector<300x8192xf32> to vector<300x128xf32>
      %slice3A_351 = vector.extract_strided_slice %reshape3A {offsets = [55, 0], sizes = [1, 128], strides = [1, 1]} : vector<64x128xf32> to vector<1x128xf32>
      %broadcast_in_dim3A_352 = vector.shape_cast %slice3A_351 : vector<1x128xf32> to vector<1x128xf32>
      %broadcast_in_dim3A_353 = vector.broadcast %broadcast_in_dim3A_352 : vector<1x128xf32> to vector<300x128xf32>
      %mul3A_354 = arith.mulf %slice3A_350, %broadcast_in_dim3A_353 : vector<300x128xf32>
      %add3A_355 = arith.addf %add3A_349, %mul3A_354 : vector<300x128xf32>
      %slice3A_356 = vector.extract_strided_slice %select_n3A {offsets = [0, 7168], sizes = [300, 128], strides = [1, 1]} : vector<300x8192xf32> to vector<300x128xf32>
      %slice3A_357 = vector.extract_strided_slice %reshape3A {offsets = [56, 0], sizes = [1, 128], strides = [1, 1]} : vector<64x128xf32> to vector<1x128xf32>
      %broadcast_in_dim3A_358 = vector.shape_cast %slice3A_357 : vector<1x128xf32> to vector<1x128xf32>
      %broadcast_in_dim3A_359 = vector.broadcast %broadcast_in_dim3A_358 : vector<1x128xf32> to vector<300x128xf32>
      %mul3A_360 = arith.mulf %slice3A_356, %broadcast_in_dim3A_359 : vector<300x128xf32>
      %add3A_361 = arith.addf %add3A_355, %mul3A_360 : vector<300x128xf32>
      %slice3A_362 = vector.extract_strided_slice %select_n3A {offsets = [0, 7296], sizes = [300, 128], strides = [1, 1]} : vector<300x8192xf32> to vector<300x128xf32>
      %slice3A_363 = vector.extract_strided_slice %reshape3A {offsets = [57, 0], sizes = [1, 128], strides = [1, 1]} : vector<64x128xf32> to vector<1x128xf32>
      %broadcast_in_dim3A_364 = vector.shape_cast %slice3A_363 : vector<1x128xf32> to vector<1x128xf32>
      %broadcast_in_dim3A_365 = vector.broadcast %broadcast_in_dim3A_364 : vector<1x128xf32> to vector<300x128xf32>
      %mul3A_366 = arith.mulf %slice3A_362, %broadcast_in_dim3A_365 : vector<300x128xf32>
      %add3A_367 = arith.addf %add3A_361, %mul3A_366 : vector<300x128xf32>
      %slice3A_368 = vector.extract_strided_slice %select_n3A {offsets = [0, 7424], sizes = [300, 128], strides = [1, 1]} : vector<300x8192xf32> to vector<300x128xf32>
      %slice3A_369 = vector.extract_strided_slice %reshape3A {offsets = [58, 0], sizes = [1, 128], strides = [1, 1]} : vector<64x128xf32> to vector<1x128xf32>
      %broadcast_in_dim3A_370 = vector.shape_cast %slice3A_369 : vector<1x128xf32> to vector<1x128xf32>
      %broadcast_in_dim3A_371 = vector.broadcast %broadcast_in_dim3A_370 : vector<1x128xf32> to vector<300x128xf32>
      %mul3A_372 = arith.mulf %slice3A_368, %broadcast_in_dim3A_371 : vector<300x128xf32>
      %add3A_373 = arith.addf %add3A_367, %mul3A_372 : vector<300x128xf32>
      %slice3A_374 = vector.extract_strided_slice %select_n3A {offsets = [0, 7552], sizes = [300, 128], strides = [1, 1]} : vector<300x8192xf32> to vector<300x128xf32>
      %slice3A_375 = vector.extract_strided_slice %reshape3A {offsets = [59, 0], sizes = [1, 128], strides = [1, 1]} : vector<64x128xf32> to vector<1x128xf32>
      %broadcast_in_dim3A_376 = vector.shape_cast %slice3A_375 : vector<1x128xf32> to vector<1x128xf32>
      %broadcast_in_dim3A_377 = vector.broadcast %broadcast_in_dim3A_376 : vector<1x128xf32> to vector<300x128xf32>
      %mul3A_378 = arith.mulf %slice3A_374, %broadcast_in_dim3A_377 : vector<300x128xf32>
      %add3A_379 = arith.addf %add3A_373, %mul3A_378 : vector<300x128xf32>
      %slice3A_380 = vector.extract_strided_slice %select_n3A {offsets = [0, 7680], sizes = [300, 128], strides = [1, 1]} : vector<300x8192xf32> to vector<300x128xf32>
      %slice3A_381 = vector.extract_strided_slice %reshape3A {offsets = [60, 0], sizes = [1, 128], strides = [1, 1]} : vector<64x128xf32> to vector<1x128xf32>
      %broadcast_in_dim3A_382 = vector.shape_cast %slice3A_381 : vector<1x128xf32> to vector<1x128xf32>
      %broadcast_in_dim3A_383 = vector.broadcast %broadcast_in_dim3A_382 : vector<1x128xf32> to vector<300x128xf32>
      %mul3A_384 = arith.mulf %slice3A_380, %broadcast_in_dim3A_383 : vector<300x128xf32>
      %add3A_385 = arith.addf %add3A_379, %mul3A_384 : vector<300x128xf32>
      %slice3A_386 = vector.extract_strided_slice %select_n3A {offsets = [0, 7808], sizes = [300, 128], strides = [1, 1]} : vector<300x8192xf32> to vector<300x128xf32>
      %slice3A_387 = vector.extract_strided_slice %reshape3A {offsets = [61, 0], sizes = [1, 128], strides = [1, 1]} : vector<64x128xf32> to vector<1x128xf32>
      %broadcast_in_dim3A_388 = vector.shape_cast %slice3A_387 : vector<1x128xf32> to vector<1x128xf32>
      %broadcast_in_dim3A_389 = vector.broadcast %broadcast_in_dim3A_388 : vector<1x128xf32> to vector<300x128xf32>
      %mul3A_390 = arith.mulf %slice3A_386, %broadcast_in_dim3A_389 : vector<300x128xf32>
      %add3A_391 = arith.addf %add3A_385, %mul3A_390 : vector<300x128xf32>
      %slice3A_392 = vector.extract_strided_slice %select_n3A {offsets = [0, 7936], sizes = [300, 128], strides = [1, 1]} : vector<300x8192xf32> to vector<300x128xf32>
      %slice3A_393 = vector.extract_strided_slice %reshape3A {offsets = [62, 0], sizes = [1, 128], strides = [1, 1]} : vector<64x128xf32> to vector<1x128xf32>
      %broadcast_in_dim3A_394 = vector.shape_cast %slice3A_393 : vector<1x128xf32> to vector<1x128xf32>
      %broadcast_in_dim3A_395 = vector.broadcast %broadcast_in_dim3A_394 : vector<1x128xf32> to vector<300x128xf32>
      %mul3A_396 = arith.mulf %slice3A_392, %broadcast_in_dim3A_395 : vector<300x128xf32>
      %add3A_397 = arith.addf %add3A_391, %mul3A_396 : vector<300x128xf32>
      %slice3A_398 = vector.extract_strided_slice %select_n3A {offsets = [0, 8064], sizes = [300, 128], strides = [1, 1]} : vector<300x8192xf32> to vector<300x128xf32>
      %slice3A_399 = vector.extract_strided_slice %reshape3A {offsets = [63, 0], sizes = [1, 128], strides = [1, 1]} : vector<64x128xf32> to vector<1x128xf32>
      %broadcast_in_dim3A_400 = vector.shape_cast %slice3A_399 : vector<1x128xf32> to vector<1x128xf32>
      %broadcast_in_dim3A_401 = vector.broadcast %broadcast_in_dim3A_400 : vector<1x128xf32> to vector<300x128xf32>
      %mul3A_402 = arith.mulf %slice3A_398, %broadcast_in_dim3A_401 : vector<300x128xf32>
      %add3A_403 = arith.addf %add3A_397, %mul3A_402 : vector<300x128xf32>
      %add3A_404 = arith.addf %get3A_18, %add3A_403 : vector<300x128xf32>
      %swap3A = arith.constant 0 : index
      %swap3A_405 = arith.constant 0 : index
      %swap3A_406 = vector.load %arg3[%swap3A, %swap3A_405] : memref<300x128xf32, #tpu.memory_space<vmem>>, vector<300x128xf32>
      tpu.vector_store %arg3[%swap3A, %swap3A_405], %add3A_404 {strides = array<i32>} : memref<300x128xf32, #tpu.memory_space<vmem>>, vector<300x128xf32>,
    } else {
    }
    return
  }
  func.func @transform_0(%arg0: i32) -> (i32, i32) {
    %add3A = arith.constant 184 : i32
    %add3A_0 = arith.addi %add3A, %arg0 : i32
    %c0_i32 = arith.constant 0 : i32
    %c0_i32_1 = arith.constant 0 : i32
    return %c0_i32, %add3A_0 : i32, i32
  }
  func.func @transform_1(%arg0: i32) -> i32 {
    %c0_i32 = arith.constant 0 : i32
    return %arg0 : i32
  }
  func.func @transform_2(%arg0: i32) -> (i32, i32) {
    %c0_i32 = arith.constant 0 : i32
    %c0_i32_0 = arith.constant 0 : i32
    %c0_i32_1 = arith.constant 0 : i32
    return %c0_i32, %c0_i32_0 : i32, i32
  }
}

</mosaic_0001>

<sc_bundles>
// kernel: kernel.6.cloned.1.call-start
scs
__scs_entry_jumppad:
0x0: {  	(pc) =	sbr.rel $0x88, $3  }
0x1: {  	(tag) =	ssettag $0x0;
	lr =	simm.s32 $0x1  }
0x2: {  	[smem:$0x3F9D] =	sst lr;
	_ =	strace $0xD0000000  }
0x3: {  	_ = 	snop  }
0x4: {  	_ = 	snop  }
0x5: {  	_ = 	snop  }
0x6: {  	_ = 	snop  }
0x7: {  	_ = 	snop  }
__scs_overlays_trampoline_lowered:
0x8: {  	[smem:$0x3FAC] =	sst s0  }
0x9: {  	[smem:$0x3FAD] =	sst s1  }
0xa: {  	[smem:$0x3FAE] =	sst s2  }
0xb: {  	[smem:$0x3FAF] =	sst s3  }
0xc: {  	[smem:$0x3FB0] =	sst s4  }
0xd: {  	[smem:$0x3FB1] =	sst s5  }
0xe: {  	[smem:$0x3FB2] =	sst s6  }
0xf: {  	[smem:$0x3FB3] =	sst s7  }
0x10: {  	[smem:$0x3FB4] =	sst s8  }
0x11: {  	[smem:$0x3FB5] =	sst s9;
	s0 =	simm.s32 @!p0 $0x0  }
0x12: {  	s1 =	sld [smem:$0x3F9B];
	s0 =	simm.s32 @p0 $0x1  }
0x13: {  	[smem:$0x3FB6] =	sst s0;
	s0 =	simm.s32 @!p1 $0x0  }
0x14: {  	s2 =	sld [smem:$0x3F9A];
	s0 =	simm.s32 @p1 $0x1  }
0x15: {  	[smem:$0x3FB7] =	sst s0;
	s0 =	simm.s32 @!p2 $0x0  }
0x16: {  	s3 =	sld [smem:$0x3FDB];
	s0 =	simm.s32 @p2 $0x1  }
0x17: {  	s4 =	simm.s32 $0x1BF5;
	[smem:$0x3FB9] =	sst s0  }
0x18: {  	s0 =	sld [smem:$0x3F9C];
	_ =	swait.ge [sflag:s4], $0x0  }
0x19: {  	s7 =	sld [smem:$0x3F9D]  }
0x1a: {  	s8 =	sadd.s32 $0xFFFFE003, lr  }
0x1b: {  	s9 =	sadd.s32 $0xFFFFFEF7, lr;
	s5 =	simm.s32 $0xFFFFFFFF;
	p2 =	slt.u32 s8, $0xFFFFF086  }
0x1c: {  	p1 =	slt.u32 s9, $0xF7A;
	s5 =	simm.s32 @!p2 $0x0  }
0x1d: {  	s5 =	simm.s32 @p1 $0x1;
	p0 =	seq.s32 s7, s2  }
0x1e: {  	s7 =	smul.u32 @!p0 $0xF7A, s2;
	p2 =	seq.s32 @!p0 s5, $0x0  }
0x1f: {  	s9 =	smul.u32 $0xF7A, s1;
	s8 =	simm.s32 @!p0 $0x1BF5;
	p2 =	por !p2, p0  }
0x20: {  	[sflag:s8] =	ssyncset.s32 @!p0 $0xFFFFF086;
	s6 =	sadd.s32 @!p0 s3, s7;
	s7 =	simm.s32 @!p0 $0x108  }
0x21: {  	s3 =	sadd.s32 s3, s9;
	s6 =	sadd.s32 @!p0 $0x88, s6;
	s7 =	simm.s32 @p2 $0x1082  }
0x22: {  	[simem:s7], [sflag:s8] =	dma.local @!p0 [hbm:s6], $0xF7A  }
0x23: {  	s9 =	sor.u32 $0xD0000000, s2;
	s6 =	simm.s32 $0x108;
	_ =	swait.ge @!p0 [sflag:s8], $0x0  }
0x24: {  	s3 =	sadd.s32 $0x88, s3;
	s6 =	simm.s32 @!p1 $0x1082;
	[sflag:s4] =	ssyncset.s32 $0xFFFFF086  }
0x25: {  	[simem:s6], [sflag:s4] =	dma.local [hbm:s3], $0xF7A  }
0x26: {  	[smem:$0x3F9D] =	sst s1;
	(tag) =	ssettag s2;
	_ =	strace s9  }
0x27: {  	s1 =	sld [smem:$0x3FAD]  }
0x28: {  	s2 =	sld [smem:$0x3FAE]  }
0x29: {  	s4 =	sld [smem:$0x3FB0]  }
0x2a: {  	p0 =	seq.s32 s5, $0x0;
	s5 =	sld [smem:$0x3FB1]  }
0x2b: {  	s6 =	sld [smem:$0x3FB2]  }
0x2c: {  	s7 =	sld [smem:$0x3FB3]  }
0x2d: {  	s3 =	simm.s32 $0x108;
	s8 =	sld [smem:$0x3FB4]  }
0x2e: {  	s3 =	simm.s32 @!p0 $0x1082;
	s9 =	sld [smem:$0x3FB5]  }
0x2f: {  	lr =	sadd.s32 s0, s3;
	s0 =	sld [smem:$0x3FAC]  }
0x30: {  	s3 =	sld [smem:$0x3FAF]  }
0x31: {  	[smem:$0x3FB8] =	sst s10  }
0x32: {  	s10 =	sld [smem:$0x3FB6];
	_ =	sdelay $0x3  }
0x33: {  	p0 =	seq.s32 s10, $0x1;
	s10 =	sld [smem:$0x3FB8];
	_ =	sdelay $0x3  }
0x34: {  	[smem:$0x3FB8] =	sst s10  }
0x35: {  	s10 =	sld [smem:$0x3FB7];
	_ =	sdelay $0x3  }
0x36: {  	p1 =	seq.s32 s10, $0x1;
	s10 =	sld [smem:$0x3FB8];
	_ =	sdelay $0x3  }
0x37: {  	[smem:$0x3FB8] =	sst s10  }
0x38: {  	s10 =	sld [smem:$0x3FB9]  }
0x39: {  	_ = 	snop;
	(pc) =	sbr.ind lr, $3  }
0x3a: {  	_ = 	snop  }
0x3b: {  	_ = 	snop  }
0x3c: {  	p2 =	seq.s32 s10, $0x1;
	s10 =	sld [smem:$0x3FB8]  }
0x3d: {  	_ =	shalt  }
0x3e: {  	_ =	shalt  }
0x3f: {  	_ =	shalt  }
0x40: {  	_ =	shalt  }
0x41: {  	_ =	shalt  }
0x42: {  	_ =	shalt  }
0x43: {  	_ =	shalt  }
0x44: {  	_ =	shalt  }
0x45: {  	_ =	shalt  }
0x46: {  	_ =	shalt  }
0x47: {  	_ =	shalt  }
0x48: {  	_ =	shalt  }
0x49: {  	_ =	shalt  }
0x4a: {  	_ =	shalt  }
0x4b: {  	_ =	shalt  }
0x4c: {  	_ =	shalt  }
0x4d: {  	_ =	shalt  }
0x4e: {  	_ =	shalt  }
0x4f: {  	_ =	shalt  }
0x50: {  	_ =	shalt  }
0x51: {  	_ =	shalt  }
0x52: {  	_ =	shalt  }
0x53: {  	_ =	shalt  }
0x54: {  	_ =	shalt  }
0x55: {  	_ =	shalt  }
0x56: {  	_ =	shalt  }
0x57: {  	_ =	shalt  }
0x58: {  	_ =	shalt  }
0x59: {  	_ =	shalt  }
0x5a: {  	_ =	shalt  }
0x5b: {  	_ =	shalt  }
0x5c: {  	_ =	shalt  }
0x5d: {  	_ =	shalt  }
0x5e: {  	_ =	shalt  }
0x5f: {  	_ =	shalt  }
0x60: {  	_ =	shalt  }
0x61: {  	_ =	shalt  }
0x62: {  	_ =	shalt  }
0x63: {  	_ =	shalt  }
0x64: {  	_ =	shalt  }
0x65: {  	_ =	shalt  }
0x66: {  	_ =	shalt  }
0x67: {  	_ =	shalt  }
0x68: {  	_ =	shalt  }
0x69: {  	_ =	shalt  }
0x6a: {  	_ =	shalt  }
0x6b: {  	_ =	shalt  }
0x6c: {  	_ =	shalt  }
0x6d: {  	_ =	shalt  }
0x6e: {  	_ =	shalt  }
0x6f: {  	_ =	shalt  }
0x70: {  	_ =	shalt  }
0x71: {  	_ =	shalt  }
0x72: {  	_ =	shalt  }
0x73: {  	_ =	shalt  }
0x74: {  	_ =	shalt  }
0x75: {  	_ =	shalt  }
0x76: {  	_ =	shalt  }
0x77: {  	_ =	shalt  }
0x78: {  	_ =	shalt  }
0x79: {  	_ =	shalt  }
0x7a: {  	_ =	shalt  }
0x7b: {  	_ =	shalt  }
0x7c: {  	_ =	shalt  }
0x7d: {  	_ =	shalt  }
0x7e: {  	_ =	shalt  }
0x7f: {  	_ =	shalt  }
0x80: {  	_ =	shalt  }
0x81: {  	_ =	shalt  }
0x82: {  	_ =	shalt  }
0x83: {  	_ =	shalt  }
0x84: {  	_ =	shalt  }
0x85: {  	_ =	shalt  }
0x86: {  	_ =	shalt  }
0x87: {  	_ =	shalt  }
.Lfunc_end0:
.L_simem_size_0:
called_computation_lowered:
.L_overlay_start_0:
0x88: {  	s2 =	sld [smem:$0x3FD9]  }
0x89: {  	s3 =	sld [smem:$0x3FFE];
	_ =	sdelay $0x1  }
0x8a: {  	s1 =	srdreg.scid  }
0x8b: {  	s0 =	sand.u32 $0x1, s1  }
0x8c: {  	s17 =	sshll.u32 s0, $0xA;
	s2 =	sadd.s32 s3, s2  }
0x8d: {  	s2 =	sadd.s32 s2, s17  }
0x8e: {  	[smem:$0x3FC4] =	sst s2  }
0x8f: {  	_ = 	snop  }
0x90: {  	s2 =	sld [smem:$0x3FD0];
	(tm) =	ssettm $0x1  }
0x91: {  	s18 =	sld [smem:$0x3FFB];
	_ =	sdelay $0x3  }
0x92: {  	_ =	strace s18  }
0x93: {  	s3 =	sld [smem:$0x3FFC];
	_ =	sdelay $0x3  }
0x94: {  	_ =	strace s3  }
0x95: {  	s3 =	sld [smem:$0x3FFD];
	_ =	sdelay $0x3  }
0x96: {  	_ =	strace s3  }
0x97: {  	_ =	strace $0x8FFFFFFF  }
0x98: {  	s19 =	sld [smem:$0x3FDB];
	_ =	sdelay $0x1  }
0x99: {  	s4 =	simm.s32 $_scs_section_size  }
0x9a: {  	s5 =	simm.s32 $_size__tile_overlayer_lowered;
	s6 =	simm.s32 $_tile_overlayer_lowered  }
0x9b: {  	s22 =	simm.s32 $0x1BFF;
	s21 =	sshll.u32 s6, $0x1;
	s3 =	sadd.s32 s4, s19  }
0x9c: {  	s7 =	simm.s32 $0x0;
	s20 =	sshll.u32 s5, $0x1;
	s5 =	sadd.s32 s21, s3  }
0x9d: {  	[timem:s7], [sflag:s22] =	dma.local [hbm:s5], s20  }
0x9e: {  	_ =	swait.ge [sflag:s22], s20  }
0x9f: {  	s4 =	ssub.s32 $0x0, s20;
	[sflag:s22] =	ssyncset.done $0x0  }
0xa0: {  	[sflag:s22] =	ssyncadd.s32 s4;
	_ =	sdelay $0x1  }
0xa1: {  	s23 =	simm.s32 $0x1B8B  }
0xa2: {  	_ =	swait.ge [sflag:s23], $0x1  }
0xa3: {  	[sflag:s23] =	ssyncset.done $0x0  }
0xa4: {  	s25 =	simm.s32 $0x1B8E;
	s24 =	sld [smem:$0x3FFE];
	[sflag:s23] =	ssyncadd.s32 $0xFFFFFFFF  }
0xa5: {  	s26 =	simm.s32 $execute0_lowered;
	[smem:$0x3FD2] =	sst s25  }
0xa6: {  	s5 =	sshll.u32 s26, $0x1;
	_ =	strace $0x80000046;
	[dreg:$0x1] =	wrdreg $0xFFFFFFFF  }
0xa7: {  	s28 =	simm.s32 $_size_execute0_lowered;
	s3 =	sadd.s32 s3, s5;
	[dreg:$0x0] =	wrdreg $0x0  }
0xa8: {  	s5 =	sshll.u32 s28, $0x1;
	[dreg:$0x2] =	wrdreg s3  }
0xa9: {  	[dreg:$0x3] =	wrdreg s5  }
0xaa: {  	[dreg:$0x4] =	wrdreg $0xC0  }
0xab: {  	_ =	task [dreg:s7], $0x5FFFF  }
0xac: {  	[dreg:$0x1] =	wrdreg $0xFFFFFFFF  }
0xad: {  	[dreg:$0x0] =	wrdreg $0x60  }
0xae: {  	[dreg:$0x2] =	wrdreg s24  }
0xaf: {  	[dreg:$0x3] =	wrdreg s2  }
0xb0: {  	[dreg:$0x4] =	wrdreg $0x86800  }
0xb1: {  	[dreg:$0x5] =	wrdreg $0x9  }
0xb2: {  	_ =	task.clear_ibuf [dreg:s7], $0x6FFFF;
	_ =	strace $0x90000046  }
0xb3: {  	s29 =	simm.s32 $0x9;
	_ =	strace $0x80000048  }
0xb4: {  	_ =	swait.ge [sflag:s29], $0x1  }
0xb5: {  	[sflag:s29] =	ssyncadd.s32 $0xFFFFFFFF  }
0xb6: {  	_ =	strace $0x90000048  }
0xb7: {  	_ =	sfence  }
0xb8: {  	s30 =	sld [smem:$0x0];
	_ =	sdelay $0x2  }
0xb9: {  	s31 =	sshll.u32 s1, $0xD;
	s1 =	sshrl.u32 s1, $0x2  }
0xba: {  	s3 =	sand.u32 $0x4000, s31;
	s1 =	sadd.s32 s1, s30  }
0xbb: {  	s0 =	sor.u32 s3, s0;
	s1 =	sshll.u32 s1, $0x11  }
0xbc: {  	s0 =	sor.u32 s1, s0  }
0xbd: {  	s0 =	sadd.s32 $0x8F2B, s0  }
0xbe: {  	[sflag:s0] =	ssyncadd.remote.s32 $0x1  }
0xbf: {  	_ =	sfence.sel $0xFFFF  }
0xc0: {  	[dreg:$0x0] =	wrdreg $0xFFFFFFFF;
	(pc) =	sbr.abs _section_cstart, $3  }
0xc1: {  	[dreg:$0x1] =	wrdreg $0xFFFFFFFF  }
0xc2: {  	_ =	task.clear_ibuf [dreg:s7], $0x2FFFF;
	_ =	strace $0x9FFFFFFF  }
0xc3: {  	(tm) =	ssettm $0x7FFFFFFF  }
tec
execute0_lowered:
.L_overlay_start_1:
0x0: {  	(tag) =	ssettag $0x1  }
0x1: {  	s5 =	rddreg [dreg:$0x0]  }
0x2: {  	s0 =	rddreg [dreg:$0x1]  }
0x3: {  	s1 =	srdreg.scid;
	s2 =	rddreg [dreg:$0x2]  }
0x4: {  	s19 =	stileid.u32;
	s3 =	simm.s32 $0x0;
	s15 =	simm.s32 $0x1  }
0x5: {  	s16 =	simm.s32 $0x6600;
	s17 =	simm.s32 $0x6680;
	s18 =	simm.s32 $0x80  }
0x6: {  	s4 =	sand.u32 $0x1, s1;
	s1 =	rddreg [dreg:$0x3];
	s6 =	smul.u32 $0xB800, s19  }
0x7: {  	[smem:$0x7FF] =	sst s3;
	s9 =	smul.u32 $0x640, s19;
	s12 =	sadd.s32 $0xB8000, s2  }
0x8: {  	p0 =	sne.s32 s19, $0x0;
	s19 =	sshll.u32 s19, $0x6;
	s20 =	smul.u32 $0xB8000, s4  }
0x9: {  	_ =	strace $0x80000047;
	s8 =	ssub.s32 $0x2, s4;
	s4 =	sadd.s32 $0x6400, s5  }
0xa: {  	s19 =	sor.u32 $0x1C01, s19;
	s31 =	sshrl.u32 s8, $0x1;
	s7 =	sadd.s32 s6, s20  }
0xb: {  	s14 =	ssub.s32 s8, s31;
	s6 =	sadd.s32 s6, s2;
	s21 =	sadd.s32 $0xB8000, s20  }
0xc: {  	s7 =	sshrl.u32 s7, $0x3;
	s8 =	sadd.s32 $0x4000, s6;
	s10 =	sadd.s32 $0x8000, s6  }
0xd: {  	v0 =	vmov s20;
	s11 =	sadd.s32 $0xA000, s6;
	s14 =	smax.u32 s14, $0x1;
	s20 =	sshrl.u32 s6, $0x3  }
0xe: {  	v1 =	vmov s21;
	s21 =	simm.s32 $0x0;
	s13 =	sadd.s32 s7, s5;
	s5 =	sadd.s32 s5, s9  }
0xf: {  	v2 =	vlaneseq.u32;
	s7 =	sadd.s32 $0x2000, s6;
	s9 =	sadd.s32 $0x6000, s6;
	s13 =	sadd.s32 $0x6800, s13  }
.LBB2_1:
0x10: {  	[tilespmem:s3], [sflag:$0x1] =	stream.linear.gather [hbm4b:s5+s3], $0x3200, $0x38;
	[tilespmem:$0x13E88] =	vst v63  }
0x11: {  	_ =	swait.ge [sflag:s15], $0x3200  }
0x12: {  	[sflag:s15] =	ssyncset.done $0x0  }
0x13: {  	[sflag:s15] =	ssyncadd.s32 $0xFFFFCE00  }
0x14: {  	[tilespmem:s16], [sflag:$0x1] =	stream.linear.gather [hbm4b:s0+s3], $0x80, $0x38;
	[tilespmem:$0x13E88] =	vst v63  }
0x15: {  	_ =	swait.ge [sflag:s15], $0x80  }
0x16: {  	[sflag:s15] =	ssyncset.done $0x0  }
0x17: {  	[sflag:s15] =	ssyncadd.s32 $0xFFFFFF80  }
0x18: {  	[tilespmem:s17], [sflag:$0x1] =	stream.linear.gather [hbm4b:s4+s3], $0x2000, $0x38;
	[tilespmem:$0x13E88] =	vst v63  }
0x19: {  	_ =	swait.ge [sflag:s15], $0x2000  }
0x1a: {  	[sflag:s15] =	ssyncset.done $0x0  }
0x1b: {  	[sflag:s15] =	ssyncadd.s32 $0xFFFFE000  }
0x1c: {  	[spmem:s6] =	stream.linear.scatter [tilespmem:s17], [sflag:$0x1], $0x2000, $0x38;
	[tilespmem:$0x13E88] =	vst v63  }
0x1d: {  	_ =	swait.ge [sflag:s15], $0x2000  }
0x1e: {  	[sflag:s15] =	ssyncset.done $0x0  }
0x1f: {  	[sflag:s15] =	ssyncadd.s32 $0xFFFFE000  }
0x20: {  	[spmem:s7] =	stream.linear.scatter [tilespmem:s17], [sflag:$0x1], $0x2000, $0x38;
	[tilespmem:$0x13E88] =	vst v63  }
0x21: {  	_ =	swait.ge [sflag:s15], $0x2000  }
0x22: {  	[sflag:s15] =	ssyncset.done $0x0  }
0x23: {  	[sflag:s15] =	ssyncadd.s32 $0xFFFFE000  }
0x24: {  	[spmem:s8] =	stream.linear.scatter [tilespmem:s17], [sflag:$0x1], $0x2000, $0x38;
	[tilespmem:$0x13E88] =	vst v63  }
0x25: {  	_ =	swait.ge [sflag:s15], $0x2000  }
0x26: {  	[sflag:s15] =	ssyncset.done $0x0  }
0x27: {  	[sflag:s15] =	ssyncadd.s32 $0xFFFFE000  }
0x28: {  	[spmem:s9] =	stream.linear.scatter [tilespmem:s17], [sflag:$0x1], $0x2000, $0x38;
	[tilespmem:$0x13E88] =	vst v63  }
0x29: {  	_ =	swait.ge [sflag:s15], $0x2000  }
0x2a: {  	[sflag:s15] =	ssyncset.done $0x0  }
0x2b: {  	[sflag:s15] =	ssyncadd.s32 $0xFFFFE000  }
0x2c: {  	[spmem:s10] =	stream.linear.scatter [tilespmem:s17], [sflag:$0x1], $0x2000, $0x38;
	[tilespmem:$0x13E88] =	vst v63  }
0x2d: {  	_ =	swait.ge [sflag:s15], $0x2000  }
0x2e: {  	[sflag:s15] =	ssyncset.done $0x0  }
0x2f: {  	[sflag:s15] =	ssyncadd.s32 $0xFFFFE000  }
0x30: {  	[spmem:s11] =	stream.linear.scatter [tilespmem:s17], [sflag:$0x1], $0x1800, $0x38;
	[tilespmem:$0x13E88] =	vst v63  }
0x31: {  	_ =	swait.ge [sflag:s15], $0x1800  }
0x32: {  	[sflag:s15] =	ssyncset.done $0x0  }
0x33: {  	s22 =	simm.s32 @!p0 $0x6680;
	[sflag:s15] =	ssyncadd.s32 $0xFFFFE800  }
0x34: {  	[spmem:s12] =	stream.linear.scatter @!p0 [tilespmem:s22], [sflag:$0x1], $0x80, $0x38;
	[tilespmem:$0x13E88] =	vst v63  }
0x35: {  	s22 =	simm.s32 @!p0 $0x1  }
0x36: {  	_ =	swait.ge @!p0 [sflag:s22], $0x80  }
0x37: {  	[sflag:s22] =	ssyncset.done @!p0 $0x0  }
0x38: {  	s30 =	simm.s32 $0x0;
	[sflag:s22] =	ssyncadd.s32 @!p0 $0xFFFFFF80  }
0x39: {  	v3 =	vld [tilespmem:s30+$0x0];
	_ =	sdelay $0x3  }
0x3a: {  	v4 =	vor.u32 s3, v2  }
0x3b: {  	s31 =	sand.u32 $0xFE00, s3;
	v4 =	vand.u32 $0x7F, v4;
	vm0 =	vge.s32 v3, v0;
	vm1 =	vlt.s32 v3, v1  }
0x3c: {  	s23 =	sand.u32 $0x70, s3;
	s24 =	sshrl.u32 s31, $0x2;
	v4 =	vor.u32 $0xB8000, v4;
	v3 =	vsub.s32 v3, v0;
	vm0 =	vmand vm0, vm1  }
0x3d: {  	s25 =	simm.s32 $0x10;
	s23 =	sor.u32 s23, s24;
	v3 =	vsel vm0, v3, v4  }
0x3e: {  	s24 =	simm.s32 $0x80;
	s22 =	simm.s32 $0x40;
	[tilespmem:s23+$0x3200] =	vst v3;
	s23 =	simm.s32 $0x0  }
.LBB2_2:
0x3f: {  	p1 =	sne.s32 s24, $0xC7C0;
	v3 =	vld [tilespmem:s25+$0x0];
	_ =	sdelay $0x2  }
0x40: {  	s23 =	sadd.s32 $0x10, s23  }
.Ltmp0:
0x41: {  	v4 =	vor.u32 s23, v2;
	(pc) =	sbr.rel @p1 .LBB2_2-.Ltmp0, $4  }
0x42: {  	s25 =	sand.u32 $0xFE00, s22;
	s22 =	smov.u32 s24;
	v4 =	vand.u32 $0x7F, v4;
	vm0 =	vge.s32 v3, v0;
	vm1 =	vlt.s32 v3, v1  }
0x43: {  	s26 =	sand.u32 $0x70, s23;
	s25 =	sshrl.u32 s25, $0x2;
	v4 =	vor.u32 $0xB8000, v4;
	v3 =	vsub.s32 v3, v0;
	vm0 =	vmand vm0, vm1  }
0x44: {  	s26 =	sor.u32 s26, s25;
	v3 =	vsel vm0, v3, v4  }
0x45: {  	s24 =	sadd.s32 $0x40, s24;
	s25 =	sshra.s32 s22, $0x2;
	[tilespmem:s26+$0x3200] =	vst v3  }
0x46: {  	v3 =	vld [tilespmem:s25+$0x0];
	_ =	sdelay $0x2  }
0x47: {  	s23 =	sadd.s32 $0x10, s23  }
0x48: {  	v4 =	vor.u32 s23, v2  }
0x49: {  	s22 =	sand.u32 $0xFE00, s22;
	v4 =	vand.u32 $0x7F, v4;
	vm0 =	vge.s32 v3, v0;
	vm1 =	vlt.s32 v3, v1  }
0x4a: {  	s23 =	sand.u32 $0x70, s23;
	s22 =	sshrl.u32 s22, $0x2;
	v4 =	vor.u32 $0xB8000, v4;
	v3 =	vsub.s32 v3, v0;
	vm0 =	vmand vm0, vm1  }
0x4b: {  	s22 =	sor.u32 s23, s22;
	v3 =	vsel vm0, v3, v4  }
0x4c: {  	[tilespmem:s22+$0x3200] =	vst v3  }
0x4d: {  	s31 =	simm.s32 $0x3200;
	[bflag:$0x0] =	sbarrier.arrive $0xFFFF  }
0x4e: {  	[spmem:s2] =	stream.indirect.scatter.add.f32 [tilespmem:s16], [sflag:$0x1], $0x1, s31, s18, $0xb8;
	[tilespmem:$0x13E88] =	vst v63  }
0x4f: {  	s22 =	simm.s32 $0x200;
	_ =	swait.ge [sflag:s15], $0x80  }
.LBB2_4:
0x50: {  	s23 =	sshra.s32 s22, $0x2;
	[sflag:s15] =	ssyncset.done $0x0;
	p1 =	sne.s32 s22, $0xC600  }
.Ltmp1:
0x51: {  	s23 =	sadd.s32 $0x3200, s23;
	[sflag:s15] =	ssyncadd.s32 $0xFFFFFF80;
	(pc) =	sbr.rel @p1 .LBB2_4-.Ltmp1, $3  }
0x52: {  	[spmem:s2] =	stream.indirect.scatter.add.f32 [tilespmem:s16], [sflag:$0x1], $0x1, s23, s18, $0xb8;
	[tilespmem:$0x13E88] =	vst v63  }
0x53: {  	s22 =	sadd.s32 $0x200, s22;
	_ =	sdelay $0x1  }
0x54: {  	_ =	swait.ge [sflag:s15], $0x80  }
0x55: {  	[sflag:s15] =	ssyncset.done $0x0;
	s21 =	sadd.s32 $0x1, s21  }
0x56: {  	[sflag:s15] =	ssyncadd.s32 $0xFFFFFF80;
	p1 =	sne.s32 s21, s14  }
.Ltmp2:
0x57: {  	[bflag:$0x0] =	sbarrier.arrive $0xFFFF;
	(pc) =	sbr.rel @p1 .LBB2_1-.Ltmp2, $4  }
0x58: {  	[hbm:s13], [sflag:s19] =	dma.local [spmem:s20], $0x1700  }
0x59: {  	_ =	swait.ge [sflag:s15], $0x1700  }
0x5a: {  	[sflag:s15] =	ssyncset.done $0x0  }
0x5b: {  	[sflag:s15] =	ssyncadd.s32 $0xFFFFE900  }
0x5c: {  	_ =	sfence.sel $0x180000  }
0x5d: {  	[bflag:$0x0] =	sbarrier.arrive $0xFFFF  }
0x5e: {  	_ =	strace $0x90000047  }
0x5f: {  	s0 =	sadd.s32 @!p0 $0x100000, s1;
	[bflag:$0x2] =	sbarrier.arrive $0xFFFF  }
0x60: {  	[sflag:s0] =	ssyncadd.tile.s32 @!p0 $0x1;
	_ =	shalt  }
.Lfunc_end2:
_tile_overlayer_lowered:
.L_overlay_start_2:
0x61: {  	(tag) =	ssettag $0x2  }
0x62: {  	s0 =	rddreg [dreg:$0x0];
	s2 =	stileid.u32  }
0x63: {  	s1 =	rddreg [dreg:$0x1];
	p0 =	sne.s32 s2, $0x0  }
0x64: {  	s3 =	rddreg [dreg:$0x2];
	[bflag:$0x3] =	sbarrier.arrive $0xFFFF;
	s2 =	simm.s32 @!p0 $0x1C01  }
0x65: {  	[timem:s3], [sflag:s2] =	dma.local @!p0 [hbm:s0], s1  }
0x66: {  	s0 =	simm.s32 @!p0 $0x1  }
0x67: {  	_ =	swait.ge @!p0 [sflag:s0], s1  }
0x68: {  	s1 =	ssub.s32 @!p0 $0x0, s1;
	[sflag:s0] =	ssyncset.done @!p0 $0x0  }
0x69: {  	[sflag:s0] =	ssyncadd.s32 @!p0 s1  }
0x6a: {  	[bflag:$0x3] =	sbarrier.arrive $0xFFFF  }
0x6b: {  	_ =	shalt  }

// kernel: kernel.9.cloned.1.call-start
scs
__scs_entry_jumppad:
0x0: {  	(pc) =	sbr.rel $0x88, $3  }
0x1: {  	(tag) =	ssettag $0x0;
	lr =	simm.s32 $0x1  }
0x2: {  	[smem:$0x3F9D] =	sst lr;
	_ =	strace $0xD0000000  }
0x3: {  	_ = 	snop  }
0x4: {  	_ = 	snop  }
0x5: {  	_ = 	snop  }
0x6: {  	_ = 	snop  }
0x7: {  	_ = 	snop  }
__scs_overlays_trampoline_lowered:
0x8: {  	[smem:$0x3FAC] =	sst s0  }
0x9: {  	[smem:$0x3FAD] =	sst s1  }
0xa: {  	[smem:$0x3FAE] =	sst s2  }
0xb: {  	[smem:$0x3FAF] =	sst s3  }
0xc: {  	[smem:$0x3FB0] =	sst s4  }
0xd: {  	[smem:$0x3FB1] =	sst s5  }
0xe: {  	[smem:$0x3FB2] =	sst s6  }
0xf: {  	[smem:$0x3FB3] =	sst s7  }
0x10: {  	[smem:$0x3FB4] =	sst s8  }
0x11: {  	[smem:$0x3FB5] =	sst s9;
	s0 =	simm.s32 @!p0 $0x0  }
0x12: {  	s1 =	sld [smem:$0x3F9B];
	s0 =	simm.s32 @p0 $0x1  }
0x13: {  	[smem:$0x3FB6] =	sst s0;
	s0 =	simm.s32 @!p1 $0x0  }
0x14: {  	s2 =	sld [smem:$0x3F9A];
	s0 =	simm.s32 @p1 $0x1  }
0x15: {  	[smem:$0x3FB7] =	sst s0;
	s0 =	simm.s32 @!p2 $0x0  }
0x16: {  	s3 =	sld [smem:$0x3FDB];
	s0 =	simm.s32 @p2 $0x1  }
0x17: {  	s4 =	simm.s32 $0x1BF5;
	[smem:$0x3FB9] =	sst s0  }
0x18: {  	s0 =	sld [smem:$0x3F9C];
	_ =	swait.ge [sflag:s4], $0x0  }
0x19: {  	s7 =	sld [smem:$0x3F9D]  }
0x1a: {  	s8 =	sadd.s32 $0xFFFFE003, lr  }
0x1b: {  	s9 =	sadd.s32 $0xFFFFFEF7, lr;
	s5 =	simm.s32 $0xFFFFFFFF;
	p2 =	slt.u32 s8, $0xFFFFF086  }
0x1c: {  	p1 =	slt.u32 s9, $0xF7A;
	s5 =	simm.s32 @!p2 $0x0  }
0x1d: {  	s5 =	simm.s32 @p1 $0x1;
	p0 =	seq.s32 s7, s2  }
0x1e: {  	s7 =	smul.u32 @!p0 $0xF7A, s2;
	p2 =	seq.s32 @!p0 s5, $0x0  }
0x1f: {  	s9 =	smul.u32 $0xF7A, s1;
	s8 =	simm.s32 @!p0 $0x1BF5;
	p2 =	por !p2, p0  }
0x20: {  	[sflag:s8] =	ssyncset.s32 @!p0 $0xFFFFF086;
	s6 =	sadd.s32 @!p0 s3, s7;
	s7 =	simm.s32 @!p0 $0x108  }
0x21: {  	s3 =	sadd.s32 s3, s9;
	s6 =	sadd.s32 @!p0 $0x88, s6;
	s7 =	simm.s32 @p2 $0x1082  }
0x22: {  	[simem:s7], [sflag:s8] =	dma.local @!p0 [hbm:s6], $0xF7A  }
0x23: {  	s9 =	sor.u32 $0xD0000000, s2;
	s6 =	simm.s32 $0x108;
	_ =	swait.ge @!p0 [sflag:s8], $0x0  }
0x24: {  	s3 =	sadd.s32 $0x88, s3;
	s6 =	simm.s32 @!p1 $0x1082;
	[sflag:s4] =	ssyncset.s32 $0xFFFFF086  }
0x25: {  	[simem:s6], [sflag:s4] =	dma.local [hbm:s3], $0xF7A  }
0x26: {  	[smem:$0x3F9D] =	sst s1;
	(tag) =	ssettag s2;
	_ =	strace s9  }
0x27: {  	s1 =	sld [smem:$0x3FAD]  }
0x28: {  	s2 =	sld [smem:$0x3FAE]  }
0x29: {  	s4 =	sld [smem:$0x3FB0]  }
0x2a: {  	p0 =	seq.s32 s5, $0x0;
	s5 =	sld [smem:$0x3FB1]  }
0x2b: {  	s6 =	sld [smem:$0x3FB2]  }
0x2c: {  	s7 =	sld [smem:$0x3FB3]  }
0x2d: {  	s3 =	simm.s32 $0x108;
	s8 =	sld [smem:$0x3FB4]  }
0x2e: {  	s3 =	simm.s32 @!p0 $0x1082;
	s9 =	sld [smem:$0x3FB5]  }
0x2f: {  	lr =	sadd.s32 s0, s3;
	s0 =	sld [smem:$0x3FAC]  }
0x30: {  	s3 =	sld [smem:$0x3FAF]  }
0x31: {  	[smem:$0x3FB8] =	sst s10  }
0x32: {  	s10 =	sld [smem:$0x3FB6];
	_ =	sdelay $0x3  }
0x33: {  	p0 =	seq.s32 s10, $0x1;
	s10 =	sld [smem:$0x3FB8];
	_ =	sdelay $0x3  }
0x34: {  	[smem:$0x3FB8] =	sst s10  }
0x35: {  	s10 =	sld [smem:$0x3FB7];
	_ =	sdelay $0x3  }
0x36: {  	p1 =	seq.s32 s10, $0x1;
	s10 =	sld [smem:$0x3FB8];
	_ =	sdelay $0x3  }
0x37: {  	[smem:$0x3FB8] =	sst s10  }
0x38: {  	s10 =	sld [smem:$0x3FB9]  }
0x39: {  	_ = 	snop;
	(pc) =	sbr.ind lr, $3  }
0x3a: {  	_ = 	snop  }
0x3b: {  	_ = 	snop  }
0x3c: {  	p2 =	seq.s32 s10, $0x1;
	s10 =	sld [smem:$0x3FB8]  }
0x3d: {  	_ =	shalt  }
0x3e: {  	_ =	shalt  }
0x3f: {  	_ =	shalt  }
0x40: {  	_ =	shalt  }
0x41: {  	_ =	shalt  }
0x42: {  	_ =	shalt  }
0x43: {  	_ =	shalt  }
0x44: {  	_ =	shalt  }
0x45: {  	_ =	shalt  }
0x46: {  	_ =	shalt  }
0x47: {  	_ =	shalt  }
0x48: {  	_ =	shalt  }
0x49: {  	_ =	shalt  }
0x4a: {  	_ =	shalt  }
0x4b: {  	_ =	shalt  }
0x4c: {  	_ =	shalt  }
0x4d: {  	_ =	shalt  }
0x4e: {  	_ =	shalt  }
0x4f: {  	_ =	shalt  }
0x50: {  	_ =	shalt  }
0x51: {  	_ =	shalt  }
0x52: {  	_ =	shalt  }
0x53: {  	_ =	shalt  }
0x54: {  	_ =	shalt  }
0x55: {  	_ =	shalt  }
0x56: {  	_ =	shalt  }
0x57: {  	_ =	shalt  }
0x58: {  	_ =	shalt  }
0x59: {  	_ =	shalt  }
0x5a: {  	_ =	shalt  }
0x5b: {  	_ =	shalt  }
0x5c: {  	_ =	shalt  }
0x5d: {  	_ =	shalt  }
0x5e: {  	_ =	shalt  }
0x5f: {  	_ =	shalt  }
0x60: {  	_ =	shalt  }
0x61: {  	_ =	shalt  }
0x62: {  	_ =	shalt  }
0x63: {  	_ =	shalt  }
0x64: {  	_ =	shalt  }
0x65: {  	_ =	shalt  }
0x66: {  	_ =	shalt  }
0x67: {  	_ =	shalt  }
0x68: {  	_ =	shalt  }
0x69: {  	_ =	shalt  }
0x6a: {  	_ =	shalt  }
0x6b: {  	_ =	shalt  }
0x6c: {  	_ =	shalt  }
0x6d: {  	_ =	shalt  }
0x6e: {  	_ =	shalt  }
0x6f: {  	_ =	shalt  }
0x70: {  	_ =	shalt  }
0x71: {  	_ =	shalt  }
0x72: {  	_ =	shalt  }
0x73: {  	_ =	shalt  }
0x74: {  	_ =	shalt  }
0x75: {  	_ =	shalt  }
0x76: {  	_ =	shalt  }
0x77: {  	_ =	shalt  }
0x78: {  	_ =	shalt  }
0x79: {  	_ =	shalt  }
0x7a: {  	_ =	shalt  }
0x7b: {  	_ =	shalt  }
0x7c: {  	_ =	shalt  }
0x7d: {  	_ =	shalt  }
0x7e: {  	_ =	shalt  }
0x7f: {  	_ =	shalt  }
0x80: {  	_ =	shalt  }
0x81: {  	_ =	shalt  }
0x82: {  	_ =	shalt  }
0x83: {  	_ =	shalt  }
0x84: {  	_ =	shalt  }
0x85: {  	_ =	shalt  }
0x86: {  	_ =	shalt  }
0x87: {  	_ =	shalt  }
.Lfunc_end0:
.L_simem_size_0:
called_computation.1_lowered:
.L_overlay_start_0:
0x88: {  	s2 =	sld [smem:$0x3FD9]  }
0x89: {  	s3 =	sld [smem:$0x3FFE];
	_ =	sdelay $0x1  }
0x8a: {  	s1 =	srdreg.scid  }
0x8b: {  	s0 =	sand.u32 $0x1, s1  }
0x8c: {  	s17 =	sshll.u32 s0, $0xA;
	s2 =	sadd.s32 s3, s2  }
0x8d: {  	s2 =	sadd.s32 s2, s17  }
0x8e: {  	[smem:$0x3FC4] =	sst s2  }
0x8f: {  	_ = 	snop  }
0x90: {  	s18 =	sld [smem:$0x3FD0];
	(tm) =	ssettm $0x1  }
0x91: {  	s19 =	sld [smem:$0x3FFB];
	_ =	sdelay $0x3  }
0x92: {  	_ =	strace s19  }
0x93: {  	s2 =	sld [smem:$0x3FFC];
	_ =	sdelay $0x3  }
0x94: {  	_ =	strace s2  }
0x95: {  	s2 =	sld [smem:$0x3FFD];
	_ =	sdelay $0x3  }
0x96: {  	_ =	strace s2  }
0x97: {  	_ =	strace $0x8FFFFFFF  }
0x98: {  	s20 =	sld [smem:$0x3FDB];
	_ =	sdelay $0x1  }
0x99: {  	s4 =	simm.s32 $_scs_section_size  }
0x9a: {  	s5 =	simm.s32 $_size__tile_overlayer_lowered;
	s6 =	simm.s32 $_tile_overlayer_lowered  }
0x9b: {  	s7 =	simm.s32 $0x1BFF;
	s21 =	sshll.u32 s6, $0x1;
	s4 =	sadd.s32 s4, s20  }
0x9c: {  	s22 =	simm.s32 $0x0;
	s5 =	sshll.u32 s5, $0x1;
	s6 =	sadd.s32 s21, s4  }
0x9d: {  	[timem:s22], [sflag:s7] =	dma.local [hbm:s6], s5  }
0x9e: {  	_ =	swait.ge [sflag:s7], s5  }
0x9f: {  	s5 =	ssub.s32 $0x0, s5;
	[sflag:s7] =	ssyncset.done $0x0  }
0xa0: {  	[sflag:s7] =	ssyncadd.s32 s5;
	_ =	sdelay $0x1  }
0xa1: {  	s23 =	simm.s32 $0x1B8B  }
0xa2: {  	_ =	swait.ge [sflag:s23], $0x1  }
0xa3: {  	[sflag:s23] =	ssyncset.done $0x0  }
0xa4: {  	[sflag:s23] =	ssyncadd.s32 $0xFFFFFFFF  }
0xa5: {  	s5 =	sld [smem:$0x0]  }
0xa6: {  	s6 =	sand.u32 $0xFFFFFFFE, s1  }
0xa7: {  	p0 =	sne.s32 s1, s6  }
0xa8: {  	s6 =	sshll.u32 @p0 s6, $0xE  }
0xa9: {  	s6 =	sadd.s32 @p0 $0x11B8D, s6;
	s7 =	sshll.u32 @p0 s5, $0x11  }
0xaa: {  	s6 =	sor.u32 @p0 s7, s6  }
0xab: {  	[sflag:s6] =	ssyncadd.remote.s32 @p0 $0x1;
	_ =	sdelay $0x1  }
0xac: {  	s6 =	simm.s32 @p0 $0x1B8D  }
0xad: {  	_ =	swait.eq @p0 [sflag:s6], $0x1  }
0xae: {  	[sflag:s6] =	ssyncadd.s32 @p0 $0xFFFFFFFF  }
0xaf: {  	s7 =	sshll.u32 @!p0 s1, $0xE  }
0xb0: {  	s7 =	sor.u32 @!p0 $0x4000, s7;
	s6 =	simm.s32 @!p0 $0x1B8D  }
0xb1: {  	s5 =	sshll.u32 @!p0 s5, $0x11;
	s7 =	sadd.s32 @!p0 $0x11B8D, s7;
	_ =	swait.eq @!p0 [sflag:s6], $0x1  }
0xb2: {  	s5 =	sor.u32 @!p0 s5, s7;
	[sflag:s6] =	ssyncadd.s32 @!p0 $0xFFFFFFFF  }
0xb3: {  	s25 =	simm.s32 $0x1B8E;
	s24 =	sld [smem:$0x3FFE];
	[sflag:s5] =	ssyncadd.remote.s32 @!p0 $0x1  }
0xb4: {  	s26 =	simm.s32 $execute0_lowered;
	[smem:$0x3FD2] =	sst s25  }
0xb5: {  	s6 =	sshll.u32 s26, $0x1;
	_ =	strace $0x80000049;
	[dreg:$0x1] =	wrdreg $0xFFFFFFFF  }
0xb6: {  	s28 =	simm.s32 $_size_execute0_lowered;
	s4 =	sadd.s32 s4, s6;
	[dreg:$0x0] =	wrdreg $0x0  }
0xb7: {  	s6 =	sshll.u32 s28, $0x1;
	[dreg:$0x2] =	wrdreg s4  }
0xb8: {  	[dreg:$0x3] =	wrdreg s6  }
0xb9: {  	[dreg:$0x4] =	wrdreg $0xC0  }
0xba: {  	_ =	task [dreg:s22], $0x5FFFF  }
0xbb: {  	[dreg:$0x1] =	wrdreg $0xFFFFFFFF  }
0xbc: {  	[dreg:$0x0] =	wrdreg $0x60  }
0xbd: {  	[dreg:$0x2] =	wrdreg s24  }
0xbe: {  	[dreg:$0x3] =	wrdreg s18  }
0xbf: {  	[dreg:$0x4] =	wrdreg $0x86800  }
0xc0: {  	[dreg:$0x5] =	wrdreg $0xA  }
0xc1: {  	_ =	task.clear_ibuf [dreg:s22], $0x6FFFF;
	_ =	strace $0x90000049  }
0xc2: {  	s29 =	simm.s32 $0xA;
	_ =	strace $0x8000004B  }
0xc3: {  	_ =	swait.ge [sflag:s29], $0x1  }
0xc4: {  	[sflag:s29] =	ssyncadd.s32 $0xFFFFFFFF  }
0xc5: {  	_ =	strace $0x9000004B  }
0xc6: {  	_ =	sfence  }
0xc7: {  	s30 =	sld [smem:$0x0];
	_ =	sdelay $0x2  }
0xc8: {  	s31 =	sshll.u32 s1, $0xD;
	s1 =	sshrl.u32 s1, $0x2  }
0xc9: {  	s4 =	sand.u32 $0x4000, s31;
	s1 =	sadd.s32 s1, s30  }
0xca: {  	s0 =	sor.u32 s4, s0;
	s1 =	sshll.u32 s1, $0x11  }
0xcb: {  	s0 =	sor.u32 s1, s0  }
0xcc: {  	s0 =	sadd.s32 $0x8F2B, s0  }
0xcd: {  	[sflag:s0] =	ssyncadd.remote.s32 $0x1  }
0xce: {  	_ =	sfence.sel $0xFFFF  }
0xcf: {  	[dreg:$0x0] =	wrdreg $0xFFFFFFFF;
	(pc) =	sbr.abs _section_cstart, $3  }
0xd0: {  	[dreg:$0x1] =	wrdreg $0xFFFFFFFF  }
0xd1: {  	_ =	task.clear_ibuf [dreg:s22], $0x2FFFF;
	_ =	strace $0x9FFFFFFF  }
0xd2: {  	(tm) =	ssettm $0x7FFFFFFF  }
0xd3: {  	_ =	shalt  }
tec
execute0_lowered:
.L_overlay_start_1:
0x0: {  	(tag) =	ssettag $0x1  }
0x1: {  	s5 =	rddreg [dreg:$0x0]  }
0x2: {  	s0 =	rddreg [dreg:$0x1];
	s1 =	srdreg.scid  }
0x3: {  	s2 =	rddreg [dreg:$0x2];
	s19 =	stileid.u32  }
0x4: {  	s3 =	simm.s32 $0x0;
	s16 =	simm.s32 $0x6600;
	s17 =	simm.s32 $0x6680  }
0x5: {  	s4 =	sand.u32 $0x1, s1;
	s1 =	rddreg [dreg:$0x3];
	s6 =	smul.u32 $0xB800, s19  }
0x6: {  	s18 =	simm.s32 $0x80;
	[smem:$0x7FF] =	sst s3;
	s10 =	smul.u32 $0x640, s19  }
0x7: {  	s12 =	sadd.s32 $0xB8000, s2;
	p0 =	sne.s32 s19, $0x0;
	s19 =	sshll.u32 s19, $0x6  }
0x8: {  	s13 =	smul.u32 $0xB8000, s4;
	_ =	strace $0x8000004A;
	s8 =	ssub.s32 $0x2, s4  }
0x9: {  	s4 =	sadd.s32 $0x6400, s5;
	s19 =	sor.u32 $0x1C01, s19;
	s9 =	sshrl.u32 s8, $0x1  }
0xa: {  	s7 =	sadd.s32 s6, s13;
	s15 =	ssub.s32 s8, s9;
	s20 =	sadd.s32 $0x170000, s13  }
0xb: {  	s6 =	sadd.s32 s6, s2;
	s21 =	sadd.s32 $0x228000, s13;
	s7 =	sshrl.u32 s7, $0x3  }
0xc: {  	s8 =	sadd.s32 $0x4000, s6;
	s9 =	sadd.s32 $0x6000, s6;
	s11 =	sadd.s32 $0xA000, s6  }
0xd: {  	v0 =	vmov s20;
	v1 =	vmov s21;
	s20 =	sshrl.u32 s6, $0x3;
	s21 =	simm.s32 $0x0;
	s14 =	sadd.s32 s7, s5  }
0xe: {  	s5 =	sadd.s32 s5, s10;
	s7 =	sadd.s32 $0x2000, s6;
	s10 =	sadd.s32 $0x8000, s6  }
0xf: {  	v2 =	vlaneseq.u32;
	s13 =	sadd.s32 $0x34800, s14;
	s14 =	smax.u32 s15, $0x1;
	s15 =	simm.s32 $0x1  }
.LBB2_1:
0x10: {  	[tilespmem:s3], [sflag:$0x1] =	stream.linear.gather [hbm4b:s5+s3], $0x3200, $0x38;
	[tilespmem:$0x13E88] =	vst v63  }
0x11: {  	_ =	swait.ge [sflag:s15], $0x3200  }
0x12: {  	[sflag:s15] =	ssyncset.done $0x0  }
0x13: {  	[sflag:s15] =	ssyncadd.s32 $0xFFFFCE00  }
0x14: {  	[tilespmem:s16], [sflag:$0x1] =	stream.linear.gather [hbm4b:s0+s3], $0x80, $0x38;
	[tilespmem:$0x13E88] =	vst v63  }
0x15: {  	_ =	swait.ge [sflag:s15], $0x80  }
0x16: {  	[sflag:s15] =	ssyncset.done $0x0  }
0x17: {  	[sflag:s15] =	ssyncadd.s32 $0xFFFFFF80  }
0x18: {  	[tilespmem:s17], [sflag:$0x1] =	stream.linear.gather [hbm4b:s4+s3], $0x2000, $0x38;
	[tilespmem:$0x13E88] =	vst v63  }
0x19: {  	_ =	swait.ge [sflag:s15], $0x2000  }
0x1a: {  	[sflag:s15] =	ssyncset.done $0x0  }
0x1b: {  	[sflag:s15] =	ssyncadd.s32 $0xFFFFE000  }
0x1c: {  	[spmem:s6] =	stream.linear.scatter [tilespmem:s17], [sflag:$0x1], $0x2000, $0x38;
	[tilespmem:$0x13E88] =	vst v63  }
0x1d: {  	_ =	swait.ge [sflag:s15], $0x2000  }
0x1e: {  	[sflag:s15] =	ssyncset.done $0x0  }
0x1f: {  	[sflag:s15] =	ssyncadd.s32 $0xFFFFE000  }
0x20: {  	[spmem:s7] =	stream.linear.scatter [tilespmem:s17], [sflag:$0x1], $0x2000, $0x38;
	[tilespmem:$0x13E88] =	vst v63  }
0x21: {  	_ =	swait.ge [sflag:s15], $0x2000  }
0x22: {  	[sflag:s15] =	ssyncset.done $0x0  }
0x23: {  	[sflag:s15] =	ssyncadd.s32 $0xFFFFE000  }
0x24: {  	[spmem:s8] =	stream.linear.scatter [tilespmem:s17], [sflag:$0x1], $0x2000, $0x38;
	[tilespmem:$0x13E88] =	vst v63  }
0x25: {  	_ =	swait.ge [sflag:s15], $0x2000  }
0x26: {  	[sflag:s15] =	ssyncset.done $0x0  }
0x27: {  	[sflag:s15] =	ssyncadd.s32 $0xFFFFE000  }
0x28: {  	[spmem:s9] =	stream.linear.scatter [tilespmem:s17], [sflag:$0x1], $0x2000, $0x38;
	[tilespmem:$0x13E88] =	vst v63  }
0x29: {  	_ =	swait.ge [sflag:s15], $0x2000  }
0x2a: {  	[sflag:s15] =	ssyncset.done $0x0  }
0x2b: {  	[sflag:s15] =	ssyncadd.s32 $0xFFFFE000  }
0x2c: {  	[spmem:s10] =	stream.linear.scatter [tilespmem:s17], [sflag:$0x1], $0x2000, $0x38;
	[tilespmem:$0x13E88] =	vst v63  }
0x2d: {  	_ =	swait.ge [sflag:s15], $0x2000  }
0x2e: {  	[sflag:s15] =	ssyncset.done $0x0  }
0x2f: {  	[sflag:s15] =	ssyncadd.s32 $0xFFFFE000  }
0x30: {  	[spmem:s11] =	stream.linear.scatter [tilespmem:s17], [sflag:$0x1], $0x1800, $0x38;
	[tilespmem:$0x13E88] =	vst v63  }
0x31: {  	_ =	swait.ge [sflag:s15], $0x1800  }
0x32: {  	[sflag:s15] =	ssyncset.done $0x0  }
0x33: {  	s22 =	simm.s32 @!p0 $0x6680;
	[sflag:s15] =	ssyncadd.s32 $0xFFFFE800  }
0x34: {  	[spmem:s12] =	stream.linear.scatter @!p0 [tilespmem:s22], [sflag:$0x1], $0x80, $0x38;
	[tilespmem:$0x13E88] =	vst v63  }
0x35: {  	s22 =	simm.s32 @!p0 $0x1  }
0x36: {  	_ =	swait.ge @!p0 [sflag:s22], $0x80  }
0x37: {  	[sflag:s22] =	ssyncset.done @!p0 $0x0  }
0x38: {  	s30 =	simm.s32 $0x0;
	[sflag:s22] =	ssyncadd.s32 @!p0 $0xFFFFFF80  }
0x39: {  	v3 =	vld [tilespmem:s30+$0x0];
	_ =	sdelay $0x3  }
0x3a: {  	v4 =	vor.u32 s3, v2  }
0x3b: {  	s31 =	sand.u32 $0xFE00, s3;
	v4 =	vand.u32 $0x7F, v4;
	vm0 =	vge.s32 v3, v0;
	vm1 =	vlt.s32 v3, v1  }
0x3c: {  	s23 =	sand.u32 $0x70, s3;
	s24 =	sshrl.u32 s31, $0x2;
	v4 =	vor.u32 $0xB8000, v4;
	v3 =	vsub.s32 v3, v0;
	vm0 =	vmand vm0, vm1  }
0x3d: {  	s25 =	simm.s32 $0x10;
	s23 =	sor.u32 s23, s24;
	v3 =	vsel vm0, v3, v4  }
0x3e: {  	s24 =	simm.s32 $0x80;
	s22 =	simm.s32 $0x40;
	[tilespmem:s23+$0x3200] =	vst v3;
	s23 =	simm.s32 $0x0  }
.LBB2_2:
0x3f: {  	p1 =	sne.s32 s24, $0xC7C0;
	v3 =	vld [tilespmem:s25+$0x0];
	_ =	sdelay $0x2  }
0x40: {  	s23 =	sadd.s32 $0x10, s23  }
.Ltmp0:
0x41: {  	v4 =	vor.u32 s23, v2;
	(pc) =	sbr.rel @p1 .LBB2_2-.Ltmp0, $4  }
0x42: {  	s25 =	sand.u32 $0xFE00, s22;
	s22 =	smov.u32 s24;
	v4 =	vand.u32 $0x7F, v4;
	vm0 =	vge.s32 v3, v0;
	vm1 =	vlt.s32 v3, v1  }
0x43: {  	s26 =	sand.u32 $0x70, s23;
	s25 =	sshrl.u32 s25, $0x2;
	v4 =	vor.u32 $0xB8000, v4;
	v3 =	vsub.s32 v3, v0;
	vm0 =	vmand vm0, vm1  }
0x44: {  	s26 =	sor.u32 s26, s25;
	v3 =	vsel vm0, v3, v4  }
0x45: {  	s24 =	sadd.s32 $0x40, s24;
	s25 =	sshra.s32 s22, $0x2;
	[tilespmem:s26+$0x3200] =	vst v3  }
0x46: {  	v3 =	vld [tilespmem:s25+$0x0];
	_ =	sdelay $0x2  }
0x47: {  	s23 =	sadd.s32 $0x10, s23  }
0x48: {  	v4 =	vor.u32 s23, v2  }
0x49: {  	s22 =	sand.u32 $0xFE00, s22;
	v4 =	vand.u32 $0x7F, v4;
	vm0 =	vge.s32 v3, v0;
	vm1 =	vlt.s32 v3, v1  }
0x4a: {  	s23 =	sand.u32 $0x70, s23;
	s22 =	sshrl.u32 s22, $0x2;
	v4 =	vor.u32 $0xB8000, v4;
	v3 =	vsub.s32 v3, v0;
	vm0 =	vmand vm0, vm1  }
0x4b: {  	s22 =	sor.u32 s23, s22;
	v3 =	vsel vm0, v3, v4  }
0x4c: {  	[tilespmem:s22+$0x3200] =	vst v3  }
0x4d: {  	s31 =	simm.s32 $0x3200;
	[bflag:$0x0] =	sbarrier.arrive $0xFFFF  }
0x4e: {  	[spmem:s2] =	stream.indirect.scatter.add.f32 [tilespmem:s16], [sflag:$0x1], $0x1, s31, s18, $0xb8;
	[tilespmem:$0x13E88] =	vst v63  }
0x4f: {  	s22 =	simm.s32 $0x200;
	_ =	swait.ge [sflag:s15], $0x80  }
.LBB2_4:
0x50: {  	s23 =	sshra.s32 s22, $0x2;
	[sflag:s15] =	ssyncset.done $0x0;
	p1 =	sne.s32 s22, $0xC600  }
.Ltmp1:
0x51: {  	s23 =	sadd.s32 $0x3200, s23;
	[sflag:s15] =	ssyncadd.s32 $0xFFFFFF80;
	(pc) =	sbr.rel @p1 .LBB2_4-.Ltmp1, $3  }
0x52: {  	[spmem:s2] =	stream.indirect.scatter.add.f32 [tilespmem:s16], [sflag:$0x1], $0x1, s23, s18, $0xb8;
	[tilespmem:$0x13E88] =	vst v63  }
0x53: {  	s22 =	sadd.s32 $0x200, s22;
	_ =	sdelay $0x1  }
0x54: {  	_ =	swait.ge [sflag:s15], $0x80  }
0x55: {  	[sflag:s15] =	ssyncset.done $0x0;
	s21 =	sadd.s32 $0x1, s21  }
0x56: {  	[sflag:s15] =	ssyncadd.s32 $0xFFFFFF80;
	p1 =	sne.s32 s21, s14  }
.Ltmp2:
0x57: {  	[bflag:$0x0] =	sbarrier.arrive $0xFFFF;
	(pc) =	sbr.rel @p1 .LBB2_1-.Ltmp2, $4  }
0x58: {  	[hbm:s13], [sflag:s19] =	dma.local [spmem:s20], $0x1700  }
0x59: {  	_ =	swait.ge [sflag:s15], $0x1700  }
0x5a: {  	[sflag:s15] =	ssyncset.done $0x0  }
0x5b: {  	[sflag:s15] =	ssyncadd.s32 $0xFFFFE900  }
0x5c: {  	_ =	sfence.sel $0x180000  }
0x5d: {  	[bflag:$0x0] =	sbarrier.arrive $0xFFFF  }
0x5e: {  	_ =	strace $0x9000004A  }
0x5f: {  	s0 =	sadd.s32 @!p0 $0x100000, s1;
	[bflag:$0x2] =	sbarrier.arrive $0xFFFF  }
0x60: {  	[sflag:s0] =	ssyncadd.tile.s32 @!p0 $0x1;
	_ =	shalt  }
.Lfunc_end2:
_tile_overlayer_lowered:
.L_overlay_start_2:
0x61: {  	(tag) =	ssettag $0x2  }
0x62: {  	s0 =	rddreg [dreg:$0x0];
	s2 =	stileid.u32  }
0x63: {  	s1 =	rddreg [dreg:$0x1];
	p0 =	sne.s32 s2, $0x0  }
0x64: {  	s3 =	rddreg [dreg:$0x2];
	[bflag:$0x3] =	sbarrier.arrive $0xFFFF;
	s2 =	simm.s32 @!p0 $0x1C01  }
0x65: {  	[timem:s3], [sflag:s2] =	dma.local @!p0 [hbm:s0], s1  }
0x66: {  	s0 =	simm.s32 @!p0 $0x1  }
0x67: {  	_ =	swait.ge @!p0 [sflag:s0], s1  }
0x68: {  	s1 =	ssub.s32 @!p0 $0x0, s1;
	[sflag:s0] =	ssyncset.done @!p0 $0x0  }
0x69: {  	[sflag:s0] =	ssyncadd.s32 @!p0 s1  }
0x6a: {  	[bflag:$0x3] =	sbarrier.arrive $0xFFFF  }
0x6b: {  	_ =	shalt  }

</sc_bundles>
